<compile_context>
chip_gen: v7x
topology: tpu7x:2x2x1
jax: 0.10.2.dev20260603
libtpu: 0.0.44.dev20260713+nightly
codegen_flags: <defaults>
</compile_context>

<pallas_src>
import functools
import math

import jax
import jax.numpy as jnp
from jax import lax
from jax.experimental import pallas as pl
from jax.experimental.pallas import tpu as pltpu
from jax.experimental.pallas import tpu_sc as plsc

EPS = 1e-5

_SC_CORES = 2
_SC_SUBCORES = 16
_NW = _SC_CORES * _SC_SUBCORES


def _layer_norm(x, g, b):
  mu = jnp.mean(x, axis=-1, keepdims=True)
  xc = x - mu
  var = jnp.mean(xc * xc, axis=-1, keepdims=True)
  return xc * lax.rsqrt(var + EPS) * g + b


def _sc_gather(x, idx):
  m = idx.shape[0]
  _, l, c = x.shape
  rows_per_w = m // _NW
  mesh = plsc.VectorSubcoreMesh(core_axis_name="c", subcore_axis_name="s")

  @functools.partial(
      pl.kernel,
      mesh=mesh,
      out_type=jax.ShapeDtypeStruct((m, l, c), jnp.float32),
      compiler_params=pltpu.CompilerParams(needs_layout_passes=False),
      scratch_types=[
          pltpu.VMEM((rows_per_w,), jnp.int32),
          pltpu.SemaphoreType.DMA,
      ],
  )
  def gather_kernel(x_hbm, idx_hbm, out_hbm, idx_v, sem):
    wid = lax.axis_index("s") * _SC_CORES + lax.axis_index("c")
    base = wid * rows_per_w
    pltpu.sync_copy(idx_hbm.at[pl.ds(base, rows_per_w)], idx_v)
    lanes = lax.iota(jnp.int32, 16)
    for g in range(rows_per_w // 16):
      vec = idx_v[pl.ds(g * 16, 16)]
      descs = []
      for j in range(16):
        w = jnp.sum(jnp.where(lanes == j, vec, 0), axis=0)
        i = g * 16 + j
        descs.append(
            pltpu.make_async_copy(x_hbm.at[w], out_hbm.at[base + i], sem))
      for d_ in descs:
        d_.start()
      for d_ in descs:
        d_.wait()

  return gather_kernel(x, idx)


def _ln_body(x_ref, g_ref, b_ref, o_ref):
  o_ref[...] = _layer_norm(x_ref[...], g_ref[...], b_ref[...])


def _ln_all(x, g, b):
  n, l, c = x.shape
  bw = 128
  grid = (n // bw,)
  return pl.pallas_call(
      _ln_body,
      grid=grid,
      in_specs=[
          pl.BlockSpec((bw, l, c), lambda i: (i, 0, 0)),
          pl.BlockSpec((1, 1, c), lambda i: (0, 0, 0)),
          pl.BlockSpec((1, 1, c), lambda i: (0, 0, 0)),
      ],
      out_specs=pl.BlockSpec((bw, l, c), lambda i: (i, 0, 0)),
      out_shape=jax.ShapeDtypeStruct((n, l, c), jnp.float32),
      compiler_params=pltpu.CompilerParams(
          dimension_semantics=("arbitrary",),
      ),
  )(x, g.reshape(1, 1, c), b.reshape(1, 1, c))


def _block_body(idx_sref, xs_ref, xin_ref, g1_ref, b1_ref, wqkv_ref, bqkv_ref,
                wp_ref, bp_ref, g2_ref, b2_ref, w1_ref, bf1_ref, w2_ref,
                bf2_ref, out_ref, y_scratch, sem, *, G, L, C):
  i = pl.program_id(0)
  dim_head = 32
  num_heads = C // dim_head
  scale = dim_head ** (-0.5)

  xs = xs_ref[...].reshape(G * L, C)
  h = _layer_norm(xs, g1_ref[...], b1_ref[...])
  shortcut = h
  qkv = jnp.dot(h, wqkv_ref[...], preferred_element_type=jnp.float32)
  qkv = qkv + bqkv_ref[...]

  outs = []
  for w in range(G):
    a = qkv[w * L:(w + 1) * L]
    heads = []
    for hd in range(num_heads):
      q = a[:, hd * 3 * dim_head:hd * 3 * dim_head + dim_head]
      k = a[:, hd * 3 * dim_head + dim_head:hd * 3 * dim_head + 2 * dim_head]
      v = a[:, hd * 3 * dim_head + 2 * dim_head:hd * 3 * dim_head + 3 * dim_head]
      s = lax.dot_general(q, k, (((1,), (1,)), ((), ())),
                          preferred_element_type=jnp.float32) * scale
      s = s - jnp.max(s, axis=-1, keepdims=True)
      e = jnp.exp(s)
      p = e / jnp.sum(e, axis=-1, keepdims=True)
      heads.append(jnp.dot(p, v, preferred_element_type=jnp.float32))
    outs.append(jnp.concatenate(heads, axis=1))
  attn = jnp.concatenate(outs, axis=0)

  y = jnp.dot(attn, wp_ref[...], preferred_element_type=jnp.float32)
  y = y + bp_ref[...] + shortcut
  h2 = _layer_norm(y, g2_ref[...], b2_ref[...])
  f = jnp.dot(h2, w1_ref[...], preferred_element_type=jnp.float32)
  f = f + bf1_ref[...]
  f = 0.5 * f * (1.0 + lax.erf(f * (1.0 / math.sqrt(2.0))))
  y = y + jnp.dot(f, w2_ref[...], preferred_element_type=jnp.float32)
  y = y + bf2_ref[...]
  y_scratch[...] = y.reshape(G, L, C)

  copies = []
  for w in range(G):
    widx = idx_sref[i * G + w]
    copies.append(
        pltpu.make_async_copy(y_scratch.at[w], out_ref.at[widx], sem))
  for cp in copies:
    cp.start()
  for cp in copies:
    cp.wait()


def _block_scatter(idx, xs, xln, g1, b1, wqkv, bqkv, wp, bp, g2, b2, w1, bf1,
                   w2, bf2):
  m, l, c = xs.shape
  n = xln.shape[0]
  g = 8
  grid = (m // g,)
  dff = w1.shape[1]
  body = functools.partial(_block_body, G=g, L=l, C=c)
  grid_spec = pltpu.PrefetchScalarGridSpec(
      num_scalar_prefetch=1,
      grid=grid,
      in_specs=[
          pl.BlockSpec((g, l, c), lambda i, idx_s: (i, 0, 0)),
          pl.BlockSpec(memory_space=pl.ANY),
          pl.BlockSpec((1, c), lambda i, idx_s: (0, 0)),
          pl.BlockSpec((1, c), lambda i, idx_s: (0, 0)),
          pl.BlockSpec((c, 3 * c), lambda i, idx_s: (0, 0)),
          pl.BlockSpec((1, 3 * c), lambda i, idx_s: (0, 0)),
          pl.BlockSpec((c, c), lambda i, idx_s: (0, 0)),
          pl.BlockSpec((1, c), lambda i, idx_s: (0, 0)),
          pl.BlockSpec((1, c), lambda i, idx_s: (0, 0)),
          pl.BlockSpec((1, c), lambda i, idx_s: (0, 0)),
          pl.BlockSpec((c, dff), lambda i, idx_s: (0, 0)),
          pl.BlockSpec((1, dff), lambda i, idx_s: (0, 0)),
          pl.BlockSpec((dff, c), lambda i, idx_s: (0, 0)),
          pl.BlockSpec((1, c), lambda i, idx_s: (0, 0)),
      ],
      out_specs=pl.BlockSpec(memory_space=pl.ANY),
      scratch_shapes=[
          pltpu.VMEM((g, l, c), jnp.float32),
          pltpu.SemaphoreType.DMA,
      ],
  )
  return pl.pallas_call(
      body,
      grid_spec=grid_spec,
      out_shape=jax.ShapeDtypeStruct((n, l, c), jnp.float32),
      input_output_aliases={2: 0},
      compiler_params=pltpu.CompilerParams(
          dimension_semantics=("arbitrary",),
      ),
  )(idx, xs, xln, g1.reshape(1, c), b1.reshape(1, c), wqkv,
    bqkv.reshape(1, 3 * c), wp, bp.reshape(1, c), g2.reshape(1, c),
    b2.reshape(1, c), w1, bf1.reshape(1, dff), w2, bf2.reshape(1, c))


def kernel(x, index, M, g1, b1, Wqkv, bqkv, Wp, bp, g2, b2, W1, bf1, W2, bf2):
  n, l, c = x.shape
  idx = index.astype(jnp.int32)
  xs = _sc_gather(x, idx)
  xln = _ln_all(x, g1, b1)
  return _block_scatter(idx, xs, xln, g1, b1, Wqkv, bqkv, Wp, bp, g2, b2,
                        W1, bf1, W2, bf2)

# --- scband reference (transcript-rebuilt; emitter-appended) ---
"""Pipeline reference for scband-window-sa-window-pruning-only-644245094965 (READ-ONLY COPY).

The authoritative reference and input builder live on the scoring server;
editing this copy changes nothing except your own understanding.
"""

import jax, jax.numpy as jnp
import numpy as np

EPS = 1e-5

def layer_norm(x, g, b):
    mu = jnp.mean(x, axis=-1, keepdims=True)
    var = jnp.var(x, axis=-1, keepdims=True)
    return (x - mu) / jnp.sqrt(var + EPS) * g + b

def setup_inputs(seed: int = 0) -> dict:
    key = jax.random.key(seed)
    ks = jax.random.split(key, 16)
    N, L, C = 8192, 64, 96
    M = 1024
    Dff = 4 * C
    s = 0.02
    x = jax.random.normal(ks[0], (N, L, C), dtype=jnp.float32)
    index = jax.random.randint(ks[1], (M,), 0, N, dtype=jnp.int64)
    return {
        'x': x,
        'index': index,
        'M': M,
        'g1': jnp.ones((C,), jnp.float32),
        'b1': jnp.zeros((C,), jnp.float32),
        'Wqkv': jax.random.normal(ks[2], (C, 3 * C), jnp.float32) * s,
        'bqkv': jax.random.normal(ks[3], (3 * C,), jnp.float32) * s,
        'Wp': jax.random.normal(ks[4], (C, C), jnp.float32) * s,
        'bp': jax.random.normal(ks[5], (C,), jnp.float32) * s,
        'g2': jnp.ones((C,), jnp.float32),
        'b2': jnp.zeros((C,), jnp.float32),
        'W1': jax.random.normal(ks[6], (C, Dff), jnp.float32) * s,
        'bf1': jax.random.normal(ks[7], (Dff,), jnp.float32) * s,
        'W2': jax.random.normal(ks[8], (Dff, C), jnp.float32) * s,
        'bf2': jax.random.normal(ks[9], (C,), jnp.float32) * s,
    }

def reference(x, index, M, g1, b1, Wqkv, bqkv, Wp, bp, g2, b2, W1, bf1, W2, bf2):
    N, C = x.shape[0], x.shape[-1]
    restore_shape = x.shape
    dim_head = 32
    num_heads = C // dim_head
    scale = dim_head ** (-0.5)
    M_static = index.shape[0]
    index = index + jnp.zeros((), index.dtype) * jnp.asarray(M, index.dtype)
    x = x.reshape(N, -1, C)
    x = layer_norm(x, g1, b1)
    X = x
    xs = x[index].reshape(M_static, -1, C)
    shortcut = xs
    qkv = xs @ Wqkv + bqkv
    qkv = qkv.reshape(M_static, -1, num_heads, dim_head * 3).transpose(0, 2, 1, 3)
    q, k, v = jnp.split(qkv, 3, axis=3)
    attn = (q @ jnp.swapaxes(k, -2, -1)) * scale
    attn = jax.nn.softmax(attn, axis=-1)
    out = (attn @ v).transpose(0, 2, 1, 3).reshape(M_static, -1, C)
    y = out @ Wp + bp
    # sub_layers: [Identity, Identity(residual), LayerNorm, Linear, GELU, Linear(residual)]
    y = y  # i=0 identity (drop_path)
    y = shortcut + y  # i=1 residual
    shortcut = y
    y = layer_norm(y, g2, b2)  # i=2
    y = y @ W1 + bf1  # i=3
    y = jax.nn.gelu(y, approximate=False)  # i=4
    y = shortcut + (y @ W2 + bf2)  # i=5 residual
    X = X.at[index].set(y.reshape(M_static, -1, C))
    return X.reshape(*restore_shape)

if __name__ == "__main__":
    import jax
    _d = setup_inputs()
    print(jax.jit(kernel)(*tuple(_d.values())))

</pallas_src>

<mosaic_0001>
#map = affine_map<(d0, d1) -> (0, 0, 0)>
#map1 = affine_map<(d0, d1) -> (0)>
module attributes {stable_mosaic.version = 14 : i64} {
  func.func @gather_kernel(%arg0: i32, %arg1: i32, %arg2: memref<8192x64x96xf32, #tpu.memory_space<hbm>>, %arg3: memref<1024xi32, #tpu.memory_space<hbm>>, %arg4: memref<1024x64x96xf32, #tpu.memory_space<hbm>>, %arg5: memref<32xi32, #tpu.memory_space<vmem>>, %arg6: memref<!tpu.dma_semaphore, #tpu.memory_space<semaphore_mem>>) attributes {dimension_semantics = [#tpu.dimension_semantics<core_parallel>, #tpu.dimension_semantics<subcore_parallel>], iteration_bounds = array<i64: 2, 16>, scalar_prefetch = 0 : i64, scratch_operands = 2 : i64, tpu.core_type = #tpu.core_type<sc_vector_subcore>, window_params = [{transform_indices = #map}, {transform_indices = #map1}, {transform_indices = #map}]} {
    %mul3A = arith.constant 2 : i32
    %mul3A_0 = arith.muli %arg1, %mul3A : i32
    %add3A = arith.addi %mul3A_0, %arg0 : i32
    %mul3A_1 = arith.constant 32 : i32
    %mul3A_2 = arith.muli %add3A, %mul3A_1 : i32
    "tpu.region"() ({
      %run_scoped3A = tpu.sem_alloc : memref<!tpu.dma_semaphore, #tpu.memory_space<semaphore_mem>>
      %dma_start3A_895 = tpu.memref_slice %arg3[%mul3A_2] : memref<1024xi32, #tpu.memory_space<hbm>> -> memref<32xi32, #tpu.memory_space<hbm>>
      %dma_start3A_896 = tpu.memref_slice %arg3[%mul3A_2] : memref<1024xi32, #tpu.memory_space<hbm>> -> memref<32xi32, #tpu.memory_space<hbm>>
      tpu.enqueue_dma source(%dma_start3A_896 : memref<32xi32, #tpu.memory_space<hbm>>) target(%arg5 : memref<32xi32, #tpu.memory_space<vmem>>) target_semaphore(%run_scoped3A : memref<!tpu.dma_semaphore, #tpu.memory_space<semaphore_mem>>)
      %dma_wait3A_897 = tpu.memref_slice %arg3[%mul3A_2] : memref<1024xi32, #tpu.memory_space<hbm>> -> memref<32xi32, #tpu.memory_space<hbm>>
      %dma_wait3A_898 = tpu.memref_slice %arg3[%mul3A_2] : memref<1024xi32, #tpu.memory_space<hbm>> -> memref<32xi32, #tpu.memory_space<hbm>>
      tpu.wait_dma2 semaphore(%run_scoped3A : memref<!tpu.dma_semaphore, #tpu.memory_space<semaphore_mem>>) src(%dma_wait3A_898 : memref<32xi32, #tpu.memory_space<hbm>>) dst(%arg5 : memref<32xi32, #tpu.memory_space<vmem>>)
      tpu.yield
    }) : () -> ()
    %iota3A = tpu.iota {dimensions = array<i32: 0>} : vector<16xi32>
    %get3A = arith.constant 0 : index
    %get3A_3 = tpu.vector_load %arg5[%get3A] {strides = array<i32>} : memref<32xi32, #tpu.memory_space<vmem>>, vector<16xi32>,
    %eq3A = arith.constant 0 : i32
    %eq3A_4 = vector.broadcast %eq3A : i32 to vector<16xi32>
    %eq3A_5 = arith.cmpi eq, %iota3A, %eq3A_4 : vector<16xi32>
    %jit3A = arith.constant 0 : i32
    %broadcast_in_dim3A = vector.broadcast %jit3A : i32 to vector<16xi32>
    %select_n3A = arith.select %eq3A_5, %get3A_3, %broadcast_in_dim3A : vector<16xi1>, vector<16xi32>
    %reduce_sum3A = arith.constant true
    %reduce_sum3A_6 = vector.broadcast %reduce_sum3A : i1 to vector<16xi1>
    %reduce_sum3A_7 = tpu.scan <sum>, %select_n3A masked %reduce_sum3A_6 : vector<16xi32>, vector<16xi1> -> vector<16xi32>
    %reduce_sum3A_8 = vector.extract %reduce_sum3A_7[15] : i32 from vector<16xi32>
    %add3A_9 = arith.constant 0 : i32
    %add3A_10 = arith.addi %mul3A_2, %add3A_9 : i32
    %eq3A_11 = arith.constant 1 : i32
    %eq3A_12 = vector.broadcast %eq3A_11 : i32 to vector<16xi32>
    %eq3A_13 = arith.cmpi eq, %iota3A, %eq3A_12 : vector<16xi32>
    %jit3A_14 = arith.constant 0 : i32
    %broadcast_in_dim3A_15 = vector.broadcast %jit3A_14 : i32 to vector<16xi32>
    %select_n3A_16 = arith.select %eq3A_13, %get3A_3, %broadcast_in_dim3A_15 : vector<16xi1>, vector<16xi32>
    %reduce_sum3A_17 = arith.constant true
    %reduce_sum3A_18 = vector.broadcast %reduce_sum3A_17 : i1 to vector<16xi1>
    %reduce_sum3A_19 = tpu.scan <sum>, %select_n3A_16 masked %reduce_sum3A_18 : vector<16xi32>, vector<16xi1> -> vector<16xi32>
    %reduce_sum3A_20 = vector.extract %reduce_sum3A_19[15] : i32 from vector<16xi32>
    %add3A_21 = arith.constant 1 : i32
    %add3A_22 = arith.addi %mul3A_2, %add3A_21 : i32
    %eq3A_23 = arith.constant 2 : i32
    %eq3A_24 = vector.broadcast %eq3A_23 : i32 to vector<16xi32>
    %eq3A_25 = arith.cmpi eq, %iota3A, %eq3A_24 : vector<16xi32>
    %jit3A_26 = arith.constant 0 : i32
    %broadcast_in_dim3A_27 = vector.broadcast %jit3A_26 : i32 to vector<16xi32>
    %select_n3A_28 = arith.select %eq3A_25, %get3A_3, %broadcast_in_dim3A_27 : vector<16xi1>, vector<16xi32>
    %reduce_sum3A_29 = arith.constant true
    %reduce_sum3A_30 = vector.broadcast %reduce_sum3A_29 : i1 to vector<16xi1>
    %reduce_sum3A_31 = tpu.scan <sum>, %select_n3A_28 masked %reduce_sum3A_30 : vector<16xi32>, vector<16xi1> -> vector<16xi32>
    %reduce_sum3A_32 = vector.extract %reduce_sum3A_31[15] : i32 from vector<16xi32>
    %add3A_33 = arith.constant 2 : i32
    %add3A_34 = arith.addi %mul3A_2, %add3A_33 : i32
    %eq3A_35 = arith.constant 3 : i32
    %eq3A_36 = vector.broadcast %eq3A_35 : i32 to vector<16xi32>
    %eq3A_37 = arith.cmpi eq, %iota3A, %eq3A_36 : vector<16xi32>
    %jit3A_38 = arith.constant 0 : i32
    %broadcast_in_dim3A_39 = vector.broadcast %jit3A_38 : i32 to vector<16xi32>
    %select_n3A_40 = arith.select %eq3A_37, %get3A_3, %broadcast_in_dim3A_39 : vector<16xi1>, vector<16xi32>
    %reduce_sum3A_41 = arith.constant true
    %reduce_sum3A_42 = vector.broadcast %reduce_sum3A_41 : i1 to vector<16xi1>
    %reduce_sum3A_43 = tpu.scan <sum>, %select_n3A_40 masked %reduce_sum3A_42 : vector<16xi32>, vector<16xi1> -> vector<16xi32>
    %reduce_sum3A_44 = vector.extract %reduce_sum3A_43[15] : i32 from vector<16xi32>
    %add3A_45 = arith.constant 3 : i32
    %add3A_46 = arith.addi %mul3A_2, %add3A_45 : i32
    %eq3A_47 = arith.constant 4 : i32
    %eq3A_48 = vector.broadcast %eq3A_47 : i32 to vector<16xi32>
    %eq3A_49 = arith.cmpi eq, %iota3A, %eq3A_48 : vector<16xi32>
    %jit3A_50 = arith.constant 0 : i32
    %broadcast_in_dim3A_51 = vector.broadcast %jit3A_50 : i32 to vector<16xi32>
    %select_n3A_52 = arith.select %eq3A_49, %get3A_3, %broadcast_in_dim3A_51 : vector<16xi1>, vector<16xi32>
    %reduce_sum3A_53 = arith.constant true
    %reduce_sum3A_54 = vector.broadcast %reduce_sum3A_53 : i1 to vector<16xi1>
    %reduce_sum3A_55 = tpu.scan <sum>, %select_n3A_52 masked %reduce_sum3A_54 : vector<16xi32>, vector<16xi1> -> vector<16xi32>
    %reduce_sum3A_56 = vector.extract %reduce_sum3A_55[15] : i32 from vector<16xi32>
    %add3A_57 = arith.constant 4 : i32
    %add3A_58 = arith.addi %mul3A_2, %add3A_57 : i32
    %eq3A_59 = arith.constant 5 : i32
    %eq3A_60 = vector.broadcast %eq3A_59 : i32 to vector<16xi32>
    %eq3A_61 = arith.cmpi eq, %iota3A, %eq3A_60 : vector<16xi32>
    %jit3A_62 = arith.constant 0 : i32
    %broadcast_in_dim3A_63 = vector.broadcast %jit3A_62 : i32 to vector<16xi32>
    %select_n3A_64 = arith.select %eq3A_61, %get3A_3, %broadcast_in_dim3A_63 : vector<16xi1>, vector<16xi32>
    %reduce_sum3A_65 = arith.constant true
    %reduce_sum3A_66 = vector.broadcast %reduce_sum3A_65 : i1 to vector<16xi1>
    %reduce_sum3A_67 = tpu.scan <sum>, %select_n3A_64 masked %reduce_sum3A_66 : vector<16xi32>, vector<16xi1> -> vector<16xi32>
    %reduce_sum3A_68 = vector.extract %reduce_sum3A_67[15] : i32 from vector<16xi32>
    %add3A_69 = arith.constant 5 : i32
    %add3A_70 = arith.addi %mul3A_2, %add3A_69 : i32
    %eq3A_71 = arith.constant 6 : i32
    %eq3A_72 = vector.broadcast %eq3A_71 : i32 to vector<16xi32>
    %eq3A_73 = arith.cmpi eq, %iota3A, %eq3A_72 : vector<16xi32>
    %jit3A_74 = arith.constant 0 : i32
    %broadcast_in_dim3A_75 = vector.broadcast %jit3A_74 : i32 to vector<16xi32>
    %select_n3A_76 = arith.select %eq3A_73, %get3A_3, %broadcast_in_dim3A_75 : vector<16xi1>, vector<16xi32>
    %reduce_sum3A_77 = arith.constant true
    %reduce_sum3A_78 = vector.broadcast %reduce_sum3A_77 : i1 to vector<16xi1>
    %reduce_sum3A_79 = tpu.scan <sum>, %select_n3A_76 masked %reduce_sum3A_78 : vector<16xi32>, vector<16xi1> -> vector<16xi32>
    %reduce_sum3A_80 = vector.extract %reduce_sum3A_79[15] : i32 from vector<16xi32>
    %add3A_81 = arith.constant 6 : i32
    %add3A_82 = arith.addi %mul3A_2, %add3A_81 : i32
    %eq3A_83 = arith.constant 7 : i32
    %eq3A_84 = vector.broadcast %eq3A_83 : i32 to vector<16xi32>
    %eq3A_85 = arith.cmpi eq, %iota3A, %eq3A_84 : vector<16xi32>
    %jit3A_86 = arith.constant 0 : i32
    %broadcast_in_dim3A_87 = vector.broadcast %jit3A_86 : i32 to vector<16xi32>
    %select_n3A_88 = arith.select %eq3A_85, %get3A_3, %broadcast_in_dim3A_87 : vector<16xi1>, vector<16xi32>
    %reduce_sum3A_89 = arith.constant true
    %reduce_sum3A_90 = vector.broadcast %reduce_sum3A_89 : i1 to vector<16xi1>
    %reduce_sum3A_91 = tpu.scan <sum>, %select_n3A_88 masked %reduce_sum3A_90 : vector<16xi32>, vector<16xi1> -> vector<16xi32>
    %reduce_sum3A_92 = vector.extract %reduce_sum3A_91[15] : i32 from vector<16xi32>
    %add3A_93 = arith.constant 7 : i32
    %add3A_94 = arith.addi %mul3A_2, %add3A_93 : i32
    %eq3A_95 = arith.constant 8 : i32
    %eq3A_96 = vector.broadcast %eq3A_95 : i32 to vector<16xi32>
    %eq3A_97 = arith.cmpi eq, %iota3A, %eq3A_96 : vector<16xi32>
    %jit3A_98 = arith.constant 0 : i32
    %broadcast_in_dim3A_99 = vector.broadcast %jit3A_98 : i32 to vector<16xi32>
    %select_n3A_100 = arith.select %eq3A_97, %get3A_3, %broadcast_in_dim3A_99 : vector<16xi1>, vector<16xi32>
    %reduce_sum3A_101 = arith.constant true
    %reduce_sum3A_102 = vector.broadcast %reduce_sum3A_101 : i1 to vector<16xi1>
    %reduce_sum3A_103 = tpu.scan <sum>, %select_n3A_100 masked %reduce_sum3A_102 : vector<16xi32>, vector<16xi1> -> vector<16xi32>
    %reduce_sum3A_104 = vector.extract %reduce_sum3A_103[15] : i32 from vector<16xi32>
    %add3A_105 = arith.constant 8 : i32
    %add3A_106 = arith.addi %mul3A_2, %add3A_105 : i32
    %eq3A_107 = arith.constant 9 : i32
    %eq3A_108 = vector.broadcast %eq3A_107 : i32 to vector<16xi32>
    %eq3A_109 = arith.cmpi eq, %iota3A, %eq3A_108 : vector<16xi32>
    %jit3A_110 = arith.constant 0 : i32
    %broadcast_in_dim3A_111 = vector.broadcast %jit3A_110 : i32 to vector<16xi32>
    %select_n3A_112 = arith.select %eq3A_109, %get3A_3, %broadcast_in_dim3A_111 : vector<16xi1>, vector<16xi32>
    %reduce_sum3A_113 = arith.constant true
    %reduce_sum3A_114 = vector.broadcast %reduce_sum3A_113 : i1 to vector<16xi1>
    %reduce_sum3A_115 = tpu.scan <sum>, %select_n3A_112 masked %reduce_sum3A_114 : vector<16xi32>, vector<16xi1> -> vector<16xi32>
    %reduce_sum3A_116 = vector.extract %reduce_sum3A_115[15] : i32 from vector<16xi32>
    %add3A_117 = arith.constant 9 : i32
    %add3A_118 = arith.addi %mul3A_2, %add3A_117 : i32
    %eq3A_119 = arith.constant 10 : i32
    %eq3A_120 = vector.broadcast %eq3A_119 : i32 to vector<16xi32>
    %eq3A_121 = arith.cmpi eq, %iota3A, %eq3A_120 : vector<16xi32>
    %jit3A_122 = arith.constant 0 : i32
    %broadcast_in_dim3A_123 = vector.broadcast %jit3A_122 : i32 to vector<16xi32>
    %select_n3A_124 = arith.select %eq3A_121, %get3A_3, %broadcast_in_dim3A_123 : vector<16xi1>, vector<16xi32>
    %reduce_sum3A_125 = arith.constant true
    %reduce_sum3A_126 = vector.broadcast %reduce_sum3A_125 : i1 to vector<16xi1>
    %reduce_sum3A_127 = tpu.scan <sum>, %select_n3A_124 masked %reduce_sum3A_126 : vector<16xi32>, vector<16xi1> -> vector<16xi32>
    %reduce_sum3A_128 = vector.extract %reduce_sum3A_127[15] : i32 from vector<16xi32>
    %add3A_129 = arith.constant 10 : i32
    %add3A_130 = arith.addi %mul3A_2, %add3A_129 : i32
    %eq3A_131 = arith.constant 11 : i32
    %eq3A_132 = vector.broadcast %eq3A_131 : i32 to vector<16xi32>
    %eq3A_133 = arith.cmpi eq, %iota3A, %eq3A_132 : vector<16xi32>
    %jit3A_134 = arith.constant 0 : i32
    %broadcast_in_dim3A_135 = vector.broadcast %jit3A_134 : i32 to vector<16xi32>
    %select_n3A_136 = arith.select %eq3A_133, %get3A_3, %broadcast_in_dim3A_135 : vector<16xi1>, vector<16xi32>
    %reduce_sum3A_137 = arith.constant true
    %reduce_sum3A_138 = vector.broadcast %reduce_sum3A_137 : i1 to vector<16xi1>
    %reduce_sum3A_139 = tpu.scan <sum>, %select_n3A_136 masked %reduce_sum3A_138 : vector<16xi32>, vector<16xi1> -> vector<16xi32>
    %reduce_sum3A_140 = vector.extract %reduce_sum3A_139[15] : i32 from vector<16xi32>
    %add3A_141 = arith.constant 11 : i32
    %add3A_142 = arith.addi %mul3A_2, %add3A_141 : i32
    %eq3A_143 = arith.constant 12 : i32
    %eq3A_144 = vector.broadcast %eq3A_143 : i32 to vector<16xi32>
    %eq3A_145 = arith.cmpi eq, %iota3A, %eq3A_144 : vector<16xi32>
    %jit3A_146 = arith.constant 0 : i32
    %broadcast_in_dim3A_147 = vector.broadcast %jit3A_146 : i32 to vector<16xi32>
    %select_n3A_148 = arith.select %eq3A_145, %get3A_3, %broadcast_in_dim3A_147 : vector<16xi1>, vector<16xi32>
    %reduce_sum3A_149 = arith.constant true
    %reduce_sum3A_150 = vector.broadcast %reduce_sum3A_149 : i1 to vector<16xi1>
    %reduce_sum3A_151 = tpu.scan <sum>, %select_n3A_148 masked %reduce_sum3A_150 : vector<16xi32>, vector<16xi1> -> vector<16xi32>
    %reduce_sum3A_152 = vector.extract %reduce_sum3A_151[15] : i32 from vector<16xi32>
    %add3A_153 = arith.constant 12 : i32
    %add3A_154 = arith.addi %mul3A_2, %add3A_153 : i32
    %eq3A_155 = arith.constant 13 : i32
    %eq3A_156 = vector.broadcast %eq3A_155 : i32 to vector<16xi32>
    %eq3A_157 = arith.cmpi eq, %iota3A, %eq3A_156 : vector<16xi32>
    %jit3A_158 = arith.constant 0 : i32
    %broadcast_in_dim3A_159 = vector.broadcast %jit3A_158 : i32 to vector<16xi32>
    %select_n3A_160 = arith.select %eq3A_157, %get3A_3, %broadcast_in_dim3A_159 : vector<16xi1>, vector<16xi32>
    %reduce_sum3A_161 = arith.constant true
    %reduce_sum3A_162 = vector.broadcast %reduce_sum3A_161 : i1 to vector<16xi1>
    %reduce_sum3A_163 = tpu.scan <sum>, %select_n3A_160 masked %reduce_sum3A_162 : vector<16xi32>, vector<16xi1> -> vector<16xi32>
    %reduce_sum3A_164 = vector.extract %reduce_sum3A_163[15] : i32 from vector<16xi32>
    %add3A_165 = arith.constant 13 : i32
    %add3A_166 = arith.addi %mul3A_2, %add3A_165 : i32
    %eq3A_167 = arith.constant 14 : i32
    %eq3A_168 = vector.broadcast %eq3A_167 : i32 to vector<16xi32>
    %eq3A_169 = arith.cmpi eq, %iota3A, %eq3A_168 : vector<16xi32>
    %jit3A_170 = arith.constant 0 : i32
    %broadcast_in_dim3A_171 = vector.broadcast %jit3A_170 : i32 to vector<16xi32>
    %select_n3A_172 = arith.select %eq3A_169, %get3A_3, %broadcast_in_dim3A_171 : vector<16xi1>, vector<16xi32>
    %reduce_sum3A_173 = arith.constant true
    %reduce_sum3A_174 = vector.broadcast %reduce_sum3A_173 : i1 to vector<16xi1>
    %reduce_sum3A_175 = tpu.scan <sum>, %select_n3A_172 masked %reduce_sum3A_174 : vector<16xi32>, vector<16xi1> -> vector<16xi32>
    %reduce_sum3A_176 = vector.extract %reduce_sum3A_175[15] : i32 from vector<16xi32>
    %add3A_177 = arith.constant 14 : i32
    %add3A_178 = arith.addi %mul3A_2, %add3A_177 : i32
    %eq3A_179 = arith.constant 15 : i32
    %eq3A_180 = vector.broadcast %eq3A_179 : i32 to vector<16xi32>
    %eq3A_181 = arith.cmpi eq, %iota3A, %eq3A_180 : vector<16xi32>
    %jit3A_182 = arith.constant 0 : i32
    %broadcast_in_dim3A_183 = vector.broadcast %jit3A_182 : i32 to vector<16xi32>
    %select_n3A_184 = arith.select %eq3A_181, %get3A_3, %broadcast_in_dim3A_183 : vector<16xi1>, vector<16xi32>
    %reduce_sum3A_185 = arith.constant true
    %reduce_sum3A_186 = vector.broadcast %reduce_sum3A_185 : i1 to vector<16xi1>
    %reduce_sum3A_187 = tpu.scan <sum>, %select_n3A_184 masked %reduce_sum3A_186 : vector<16xi32>, vector<16xi1> -> vector<16xi32>
    %reduce_sum3A_188 = vector.extract %reduce_sum3A_187[15] : i32 from vector<16xi32>
    %add3A_189 = arith.constant 15 : i32
    %add3A_190 = arith.addi %mul3A_2, %add3A_189 : i32
    %dma_start3A = arith.constant 0 : i32
    %dma_start3A_191 = arith.constant 0 : i32
    %dma_start3A_192 = tpu.memref_slice %arg4[%add3A_10, %dma_start3A, %dma_start3A_191] : memref<1024x64x96xf32, #tpu.memory_space<hbm>> -> memref<1x64x96xf32, #tpu.memory_space<hbm>>
    %dma_start3A_193 = tpu.memref_squeeze %dma_start3A_192 : memref<1x64x96xf32, #tpu.memory_space<hbm>> -> memref<64x96xf32, #tpu.memory_space<hbm>>
    %dma_start3A_194 = arith.constant 0 : i32
    %dma_start3A_195 = arith.constant 0 : i32
    %dma_start3A_196 = tpu.memref_slice %arg2[%reduce_sum3A_8, %dma_start3A_194, %dma_start3A_195] : memref<8192x64x96xf32, #tpu.memory_space<hbm>> -> memref<1x64x96xf32, #tpu.memory_space<hbm>>
    %dma_start3A_197 = tpu.memref_squeeze %dma_start3A_196 : memref<1x64x96xf32, #tpu.memory_space<hbm>> -> memref<64x96xf32, #tpu.memory_space<hbm>>
    tpu.enqueue_dma source(%dma_start3A_197 : memref<64x96xf32, #tpu.memory_space<hbm>>) target(%dma_start3A_193 : memref<64x96xf32, #tpu.memory_space<hbm>>) target_semaphore(%arg6 : memref<!tpu.dma_semaphore, #tpu.memory_space<semaphore_mem>>)
    %dma_start3A_198 = arith.constant 0 : i32
    %dma_start3A_199 = arith.constant 0 : i32
    %dma_start3A_200 = tpu.memref_slice %arg4[%add3A_22, %dma_start3A_198, %dma_start3A_199] : memref<1024x64x96xf32, #tpu.memory_space<hbm>> -> memref<1x64x96xf32, #tpu.memory_space<hbm>>
    %dma_start3A_201 = tpu.memref_squeeze %dma_start3A_200 : memref<1x64x96xf32, #tpu.memory_space<hbm>> -> memref<64x96xf32, #tpu.memory_space<hbm>>
    %dma_start3A_202 = arith.constant 0 : i32
    %dma_start3A_203 = arith.constant 0 : i32
    %dma_start3A_204 = tpu.memref_slice %arg2[%reduce_sum3A_20, %dma_start3A_202, %dma_start3A_203] : memref<8192x64x96xf32, #tpu.memory_space<hbm>> -> memref<1x64x96xf32, #tpu.memory_space<hbm>>
    %dma_start3A_205 = tpu.memref_squeeze %dma_start3A_204 : memref<1x64x96xf32, #tpu.memory_space<hbm>> -> memref<64x96xf32, #tpu.memory_space<hbm>>
    tpu.enqueue_dma source(%dma_start3A_205 : memref<64x96xf32, #tpu.memory_space<hbm>>) target(%dma_start3A_201 : memref<64x96xf32, #tpu.memory_space<hbm>>) target_semaphore(%arg6 : memref<!tpu.dma_semaphore, #tpu.memory_space<semaphore_mem>>)
    %dma_start3A_206 = arith.constant 0 : i32
    %dma_start3A_207 = arith.constant 0 : i32
    %dma_start3A_208 = tpu.memref_slice %arg4[%add3A_34, %dma_start3A_206, %dma_start3A_207] : memref<1024x64x96xf32, #tpu.memory_space<hbm>> -> memref<1x64x96xf32, #tpu.memory_space<hbm>>
    %dma_start3A_209 = tpu.memref_squeeze %dma_start3A_208 : memref<1x64x96xf32, #tpu.memory_space<hbm>> -> memref<64x96xf32, #tpu.memory_space<hbm>>
    %dma_start3A_210 = arith.constant 0 : i32
    %dma_start3A_211 = arith.constant 0 : i32
    %dma_start3A_212 = tpu.memref_slice %arg2[%reduce_sum3A_32, %dma_start3A_210, %dma_start3A_211] : memref<8192x64x96xf32, #tpu.memory_space<hbm>> -> memref<1x64x96xf32, #tpu.memory_space<hbm>>
    %dma_start3A_213 = tpu.memref_squeeze %dma_start3A_212 : memref<1x64x96xf32, #tpu.memory_space<hbm>> -> memref<64x96xf32, #tpu.memory_space<hbm>>
    tpu.enqueue_dma source(%dma_start3A_213 : memref<64x96xf32, #tpu.memory_space<hbm>>) target(%dma_start3A_209 : memref<64x96xf32, #tpu.memory_space<hbm>>) target_semaphore(%arg6 : memref<!tpu.dma_semaphore, #tpu.memory_space<semaphore_mem>>)
    %dma_start3A_214 = arith.constant 0 : i32
    %dma_start3A_215 = arith.constant 0 : i32
    %dma_start3A_216 = tpu.memref_slice %arg4[%add3A_46, %dma_start3A_214, %dma_start3A_215] : memref<1024x64x96xf32, #tpu.memory_space<hbm>> -> memref<1x64x96xf32, #tpu.memory_space<hbm>>
    %dma_start3A_217 = tpu.memref_squeeze %dma_start3A_216 : memref<1x64x96xf32, #tpu.memory_space<hbm>> -> memref<64x96xf32, #tpu.memory_space<hbm>>
    %dma_start3A_218 = arith.constant 0 : i32
    %dma_start3A_219 = arith.constant 0 : i32
    %dma_start3A_220 = tpu.memref_slice %arg2[%reduce_sum3A_44, %dma_start3A_218, %dma_start3A_219] : memref<8192x64x96xf32, #tpu.memory_space<hbm>> -> memref<1x64x96xf32, #tpu.memory_space<hbm>>
    %dma_start3A_221 = tpu.memref_squeeze %dma_start3A_220 : memref<1x64x96xf32, #tpu.memory_space<hbm>> -> memref<64x96xf32, #tpu.memory_space<hbm>>
    tpu.enqueue_dma source(%dma_start3A_221 : memref<64x96xf32, #tpu.memory_space<hbm>>) target(%dma_start3A_217 : memref<64x96xf32, #tpu.memory_space<hbm>>) target_semaphore(%arg6 : memref<!tpu.dma_semaphore, #tpu.memory_space<semaphore_mem>>)
    %dma_start3A_222 = arith.constant 0 : i32
    %dma_start3A_223 = arith.constant 0 : i32
    %dma_start3A_224 = tpu.memref_slice %arg4[%add3A_58, %dma_start3A_222, %dma_start3A_223] : memref<1024x64x96xf32, #tpu.memory_space<hbm>> -> memref<1x64x96xf32, #tpu.memory_space<hbm>>
    %dma_start3A_225 = tpu.memref_squeeze %dma_start3A_224 : memref<1x64x96xf32, #tpu.memory_space<hbm>> -> memref<64x96xf32, #tpu.memory_space<hbm>>
    %dma_start3A_226 = arith.constant 0 : i32
    %dma_start3A_227 = arith.constant 0 : i32
    %dma_start3A_228 = tpu.memref_slice %arg2[%reduce_sum3A_56, %dma_start3A_226, %dma_start3A_227] : memref<8192x64x96xf32, #tpu.memory_space<hbm>> -> memref<1x64x96xf32, #tpu.memory_space<hbm>>
    %dma_start3A_229 = tpu.memref_squeeze %dma_start3A_228 : memref<1x64x96xf32, #tpu.memory_space<hbm>> -> memref<64x96xf32, #tpu.memory_space<hbm>>
    tpu.enqueue_dma source(%dma_start3A_229 : memref<64x96xf32, #tpu.memory_space<hbm>>) target(%dma_start3A_225 : memref<64x96xf32, #tpu.memory_space<hbm>>) target_semaphore(%arg6 : memref<!tpu.dma_semaphore, #tpu.memory_space<semaphore_mem>>)
    %dma_start3A_230 = arith.constant 0 : i32
    %dma_start3A_231 = arith.constant 0 : i32
    %dma_start3A_232 = tpu.memref_slice %arg4[%add3A_70, %dma_start3A_230, %dma_start3A_231] : memref<1024x64x96xf32, #tpu.memory_space<hbm>> -> memref<1x64x96xf32, #tpu.memory_space<hbm>>
    %dma_start3A_233 = tpu.memref_squeeze %dma_start3A_232 : memref<1x64x96xf32, #tpu.memory_space<hbm>> -> memref<64x96xf32, #tpu.memory_space<hbm>>
    %dma_start3A_234 = arith.constant 0 : i32
    %dma_start3A_235 = arith.constant 0 : i32
    %dma_start3A_236 = tpu.memref_slice %arg2[%reduce_sum3A_68, %dma_start3A_234, %dma_start3A_235] : memref<8192x64x96xf32, #tpu.memory_space<hbm>> -> memref<1x64x96xf32, #tpu.memory_space<hbm>>
    %dma_start3A_237 = tpu.memref_squeeze %dma_start3A_236 : memref<1x64x96xf32, #tpu.memory_space<hbm>> -> memref<64x96xf32, #tpu.memory_space<hbm>>
    tpu.enqueue_dma source(%dma_start3A_237 : memref<64x96xf32, #tpu.memory_space<hbm>>) target(%dma_start3A_233 : memref<64x96xf32, #tpu.memory_space<hbm>>) target_semaphore(%arg6 : memref<!tpu.dma_semaphore, #tpu.memory_space<semaphore_mem>>)
    %dma_start3A_238 = arith.constant 0 : i32
    %dma_start3A_239 = arith.constant 0 : i32
    %dma_start3A_240 = tpu.memref_slice %arg4[%add3A_82, %dma_start3A_238, %dma_start3A_239] : memref<1024x64x96xf32, #tpu.memory_space<hbm>> -> memref<1x64x96xf32, #tpu.memory_space<hbm>>
    %dma_start3A_241 = tpu.memref_squeeze %dma_start3A_240 : memref<1x64x96xf32, #tpu.memory_space<hbm>> -> memref<64x96xf32, #tpu.memory_space<hbm>>
    %dma_start3A_242 = arith.constant 0 : i32
    %dma_start3A_243 = arith.constant 0 : i32
    %dma_start3A_244 = tpu.memref_slice %arg2[%reduce_sum3A_80, %dma_start3A_242, %dma_start3A_243] : memref<8192x64x96xf32, #tpu.memory_space<hbm>> -> memref<1x64x96xf32, #tpu.memory_space<hbm>>
    %dma_start3A_245 = tpu.memref_squeeze %dma_start3A_244 : memref<1x64x96xf32, #tpu.memory_space<hbm>> -> memref<64x96xf32, #tpu.memory_space<hbm>>
    tpu.enqueue_dma source(%dma_start3A_245 : memref<64x96xf32, #tpu.memory_space<hbm>>) target(%dma_start3A_241 : memref<64x96xf32, #tpu.memory_space<hbm>>) target_semaphore(%arg6 : memref<!tpu.dma_semaphore, #tpu.memory_space<semaphore_mem>>)
    %dma_start3A_246 = arith.constant 0 : i32
    %dma_start3A_247 = arith.constant 0 : i32
    %dma_start3A_248 = tpu.memref_slice %arg4[%add3A_94, %dma_start3A_246, %dma_start3A_247] : memref<1024x64x96xf32, #tpu.memory_space<hbm>> -> memref<1x64x96xf32, #tpu.memory_space<hbm>>
    %dma_start3A_249 = tpu.memref_squeeze %dma_start3A_248 : memref<1x64x96xf32, #tpu.memory_space<hbm>> -> memref<64x96xf32, #tpu.memory_space<hbm>>
    %dma_start3A_250 = arith.constant 0 : i32
    %dma_start3A_251 = arith.constant 0 : i32
    %dma_start3A_252 = tpu.memref_slice %arg2[%reduce_sum3A_92, %dma_start3A_250, %dma_start3A_251] : memref<8192x64x96xf32, #tpu.memory_space<hbm>> -> memref<1x64x96xf32, #tpu.memory_space<hbm>>
    %dma_start3A_253 = tpu.memref_squeeze %dma_start3A_252 : memref<1x64x96xf32, #tpu.memory_space<hbm>> -> memref<64x96xf32, #tpu.memory_space<hbm>>
    tpu.enqueue_dma source(%dma_start3A_253 : memref<64x96xf32, #tpu.memory_space<hbm>>) target(%dma_start3A_249 : memref<64x96xf32, #tpu.memory_space<hbm>>) target_semaphore(%arg6 : memref<!tpu.dma_semaphore, #tpu.memory_space<semaphore_mem>>)
    %dma_start3A_254 = arith.constant 0 : i32
    %dma_start3A_255 = arith.constant 0 : i32
    %dma_start3A_256 = tpu.memref_slice %arg4[%add3A_106, %dma_start3A_254, %dma_start3A_255] : memref<1024x64x96xf32, #tpu.memory_space<hbm>> -> memref<1x64x96xf32, #tpu.memory_space<hbm>>
    %dma_start3A_257 = tpu.memref_squeeze %dma_start3A_256 : memref<1x64x96xf32, #tpu.memory_space<hbm>> -> memref<64x96xf32, #tpu.memory_space<hbm>>
    %dma_start3A_258 = arith.constant 0 : i32
    %dma_start3A_259 = arith.constant 0 : i32
    %dma_start3A_260 = tpu.memref_slice %arg2[%reduce_sum3A_104, %dma_start3A_258, %dma_start3A_259] : memref<8192x64x96xf32, #tpu.memory_space<hbm>> -> memref<1x64x96xf32, #tpu.memory_space<hbm>>
    %dma_start3A_261 = tpu.memref_squeeze %dma_start3A_260 : memref<1x64x96xf32, #tpu.memory_space<hbm>> -> memref<64x96xf32, #tpu.memory_space<hbm>>
    tpu.enqueue_dma source(%dma_start3A_261 : memref<64x96xf32, #tpu.memory_space<hbm>>) target(%dma_start3A_257 : memref<64x96xf32, #tpu.memory_space<hbm>>) target_semaphore(%arg6 : memref<!tpu.dma_semaphore, #tpu.memory_space<semaphore_mem>>)
    %dma_start3A_262 = arith.constant 0 : i32
    %dma_start3A_263 = arith.constant 0 : i32
    %dma_start3A_264 = tpu.memref_slice %arg4[%add3A_118, %dma_start3A_262, %dma_start3A_263] : memref<1024x64x96xf32, #tpu.memory_space<hbm>> -> memref<1x64x96xf32, #tpu.memory_space<hbm>>
    %dma_start3A_265 = tpu.memref_squeeze %dma_start3A_264 : memref<1x64x96xf32, #tpu.memory_space<hbm>> -> memref<64x96xf32, #tpu.memory_space<hbm>>
    %dma_start3A_266 = arith.constant 0 : i32
    %dma_start3A_267 = arith.constant 0 : i32
    %dma_start3A_268 = tpu.memref_slice %arg2[%reduce_sum3A_116, %dma_start3A_266, %dma_start3A_267] : memref<8192x64x96xf32, #tpu.memory_space<hbm>> -> memref<1x64x96xf32, #tpu.memory_space<hbm>>
    %dma_start3A_269 = tpu.memref_squeeze %dma_start3A_268 : memref<1x64x96xf32, #tpu.memory_space<hbm>> -> memref<64x96xf32, #tpu.memory_space<hbm>>
    tpu.enqueue_dma source(%dma_start3A_269 : memref<64x96xf32, #tpu.memory_space<hbm>>) target(%dma_start3A_265 : memref<64x96xf32, #tpu.memory_space<hbm>>) target_semaphore(%arg6 : memref<!tpu.dma_semaphore, #tpu.memory_space<semaphore_mem>>)
    %dma_start3A_270 = arith.constant 0 : i32
    %dma_start3A_271 = arith.constant 0 : i32
    %dma_start3A_272 = tpu.memref_slice %arg4[%add3A_130, %dma_start3A_270, %dma_start3A_271] : memref<1024x64x96xf32, #tpu.memory_space<hbm>> -> memref<1x64x96xf32, #tpu.memory_space<hbm>>
    %dma_start3A_273 = tpu.memref_squeeze %dma_start3A_272 : memref<1x64x96xf32, #tpu.memory_space<hbm>> -> memref<64x96xf32, #tpu.memory_space<hbm>>
    %dma_start3A_274 = arith.constant 0 : i32
    %dma_start3A_275 = arith.constant 0 : i32
    %dma_start3A_276 = tpu.memref_slice %arg2[%reduce_sum3A_128, %dma_start3A_274, %dma_start3A_275] : memref<8192x64x96xf32, #tpu.memory_space<hbm>> -> memref<1x64x96xf32, #tpu.memory_space<hbm>>
    %dma_start3A_277 = tpu.memref_squeeze %dma_start3A_276 : memref<1x64x96xf32, #tpu.memory_space<hbm>> -> memref<64x96xf32, #tpu.memory_space<hbm>>
    tpu.enqueue_dma source(%dma_start3A_277 : memref<64x96xf32, #tpu.memory_space<hbm>>) target(%dma_start3A_273 : memref<64x96xf32, #tpu.memory_space<hbm>>) target_semaphore(%arg6 : memref<!tpu.dma_semaphore, #tpu.memory_space<semaphore_mem>>)
    %dma_start3A_278 = arith.constant 0 : i32
    %dma_start3A_279 = arith.constant 0 : i32
    %dma_start3A_280 = tpu.memref_slice %arg4[%add3A_142, %dma_start3A_278, %dma_start3A_279] : memref<1024x64x96xf32, #tpu.memory_space<hbm>> -> memref<1x64x96xf32, #tpu.memory_space<hbm>>
    %dma_start3A_281 = tpu.memref_squeeze %dma_start3A_280 : memref<1x64x96xf32, #tpu.memory_space<hbm>> -> memref<64x96xf32, #tpu.memory_space<hbm>>
    %dma_start3A_282 = arith.constant 0 : i32
    %dma_start3A_283 = arith.constant 0 : i32
    %dma_start3A_284 = tpu.memref_slice %arg2[%reduce_sum3A_140, %dma_start3A_282, %dma_start3A_283] : memref<8192x64x96xf32, #tpu.memory_space<hbm>> -> memref<1x64x96xf32, #tpu.memory_space<hbm>>
    %dma_start3A_285 = tpu.memref_squeeze %dma_start3A_284 : memref<1x64x96xf32, #tpu.memory_space<hbm>> -> memref<64x96xf32, #tpu.memory_space<hbm>>
    tpu.enqueue_dma source(%dma_start3A_285 : memref<64x96xf32, #tpu.memory_space<hbm>>) target(%dma_start3A_281 : memref<64x96xf32, #tpu.memory_space<hbm>>) target_semaphore(%arg6 : memref<!tpu.dma_semaphore, #tpu.memory_space<semaphore_mem>>)
    %dma_start3A_286 = arith.constant 0 : i32
    %dma_start3A_287 = arith.constant 0 : i32
    %dma_start3A_288 = tpu.memref_slice %arg4[%add3A_154, %dma_start3A_286, %dma_start3A_287] : memref<1024x64x96xf32, #tpu.memory_space<hbm>> -> memref<1x64x96xf32, #tpu.memory_space<hbm>>
    %dma_start3A_289 = tpu.memref_squeeze %dma_start3A_288 : memref<1x64x96xf32, #tpu.memory_space<hbm>> -> memref<64x96xf32, #tpu.memory_space<hbm>>
    %dma_start3A_290 = arith.constant 0 : i32
    %dma_start3A_291 = arith.constant 0 : i32
    %dma_start3A_292 = tpu.memref_slice %arg2[%reduce_sum3A_152, %dma_start3A_290, %dma_start3A_291] : memref<8192x64x96xf32, #tpu.memory_space<hbm>> -> memref<1x64x96xf32, #tpu.memory_space<hbm>>
    %dma_start3A_293 = tpu.memref_squeeze %dma_start3A_292 : memref<1x64x96xf32, #tpu.memory_space<hbm>> -> memref<64x96xf32, #tpu.memory_space<hbm>>
    tpu.enqueue_dma source(%dma_start3A_293 : memref<64x96xf32, #tpu.memory_space<hbm>>) target(%dma_start3A_289 : memref<64x96xf32, #tpu.memory_space<hbm>>) target_semaphore(%arg6 : memref<!tpu.dma_semaphore, #tpu.memory_space<semaphore_mem>>)
    %dma_start3A_294 = arith.constant 0 : i32
    %dma_start3A_295 = arith.constant 0 : i32
    %dma_start3A_296 = tpu.memref_slice %arg4[%add3A_166, %dma_start3A_294, %dma_start3A_295] : memref<1024x64x96xf32, #tpu.memory_space<hbm>> -> memref<1x64x96xf32, #tpu.memory_space<hbm>>
    %dma_start3A_297 = tpu.memref_squeeze %dma_start3A_296 : memref<1x64x96xf32, #tpu.memory_space<hbm>> -> memref<64x96xf32, #tpu.memory_space<hbm>>
    %dma_start3A_298 = arith.constant 0 : i32
    %dma_start3A_299 = arith.constant 0 : i32
    %dma_start3A_300 = tpu.memref_slice %arg2[%reduce_sum3A_164, %dma_start3A_298, %dma_start3A_299] : memref<8192x64x96xf32, #tpu.memory_space<hbm>> -> memref<1x64x96xf32, #tpu.memory_space<hbm>>
    %dma_start3A_301 = tpu.memref_squeeze %dma_start3A_300 : memref<1x64x96xf32, #tpu.memory_space<hbm>> -> memref<64x96xf32, #tpu.memory_space<hbm>>
    tpu.enqueue_dma source(%dma_start3A_301 : memref<64x96xf32, #tpu.memory_space<hbm>>) target(%dma_start3A_297 : memref<64x96xf32, #tpu.memory_space<hbm>>) target_semaphore(%arg6 : memref<!tpu.dma_semaphore, #tpu.memory_space<semaphore_mem>>)
    %dma_start3A_302 = arith.constant 0 : i32
    %dma_start3A_303 = arith.constant 0 : i32
    %dma_start3A_304 = tpu.memref_slice %arg4[%add3A_178, %dma_start3A_302, %dma_start3A_303] : memref<1024x64x96xf32, #tpu.memory_space<hbm>> -> memref<1x64x96xf32, #tpu.memory_space<hbm>>
    %dma_start3A_305 = tpu.memref_squeeze %dma_start3A_304 : memref<1x64x96xf32, #tpu.memory_space<hbm>> -> memref<64x96xf32, #tpu.memory_space<hbm>>
    %dma_start3A_306 = arith.constant 0 : i32
    %dma_start3A_307 = arith.constant 0 : i32
    %dma_start3A_308 = tpu.memref_slice %arg2[%reduce_sum3A_176, %dma_start3A_306, %dma_start3A_307] : memref<8192x64x96xf32, #tpu.memory_space<hbm>> -> memref<1x64x96xf32, #tpu.memory_space<hbm>>
    %dma_start3A_309 = tpu.memref_squeeze %dma_start3A_308 : memref<1x64x96xf32, #tpu.memory_space<hbm>> -> memref<64x96xf32, #tpu.memory_space<hbm>>
    tpu.enqueue_dma source(%dma_start3A_309 : memref<64x96xf32, #tpu.memory_space<hbm>>) target(%dma_start3A_305 : memref<64x96xf32, #tpu.memory_space<hbm>>) target_semaphore(%arg6 : memref<!tpu.dma_semaphore, #tpu.memory_space<semaphore_mem>>)
    %dma_start3A_310 = arith.constant 0 : i32
    %dma_start3A_311 = arith.constant 0 : i32
    %dma_start3A_312 = tpu.memref_slice %arg4[%add3A_190, %dma_start3A_310, %dma_start3A_311] : memref<1024x64x96xf32, #tpu.memory_space<hbm>> -> memref<1x64x96xf32, #tpu.memory_space<hbm>>
    %dma_start3A_313 = tpu.memref_squeeze %dma_start3A_312 : memref<1x64x96xf32, #tpu.memory_space<hbm>> -> memref<64x96xf32, #tpu.memory_space<hbm>>
    %dma_start3A_314 = arith.constant 0 : i32
    %dma_start3A_315 = arith.constant 0 : i32
    %dma_start3A_316 = tpu.memref_slice %arg2[%reduce_sum3A_188, %dma_start3A_314, %dma_start3A_315] : memref<8192x64x96xf32, #tpu.memory_space<hbm>> -> memref<1x64x96xf32, #tpu.memory_space<hbm>>
    %dma_start3A_317 = tpu.memref_squeeze %dma_start3A_316 : memref<1x64x96xf32, #tpu.memory_space<hbm>> -> memref<64x96xf32, #tpu.memory_space<hbm>>
    tpu.enqueue_dma source(%dma_start3A_317 : memref<64x96xf32, #tpu.memory_space<hbm>>) target(%dma_start3A_313 : memref<64x96xf32, #tpu.memory_space<hbm>>) target_semaphore(%arg6 : memref<!tpu.dma_semaphore, #tpu.memory_space<semaphore_mem>>)
    %dma_wait3A = arith.constant 0 : i32
    %dma_wait3A_318 = arith.constant 0 : i32
    %dma_wait3A_319 = tpu.memref_slice %arg4[%add3A_10, %dma_wait3A, %dma_wait3A_318] : memref<1024x64x96xf32, #tpu.memory_space<hbm>> -> memref<1x64x96xf32, #tpu.memory_space<hbm>>
    %dma_wait3A_320 = tpu.memref_squeeze %dma_wait3A_319 : memref<1x64x96xf32, #tpu.memory_space<hbm>> -> memref<64x96xf32, #tpu.memory_space<hbm>>
    %dma_wait3A_321 = arith.constant 0 : i32
    %dma_wait3A_322 = arith.constant 0 : i32
    %dma_wait3A_323 = tpu.memref_slice %arg2[%reduce_sum3A_8, %dma_wait3A_321, %dma_wait3A_322] : memref<8192x64x96xf32, #tpu.memory_space<hbm>> -> memref<1x64x96xf32, #tpu.memory_space<hbm>>
    %dma_wait3A_324 = tpu.memref_squeeze %dma_wait3A_323 : memref<1x64x96xf32, #tpu.memory_space<hbm>> -> memref<64x96xf32, #tpu.memory_space<hbm>>
    tpu.wait_dma2 semaphore(%arg6 : memref<!tpu.dma_semaphore, #tpu.memory_space<semaphore_mem>>) src(%dma_wait3A_324 : memref<64x96xf32, #tpu.memory_space<hbm>>) dst(%dma_wait3A_320 : memref<64x96xf32, #tpu.memory_space<hbm>>)
    %dma_wait3A_325 = arith.constant 0 : i32
    %dma_wait3A_326 = arith.constant 0 : i32
    %dma_wait3A_327 = tpu.memref_slice %arg4[%add3A_22, %dma_wait3A_325, %dma_wait3A_326] : memref<1024x64x96xf32, #tpu.memory_space<hbm>> -> memref<1x64x96xf32, #tpu.memory_space<hbm>>
    %dma_wait3A_328 = tpu.memref_squeeze %dma_wait3A_327 : memref<1x64x96xf32, #tpu.memory_space<hbm>> -> memref<64x96xf32, #tpu.memory_space<hbm>>
    %dma_wait3A_329 = arith.constant 0 : i32
    %dma_wait3A_330 = arith.constant 0 : i32
    %dma_wait3A_331 = tpu.memref_slice %arg2[%reduce_sum3A_20, %dma_wait3A_329, %dma_wait3A_330] : memref<8192x64x96xf32, #tpu.memory_space<hbm>> -> memref<1x64x96xf32, #tpu.memory_space<hbm>>
    %dma_wait3A_332 = tpu.memref_squeeze %dma_wait3A_331 : memref<1x64x96xf32, #tpu.memory_space<hbm>> -> memref<64x96xf32, #tpu.memory_space<hbm>>
    tpu.wait_dma2 semaphore(%arg6 : memref<!tpu.dma_semaphore, #tpu.memory_space<semaphore_mem>>) src(%dma_wait3A_332 : memref<64x96xf32, #tpu.memory_space<hbm>>) dst(%dma_wait3A_328 : memref<64x96xf32, #tpu.memory_space<hbm>>)
    %dma_wait3A_333 = arith.constant 0 : i32
    %dma_wait3A_334 = arith.constant 0 : i32
    %dma_wait3A_335 = tpu.memref_slice %arg4[%add3A_34, %dma_wait3A_333, %dma_wait3A_334] : memref<1024x64x96xf32, #tpu.memory_space<hbm>> -> memref<1x64x96xf32, #tpu.memory_space<hbm>>
    %dma_wait3A_336 = tpu.memref_squeeze %dma_wait3A_335 : memref<1x64x96xf32, #tpu.memory_space<hbm>> -> memref<64x96xf32, #tpu.memory_space<hbm>>
    %dma_wait3A_337 = arith.constant 0 : i32
    %dma_wait3A_338 = arith.constant 0 : i32
    %dma_wait3A_339 = tpu.memref_slice %arg2[%reduce_sum3A_32, %dma_wait3A_337, %dma_wait3A_338] : memref<8192x64x96xf32, #tpu.memory_space<hbm>> -> memref<1x64x96xf32, #tpu.memory_space<hbm>>
    %dma_wait3A_340 = tpu.memref_squeeze %dma_wait3A_339 : memref<1x64x96xf32, #tpu.memory_space<hbm>> -> memref<64x96xf32, #tpu.memory_space<hbm>>
    tpu.wait_dma2 semaphore(%arg6 : memref<!tpu.dma_semaphore, #tpu.memory_space<semaphore_mem>>) src(%dma_wait3A_340 : memref<64x96xf32, #tpu.memory_space<hbm>>) dst(%dma_wait3A_336 : memref<64x96xf32, #tpu.memory_space<hbm>>)
    %dma_wait3A_341 = arith.constant 0 : i32
    %dma_wait3A_342 = arith.constant 0 : i32
    %dma_wait3A_343 = tpu.memref_slice %arg4[%add3A_46, %dma_wait3A_341, %dma_wait3A_342] : memref<1024x64x96xf32, #tpu.memory_space<hbm>> -> memref<1x64x96xf32, #tpu.memory_space<hbm>>
    %dma_wait3A_344 = tpu.memref_squeeze %dma_wait3A_343 : memref<1x64x96xf32, #tpu.memory_space<hbm>> -> memref<64x96xf32, #tpu.memory_space<hbm>>
    %dma_wait3A_345 = arith.constant 0 : i32
    %dma_wait3A_346 = arith.constant 0 : i32
    %dma_wait3A_347 = tpu.memref_slice %arg2[%reduce_sum3A_44, %dma_wait3A_345, %dma_wait3A_346] : memref<8192x64x96xf32, #tpu.memory_space<hbm>> -> memref<1x64x96xf32, #tpu.memory_space<hbm>>
    %dma_wait3A_348 = tpu.memref_squeeze %dma_wait3A_347 : memref<1x64x96xf32, #tpu.memory_space<hbm>> -> memref<64x96xf32, #tpu.memory_space<hbm>>
    tpu.wait_dma2 semaphore(%arg6 : memref<!tpu.dma_semaphore, #tpu.memory_space<semaphore_mem>>) src(%dma_wait3A_348 : memref<64x96xf32, #tpu.memory_space<hbm>>) dst(%dma_wait3A_344 : memref<64x96xf32, #tpu.memory_space<hbm>>)
    %dma_wait3A_349 = arith.constant 0 : i32
    %dma_wait3A_350 = arith.constant 0 : i32
    %dma_wait3A_351 = tpu.memref_slice %arg4[%add3A_58, %dma_wait3A_349, %dma_wait3A_350] : memref<1024x64x96xf32, #tpu.memory_space<hbm>> -> memref<1x64x96xf32, #tpu.memory_space<hbm>>
    %dma_wait3A_352 = tpu.memref_squeeze %dma_wait3A_351 : memref<1x64x96xf32, #tpu.memory_space<hbm>> -> memref<64x96xf32, #tpu.memory_space<hbm>>
    %dma_wait3A_353 = arith.constant 0 : i32
    %dma_wait3A_354 = arith.constant 0 : i32
    %dma_wait3A_355 = tpu.memref_slice %arg2[%reduce_sum3A_56, %dma_wait3A_353, %dma_wait3A_354] : memref<8192x64x96xf32, #tpu.memory_space<hbm>> -> memref<1x64x96xf32, #tpu.memory_space<hbm>>
    %dma_wait3A_356 = tpu.memref_squeeze %dma_wait3A_355 : memref<1x64x96xf32, #tpu.memory_space<hbm>> -> memref<64x96xf32, #tpu.memory_space<hbm>>
    tpu.wait_dma2 semaphore(%arg6 : memref<!tpu.dma_semaphore, #tpu.memory_space<semaphore_mem>>) src(%dma_wait3A_356 : memref<64x96xf32, #tpu.memory_space<hbm>>) dst(%dma_wait3A_352 : memref<64x96xf32, #tpu.memory_space<hbm>>)
    %dma_wait3A_357 = arith.constant 0 : i32
    %dma_wait3A_358 = arith.constant 0 : i32
    %dma_wait3A_359 = tpu.memref_slice %arg4[%add3A_70, %dma_wait3A_357, %dma_wait3A_358] : memref<1024x64x96xf32, #tpu.memory_space<hbm>> -> memref<1x64x96xf32, #tpu.memory_space<hbm>>
    %dma_wait3A_360 = tpu.memref_squeeze %dma_wait3A_359 : memref<1x64x96xf32, #tpu.memory_space<hbm>> -> memref<64x96xf32, #tpu.memory_space<hbm>>
    %dma_wait3A_361 = arith.constant 0 : i32
    %dma_wait3A_362 = arith.constant 0 : i32
    %dma_wait3A_363 = tpu.memref_slice %arg2[%reduce_sum3A_68, %dma_wait3A_361, %dma_wait3A_362] : memref<8192x64x96xf32, #tpu.memory_space<hbm>> -> memref<1x64x96xf32, #tpu.memory_space<hbm>>
    %dma_wait3A_364 = tpu.memref_squeeze %dma_wait3A_363 : memref<1x64x96xf32, #tpu.memory_space<hbm>> -> memref<64x96xf32, #tpu.memory_space<hbm>>
    tpu.wait_dma2 semaphore(%arg6 : memref<!tpu.dma_semaphore, #tpu.memory_space<semaphore_mem>>) src(%dma_wait3A_364 : memref<64x96xf32, #tpu.memory_space<hbm>>) dst(%dma_wait3A_360 : memref<64x96xf32, #tpu.memory_space<hbm>>)
    %dma_wait3A_365 = arith.constant 0 : i32
    %dma_wait3A_366 = arith.constant 0 : i32
    %dma_wait3A_367 = tpu.memref_slice %arg4[%add3A_82, %dma_wait3A_365, %dma_wait3A_366] : memref<1024x64x96xf32, #tpu.memory_space<hbm>> -> memref<1x64x96xf32, #tpu.memory_space<hbm>>
    %dma_wait3A_368 = tpu.memref_squeeze %dma_wait3A_367 : memref<1x64x96xf32, #tpu.memory_space<hbm>> -> memref<64x96xf32, #tpu.memory_space<hbm>>
    %dma_wait3A_369 = arith.constant 0 : i32
    %dma_wait3A_370 = arith.constant 0 : i32
    %dma_wait3A_371 = tpu.memref_slice %arg2[%reduce_sum3A_80, %dma_wait3A_369, %dma_wait3A_370] : memref<8192x64x96xf32, #tpu.memory_space<hbm>> -> memref<1x64x96xf32, #tpu.memory_space<hbm>>
    %dma_wait3A_372 = tpu.memref_squeeze %dma_wait3A_371 : memref<1x64x96xf32, #tpu.memory_space<hbm>> -> memref<64x96xf32, #tpu.memory_space<hbm>>
    tpu.wait_dma2 semaphore(%arg6 : memref<!tpu.dma_semaphore, #tpu.memory_space<semaphore_mem>>) src(%dma_wait3A_372 : memref<64x96xf32, #tpu.memory_space<hbm>>) dst(%dma_wait3A_368 : memref<64x96xf32, #tpu.memory_space<hbm>>)
    %dma_wait3A_373 = arith.constant 0 : i32
    %dma_wait3A_374 = arith.constant 0 : i32
    %dma_wait3A_375 = tpu.memref_slice %arg4[%add3A_94, %dma_wait3A_373, %dma_wait3A_374] : memref<1024x64x96xf32, #tpu.memory_space<hbm>> -> memref<1x64x96xf32, #tpu.memory_space<hbm>>
    %dma_wait3A_376 = tpu.memref_squeeze %dma_wait3A_375 : memref<1x64x96xf32, #tpu.memory_space<hbm>> -> memref<64x96xf32, #tpu.memory_space<hbm>>
    %dma_wait3A_377 = arith.constant 0 : i32
    %dma_wait3A_378 = arith.constant 0 : i32
    %dma_wait3A_379 = tpu.memref_slice %arg2[%reduce_sum3A_92, %dma_wait3A_377, %dma_wait3A_378] : memref<8192x64x96xf32, #tpu.memory_space<hbm>> -> memref<1x64x96xf32, #tpu.memory_space<hbm>>
    %dma_wait3A_380 = tpu.memref_squeeze %dma_wait3A_379 : memref<1x64x96xf32, #tpu.memory_space<hbm>> -> memref<64x96xf32, #tpu.memory_space<hbm>>
    tpu.wait_dma2 semaphore(%arg6 : memref<!tpu.dma_semaphore, #tpu.memory_space<semaphore_mem>>) src(%dma_wait3A_380 : memref<64x96xf32, #tpu.memory_space<hbm>>) dst(%dma_wait3A_376 : memref<64x96xf32, #tpu.memory_space<hbm>>)
    %dma_wait3A_381 = arith.constant 0 : i32
    %dma_wait3A_382 = arith.constant 0 : i32
    %dma_wait3A_383 = tpu.memref_slice %arg4[%add3A_106, %dma_wait3A_381, %dma_wait3A_382] : memref<1024x64x96xf32, #tpu.memory_space<hbm>> -> memref<1x64x96xf32, #tpu.memory_space<hbm>>
    %dma_wait3A_384 = tpu.memref_squeeze %dma_wait3A_383 : memref<1x64x96xf32, #tpu.memory_space<hbm>> -> memref<64x96xf32, #tpu.memory_space<hbm>>
    %dma_wait3A_385 = arith.constant 0 : i32
    %dma_wait3A_386 = arith.constant 0 : i32
    %dma_wait3A_387 = tpu.memref_slice %arg2[%reduce_sum3A_104, %dma_wait3A_385, %dma_wait3A_386] : memref<8192x64x96xf32, #tpu.memory_space<hbm>> -> memref<1x64x96xf32, #tpu.memory_space<hbm>>
    %dma_wait3A_388 = tpu.memref_squeeze %dma_wait3A_387 : memref<1x64x96xf32, #tpu.memory_space<hbm>> -> memref<64x96xf32, #tpu.memory_space<hbm>>
    tpu.wait_dma2 semaphore(%arg6 : memref<!tpu.dma_semaphore, #tpu.memory_space<semaphore_mem>>) src(%dma_wait3A_388 : memref<64x96xf32, #tpu.memory_space<hbm>>) dst(%dma_wait3A_384 : memref<64x96xf32, #tpu.memory_space<hbm>>)
    %dma_wait3A_389 = arith.constant 0 : i32
    %dma_wait3A_390 = arith.constant 0 : i32
    %dma_wait3A_391 = tpu.memref_slice %arg4[%add3A_118, %dma_wait3A_389, %dma_wait3A_390] : memref<1024x64x96xf32, #tpu.memory_space<hbm>> -> memref<1x64x96xf32, #tpu.memory_space<hbm>>
    %dma_wait3A_392 = tpu.memref_squeeze %dma_wait3A_391 : memref<1x64x96xf32, #tpu.memory_space<hbm>> -> memref<64x96xf32, #tpu.memory_space<hbm>>
    %dma_wait3A_393 = arith.constant 0 : i32
    %dma_wait3A_394 = arith.constant 0 : i32
    %dma_wait3A_395 = tpu.memref_slice %arg2[%reduce_sum3A_116, %dma_wait3A_393, %dma_wait3A_394] : memref<8192x64x96xf32, #tpu.memory_space<hbm>> -> memref<1x64x96xf32, #tpu.memory_space<hbm>>
    %dma_wait3A_396 = tpu.memref_squeeze %dma_wait3A_395 : memref<1x64x96xf32, #tpu.memory_space<hbm>> -> memref<64x96xf32, #tpu.memory_space<hbm>>
    tpu.wait_dma2 semaphore(%arg6 : memref<!tpu.dma_semaphore, #tpu.memory_space<semaphore_mem>>) src(%dma_wait3A_396 : memref<64x96xf32, #tpu.memory_space<hbm>>) dst(%dma_wait3A_392 : memref<64x96xf32, #tpu.memory_space<hbm>>)
    %dma_wait3A_397 = arith.constant 0 : i32
    %dma_wait3A_398 = arith.constant 0 : i32
    %dma_wait3A_399 = tpu.memref_slice %arg4[%add3A_130, %dma_wait3A_397, %dma_wait3A_398] : memref<1024x64x96xf32, #tpu.memory_space<hbm>> -> memref<1x64x96xf32, #tpu.memory_space<hbm>>
    %dma_wait3A_400 = tpu.memref_squeeze %dma_wait3A_399 : memref<1x64x96xf32, #tpu.memory_space<hbm>> -> memref<64x96xf32, #tpu.memory_space<hbm>>
    %dma_wait3A_401 = arith.constant 0 : i32
    %dma_wait3A_402 = arith.constant 0 : i32
    %dma_wait3A_403 = tpu.memref_slice %arg2[%reduce_sum3A_128, %dma_wait3A_401, %dma_wait3A_402] : memref<8192x64x96xf32, #tpu.memory_space<hbm>> -> memref<1x64x96xf32, #tpu.memory_space<hbm>>
    %dma_wait3A_404 = tpu.memref_squeeze %dma_wait3A_403 : memref<1x64x96xf32, #tpu.memory_space<hbm>> -> memref<64x96xf32, #tpu.memory_space<hbm>>
    tpu.wait_dma2 semaphore(%arg6 : memref<!tpu.dma_semaphore, #tpu.memory_space<semaphore_mem>>) src(%dma_wait3A_404 : memref<64x96xf32, #tpu.memory_space<hbm>>) dst(%dma_wait3A_400 : memref<64x96xf32, #tpu.memory_space<hbm>>)
    %dma_wait3A_405 = arith.constant 0 : i32
    %dma_wait3A_406 = arith.constant 0 : i32
    %dma_wait3A_407 = tpu.memref_slice %arg4[%add3A_142, %dma_wait3A_405, %dma_wait3A_406] : memref<1024x64x96xf32, #tpu.memory_space<hbm>> -> memref<1x64x96xf32, #tpu.memory_space<hbm>>
    %dma_wait3A_408 = tpu.memref_squeeze %dma_wait3A_407 : memref<1x64x96xf32, #tpu.memory_space<hbm>> -> memref<64x96xf32, #tpu.memory_space<hbm>>
    %dma_wait3A_409 = arith.constant 0 : i32
    %dma_wait3A_410 = arith.constant 0 : i32
    %dma_wait3A_411 = tpu.memref_slice %arg2[%reduce_sum3A_140, %dma_wait3A_409, %dma_wait3A_410] : memref<8192x64x96xf32, #tpu.memory_space<hbm>> -> memref<1x64x96xf32, #tpu.memory_space<hbm>>
    %dma_wait3A_412 = tpu.memref_squeeze %dma_wait3A_411 : memref<1x64x96xf32, #tpu.memory_space<hbm>> -> memref<64x96xf32, #tpu.memory_space<hbm>>
    tpu.wait_dma2 semaphore(%arg6 : memref<!tpu.dma_semaphore, #tpu.memory_space<semaphore_mem>>) src(%dma_wait3A_412 : memref<64x96xf32, #tpu.memory_space<hbm>>) dst(%dma_wait3A_408 : memref<64x96xf32, #tpu.memory_space<hbm>>)
    %dma_wait3A_413 = arith.constant 0 : i32
    %dma_wait3A_414 = arith.constant 0 : i32
    %dma_wait3A_415 = tpu.memref_slice %arg4[%add3A_154, %dma_wait3A_413, %dma_wait3A_414] : memref<1024x64x96xf32, #tpu.memory_space<hbm>> -> memref<1x64x96xf32, #tpu.memory_space<hbm>>
    %dma_wait3A_416 = tpu.memref_squeeze %dma_wait3A_415 : memref<1x64x96xf32, #tpu.memory_space<hbm>> -> memref<64x96xf32, #tpu.memory_space<hbm>>
    %dma_wait3A_417 = arith.constant 0 : i32
    %dma_wait3A_418 = arith.constant 0 : i32
    %dma_wait3A_419 = tpu.memref_slice %arg2[%reduce_sum3A_152, %dma_wait3A_417, %dma_wait3A_418] : memref<8192x64x96xf32, #tpu.memory_space<hbm>> -> memref<1x64x96xf32, #tpu.memory_space<hbm>>
    %dma_wait3A_420 = tpu.memref_squeeze %dma_wait3A_419 : memref<1x64x96xf32, #tpu.memory_space<hbm>> -> memref<64x96xf32, #tpu.memory_space<hbm>>
    tpu.wait_dma2 semaphore(%arg6 : memref<!tpu.dma_semaphore, #tpu.memory_space<semaphore_mem>>) src(%dma_wait3A_420 : memref<64x96xf32, #tpu.memory_space<hbm>>) dst(%dma_wait3A_416 : memref<64x96xf32, #tpu.memory_space<hbm>>)
    %dma_wait3A_421 = arith.constant 0 : i32
    %dma_wait3A_422 = arith.constant 0 : i32
    %dma_wait3A_423 = tpu.memref_slice %arg4[%add3A_166, %dma_wait3A_421, %dma_wait3A_422] : memref<1024x64x96xf32, #tpu.memory_space<hbm>> -> memref<1x64x96xf32, #tpu.memory_space<hbm>>
    %dma_wait3A_424 = tpu.memref_squeeze %dma_wait3A_423 : memref<1x64x96xf32, #tpu.memory_space<hbm>> -> memref<64x96xf32, #tpu.memory_space<hbm>>
    %dma_wait3A_425 = arith.constant 0 : i32
    %dma_wait3A_426 = arith.constant 0 : i32
    %dma_wait3A_427 = tpu.memref_slice %arg2[%reduce_sum3A_164, %dma_wait3A_425, %dma_wait3A_426] : memref<8192x64x96xf32, #tpu.memory_space<hbm>> -> memref<1x64x96xf32, #tpu.memory_space<hbm>>
    %dma_wait3A_428 = tpu.memref_squeeze %dma_wait3A_427 : memref<1x64x96xf32, #tpu.memory_space<hbm>> -> memref<64x96xf32, #tpu.memory_space<hbm>>
    tpu.wait_dma2 semaphore(%arg6 : memref<!tpu.dma_semaphore, #tpu.memory_space<semaphore_mem>>) src(%dma_wait3A_428 : memref<64x96xf32, #tpu.memory_space<hbm>>) dst(%dma_wait3A_424 : memref<64x96xf32, #tpu.memory_space<hbm>>)
    %dma_wait3A_429 = arith.constant 0 : i32
    %dma_wait3A_430 = arith.constant 0 : i32
    %dma_wait3A_431 = tpu.memref_slice %arg4[%add3A_178, %dma_wait3A_429, %dma_wait3A_430] : memref<1024x64x96xf32, #tpu.memory_space<hbm>> -> memref<1x64x96xf32, #tpu.memory_space<hbm>>
    %dma_wait3A_432 = tpu.memref_squeeze %dma_wait3A_431 : memref<1x64x96xf32, #tpu.memory_space<hbm>> -> memref<64x96xf32, #tpu.memory_space<hbm>>
    %dma_wait3A_433 = arith.constant 0 : i32
    %dma_wait3A_434 = arith.constant 0 : i32
    %dma_wait3A_435 = tpu.memref_slice %arg2[%reduce_sum3A_176, %dma_wait3A_433, %dma_wait3A_434] : memref<8192x64x96xf32, #tpu.memory_space<hbm>> -> memref<1x64x96xf32, #tpu.memory_space<hbm>>
    %dma_wait3A_436 = tpu.memref_squeeze %dma_wait3A_435 : memref<1x64x96xf32, #tpu.memory_space<hbm>> -> memref<64x96xf32, #tpu.memory_space<hbm>>
    tpu.wait_dma2 semaphore(%arg6 : memref<!tpu.dma_semaphore, #tpu.memory_space<semaphore_mem>>) src(%dma_wait3A_436 : memref<64x96xf32, #tpu.memory_space<hbm>>) dst(%dma_wait3A_432 : memref<64x96xf32, #tpu.memory_space<hbm>>)
    %dma_wait3A_437 = arith.constant 0 : i32
    %dma_wait3A_438 = arith.constant 0 : i32
    %dma_wait3A_439 = tpu.memref_slice %arg4[%add3A_190, %dma_wait3A_437, %dma_wait3A_438] : memref<1024x64x96xf32, #tpu.memory_space<hbm>> -> memref<1x64x96xf32, #tpu.memory_space<hbm>>
    %dma_wait3A_440 = tpu.memref_squeeze %dma_wait3A_439 : memref<1x64x96xf32, #tpu.memory_space<hbm>> -> memref<64x96xf32, #tpu.memory_space<hbm>>
    %dma_wait3A_441 = arith.constant 0 : i32
    %dma_wait3A_442 = arith.constant 0 : i32
    %dma_wait3A_443 = tpu.memref_slice %arg2[%reduce_sum3A_188, %dma_wait3A_441, %dma_wait3A_442] : memref<8192x64x96xf32, #tpu.memory_space<hbm>> -> memref<1x64x96xf32, #tpu.memory_space<hbm>>
    %dma_wait3A_444 = tpu.memref_squeeze %dma_wait3A_443 : memref<1x64x96xf32, #tpu.memory_space<hbm>> -> memref<64x96xf32, #tpu.memory_space<hbm>>
    tpu.wait_dma2 semaphore(%arg6 : memref<!tpu.dma_semaphore, #tpu.memory_space<semaphore_mem>>) src(%dma_wait3A_444 : memref<64x96xf32, #tpu.memory_space<hbm>>) dst(%dma_wait3A_440 : memref<64x96xf32, #tpu.memory_space<hbm>>)
    %get3A_445 = arith.constant 16 : index
    %get3A_446 = tpu.vector_load %arg5[%get3A_445] {strides = array<i32>} : memref<32xi32, #tpu.memory_space<vmem>>, vector<16xi32>,
    %eq3A_447 = arith.constant 0 : i32
    %eq3A_448 = vector.broadcast %eq3A_447 : i32 to vector<16xi32>
    %eq3A_449 = arith.cmpi eq, %iota3A, %eq3A_448 : vector<16xi32>
    %jit3A_450 = arith.constant 0 : i32
    %broadcast_in_dim3A_451 = vector.broadcast %jit3A_450 : i32 to vector<16xi32>
    %select_n3A_452 = arith.select %eq3A_449, %get3A_446, %broadcast_in_dim3A_451 : vector<16xi1>, vector<16xi32>
    %reduce_sum3A_453 = arith.constant true
    %reduce_sum3A_454 = vector.broadcast %reduce_sum3A_453 : i1 to vector<16xi1>
    %reduce_sum3A_455 = tpu.scan <sum>, %select_n3A_452 masked %reduce_sum3A_454 : vector<16xi32>, vector<16xi1> -> vector<16xi32>
    %reduce_sum3A_456 = vector.extract %reduce_sum3A_455[15] : i32 from vector<16xi32>
    %add3A_457 = arith.constant 16 : i32
    %add3A_458 = arith.addi %mul3A_2, %add3A_457 : i32
    %eq3A_459 = arith.constant 1 : i32
    %eq3A_460 = vector.broadcast %eq3A_459 : i32 to vector<16xi32>
    %eq3A_461 = arith.cmpi eq, %iota3A, %eq3A_460 : vector<16xi32>
    %jit3A_462 = arith.constant 0 : i32
    %broadcast_in_dim3A_463 = vector.broadcast %jit3A_462 : i32 to vector<16xi32>
    %select_n3A_464 = arith.select %eq3A_461, %get3A_446, %broadcast_in_dim3A_463 : vector<16xi1>, vector<16xi32>
    %reduce_sum3A_465 = arith.constant true
    %reduce_sum3A_466 = vector.broadcast %reduce_sum3A_465 : i1 to vector<16xi1>
    %reduce_sum3A_467 = tpu.scan <sum>, %select_n3A_464 masked %reduce_sum3A_466 : vector<16xi32>, vector<16xi1> -> vector<16xi32>
    %reduce_sum3A_468 = vector.extract %reduce_sum3A_467[15] : i32 from vector<16xi32>
    %add3A_469 = arith.constant 17 : i32
    %add3A_470 = arith.addi %mul3A_2, %add3A_469 : i32
    %eq3A_471 = arith.constant 2 : i32
    %eq3A_472 = vector.broadcast %eq3A_471 : i32 to vector<16xi32>
    %eq3A_473 = arith.cmpi eq, %iota3A, %eq3A_472 : vector<16xi32>
    %jit3A_474 = arith.constant 0 : i32
    %broadcast_in_dim3A_475 = vector.broadcast %jit3A_474 : i32 to vector<16xi32>
    %select_n3A_476 = arith.select %eq3A_473, %get3A_446, %broadcast_in_dim3A_475 : vector<16xi1>, vector<16xi32>
    %reduce_sum3A_477 = arith.constant true
    %reduce_sum3A_478 = vector.broadcast %reduce_sum3A_477 : i1 to vector<16xi1>
    %reduce_sum3A_479 = tpu.scan <sum>, %select_n3A_476 masked %reduce_sum3A_478 : vector<16xi32>, vector<16xi1> -> vector<16xi32>
    %reduce_sum3A_480 = vector.extract %reduce_sum3A_479[15] : i32 from vector<16xi32>
    %add3A_481 = arith.constant 18 : i32
    %add3A_482 = arith.addi %mul3A_2, %add3A_481 : i32
    %eq3A_483 = arith.constant 3 : i32
    %eq3A_484 = vector.broadcast %eq3A_483 : i32 to vector<16xi32>
    %eq3A_485 = arith.cmpi eq, %iota3A, %eq3A_484 : vector<16xi32>
    %jit3A_486 = arith.constant 0 : i32
    %broadcast_in_dim3A_487 = vector.broadcast %jit3A_486 : i32 to vector<16xi32>
    %select_n3A_488 = arith.select %eq3A_485, %get3A_446, %broadcast_in_dim3A_487 : vector<16xi1>, vector<16xi32>
    %reduce_sum3A_489 = arith.constant true
    %reduce_sum3A_490 = vector.broadcast %reduce_sum3A_489 : i1 to vector<16xi1>
    %reduce_sum3A_491 = tpu.scan <sum>, %select_n3A_488 masked %reduce_sum3A_490 : vector<16xi32>, vector<16xi1> -> vector<16xi32>
    %reduce_sum3A_492 = vector.extract %reduce_sum3A_491[15] : i32 from vector<16xi32>
    %add3A_493 = arith.constant 19 : i32
    %add3A_494 = arith.addi %mul3A_2, %add3A_493 : i32
    %eq3A_495 = arith.constant 4 : i32
    %eq3A_496 = vector.broadcast %eq3A_495 : i32 to vector<16xi32>
    %eq3A_497 = arith.cmpi eq, %iota3A, %eq3A_496 : vector<16xi32>
    %jit3A_498 = arith.constant 0 : i32
    %broadcast_in_dim3A_499 = vector.broadcast %jit3A_498 : i32 to vector<16xi32>
    %select_n3A_500 = arith.select %eq3A_497, %get3A_446, %broadcast_in_dim3A_499 : vector<16xi1>, vector<16xi32>
    %reduce_sum3A_501 = arith.constant true
    %reduce_sum3A_502 = vector.broadcast %reduce_sum3A_501 : i1 to vector<16xi1>
    %reduce_sum3A_503 = tpu.scan <sum>, %select_n3A_500 masked %reduce_sum3A_502 : vector<16xi32>, vector<16xi1> -> vector<16xi32>
    %reduce_sum3A_504 = vector.extract %reduce_sum3A_503[15] : i32 from vector<16xi32>
    %add3A_505 = arith.constant 20 : i32
    %add3A_506 = arith.addi %mul3A_2, %add3A_505 : i32
    %eq3A_507 = arith.constant 5 : i32
    %eq3A_508 = vector.broadcast %eq3A_507 : i32 to vector<16xi32>
    %eq3A_509 = arith.cmpi eq, %iota3A, %eq3A_508 : vector<16xi32>
    %jit3A_510 = arith.constant 0 : i32
    %broadcast_in_dim3A_511 = vector.broadcast %jit3A_510 : i32 to vector<16xi32>
    %select_n3A_512 = arith.select %eq3A_509, %get3A_446, %broadcast_in_dim3A_511 : vector<16xi1>, vector<16xi32>
    %reduce_sum3A_513 = arith.constant true
    %reduce_sum3A_514 = vector.broadcast %reduce_sum3A_513 : i1 to vector<16xi1>
    %reduce_sum3A_515 = tpu.scan <sum>, %select_n3A_512 masked %reduce_sum3A_514 : vector<16xi32>, vector<16xi1> -> vector<16xi32>
    %reduce_sum3A_516 = vector.extract %reduce_sum3A_515[15] : i32 from vector<16xi32>
    %add3A_517 = arith.constant 21 : i32
    %add3A_518 = arith.addi %mul3A_2, %add3A_517 : i32
    %eq3A_519 = arith.constant 6 : i32
    %eq3A_520 = vector.broadcast %eq3A_519 : i32 to vector<16xi32>
    %eq3A_521 = arith.cmpi eq, %iota3A, %eq3A_520 : vector<16xi32>
    %jit3A_522 = arith.constant 0 : i32
    %broadcast_in_dim3A_523 = vector.broadcast %jit3A_522 : i32 to vector<16xi32>
    %select_n3A_524 = arith.select %eq3A_521, %get3A_446, %broadcast_in_dim3A_523 : vector<16xi1>, vector<16xi32>
    %reduce_sum3A_525 = arith.constant true
    %reduce_sum3A_526 = vector.broadcast %reduce_sum3A_525 : i1 to vector<16xi1>
    %reduce_sum3A_527 = tpu.scan <sum>, %select_n3A_524 masked %reduce_sum3A_526 : vector<16xi32>, vector<16xi1> -> vector<16xi32>
    %reduce_sum3A_528 = vector.extract %reduce_sum3A_527[15] : i32 from vector<16xi32>
    %add3A_529 = arith.constant 22 : i32
    %add3A_530 = arith.addi %mul3A_2, %add3A_529 : i32
    %eq3A_531 = arith.constant 7 : i32
    %eq3A_532 = vector.broadcast %eq3A_531 : i32 to vector<16xi32>
    %eq3A_533 = arith.cmpi eq, %iota3A, %eq3A_532 : vector<16xi32>
    %jit3A_534 = arith.constant 0 : i32
    %broadcast_in_dim3A_535 = vector.broadcast %jit3A_534 : i32 to vector<16xi32>
    %select_n3A_536 = arith.select %eq3A_533, %get3A_446, %broadcast_in_dim3A_535 : vector<16xi1>, vector<16xi32>
    %reduce_sum3A_537 = arith.constant true
    %reduce_sum3A_538 = vector.broadcast %reduce_sum3A_537 : i1 to vector<16xi1>
    %reduce_sum3A_539 = tpu.scan <sum>, %select_n3A_536 masked %reduce_sum3A_538 : vector<16xi32>, vector<16xi1> -> vector<16xi32>
    %reduce_sum3A_540 = vector.extract %reduce_sum3A_539[15] : i32 from vector<16xi32>
    %add3A_541 = arith.constant 23 : i32
    %add3A_542 = arith.addi %mul3A_2, %add3A_541 : i32
    %eq3A_543 = arith.constant 8 : i32
    %eq3A_544 = vector.broadcast %eq3A_543 : i32 to vector<16xi32>
    %eq3A_545 = arith.cmpi eq, %iota3A, %eq3A_544 : vector<16xi32>
    %jit3A_546 = arith.constant 0 : i32
    %broadcast_in_dim3A_547 = vector.broadcast %jit3A_546 : i32 to vector<16xi32>
    %select_n3A_548 = arith.select %eq3A_545, %get3A_446, %broadcast_in_dim3A_547 : vector<16xi1>, vector<16xi32>
    %reduce_sum3A_549 = arith.constant true
    %reduce_sum3A_550 = vector.broadcast %reduce_sum3A_549 : i1 to vector<16xi1>
    %reduce_sum3A_551 = tpu.scan <sum>, %select_n3A_548 masked %reduce_sum3A_550 : vector<16xi32>, vector<16xi1> -> vector<16xi32>
    %reduce_sum3A_552 = vector.extract %reduce_sum3A_551[15] : i32 from vector<16xi32>
    %add3A_553 = arith.constant 24 : i32
    %add3A_554 = arith.addi %mul3A_2, %add3A_553 : i32
    %eq3A_555 = arith.constant 9 : i32
    %eq3A_556 = vector.broadcast %eq3A_555 : i32 to vector<16xi32>
    %eq3A_557 = arith.cmpi eq, %iota3A, %eq3A_556 : vector<16xi32>
    %jit3A_558 = arith.constant 0 : i32
    %broadcast_in_dim3A_559 = vector.broadcast %jit3A_558 : i32 to vector<16xi32>
    %select_n3A_560 = arith.select %eq3A_557, %get3A_446, %broadcast_in_dim3A_559 : vector<16xi1>, vector<16xi32>
    %reduce_sum3A_561 = arith.constant true
    %reduce_sum3A_562 = vector.broadcast %reduce_sum3A_561 : i1 to vector<16xi1>
    %reduce_sum3A_563 = tpu.scan <sum>, %select_n3A_560 masked %reduce_sum3A_562 : vector<16xi32>, vector<16xi1> -> vector<16xi32>
    %reduce_sum3A_564 = vector.extract %reduce_sum3A_563[15] : i32 from vector<16xi32>
    %add3A_565 = arith.constant 25 : i32
    %add3A_566 = arith.addi %mul3A_2, %add3A_565 : i32
    %eq3A_567 = arith.constant 10 : i32
    %eq3A_568 = vector.broadcast %eq3A_567 : i32 to vector<16xi32>
    %eq3A_569 = arith.cmpi eq, %iota3A, %eq3A_568 : vector<16xi32>
    %jit3A_570 = arith.constant 0 : i32
    %broadcast_in_dim3A_571 = vector.broadcast %jit3A_570 : i32 to vector<16xi32>
    %select_n3A_572 = arith.select %eq3A_569, %get3A_446, %broadcast_in_dim3A_571 : vector<16xi1>, vector<16xi32>
    %reduce_sum3A_573 = arith.constant true
    %reduce_sum3A_574 = vector.broadcast %reduce_sum3A_573 : i1 to vector<16xi1>
    %reduce_sum3A_575 = tpu.scan <sum>, %select_n3A_572 masked %reduce_sum3A_574 : vector<16xi32>, vector<16xi1> -> vector<16xi32>
    %reduce_sum3A_576 = vector.extract %reduce_sum3A_575[15] : i32 from vector<16xi32>
    %add3A_577 = arith.constant 26 : i32
    %add3A_578 = arith.addi %mul3A_2, %add3A_577 : i32
    %eq3A_579 = arith.constant 11 : i32
    %eq3A_580 = vector.broadcast %eq3A_579 : i32 to vector<16xi32>
    %eq3A_581 = arith.cmpi eq, %iota3A, %eq3A_580 : vector<16xi32>
    %jit3A_582 = arith.constant 0 : i32
    %broadcast_in_dim3A_583 = vector.broadcast %jit3A_582 : i32 to vector<16xi32>
    %select_n3A_584 = arith.select %eq3A_581, %get3A_446, %broadcast_in_dim3A_583 : vector<16xi1>, vector<16xi32>
    %reduce_sum3A_585 = arith.constant true
    %reduce_sum3A_586 = vector.broadcast %reduce_sum3A_585 : i1 to vector<16xi1>
    %reduce_sum3A_587 = tpu.scan <sum>, %select_n3A_584 masked %reduce_sum3A_586 : vector<16xi32>, vector<16xi1> -> vector<16xi32>
    %reduce_sum3A_588 = vector.extract %reduce_sum3A_587[15] : i32 from vector<16xi32>
    %add3A_589 = arith.constant 27 : i32
    %add3A_590 = arith.addi %mul3A_2, %add3A_589 : i32
    %eq3A_591 = arith.constant 12 : i32
    %eq3A_592 = vector.broadcast %eq3A_591 : i32 to vector<16xi32>
    %eq3A_593 = arith.cmpi eq, %iota3A, %eq3A_592 : vector<16xi32>
    %jit3A_594 = arith.constant 0 : i32
    %broadcast_in_dim3A_595 = vector.broadcast %jit3A_594 : i32 to vector<16xi32>
    %select_n3A_596 = arith.select %eq3A_593, %get3A_446, %broadcast_in_dim3A_595 : vector<16xi1>, vector<16xi32>
    %reduce_sum3A_597 = arith.constant true
    %reduce_sum3A_598 = vector.broadcast %reduce_sum3A_597 : i1 to vector<16xi1>
    %reduce_sum3A_599 = tpu.scan <sum>, %select_n3A_596 masked %reduce_sum3A_598 : vector<16xi32>, vector<16xi1> -> vector<16xi32>
    %reduce_sum3A_600 = vector.extract %reduce_sum3A_599[15] : i32 from vector<16xi32>
    %add3A_601 = arith.constant 28 : i32
    %add3A_602 = arith.addi %mul3A_2, %add3A_601 : i32
    %eq3A_603 = arith.constant 13 : i32
    %eq3A_604 = vector.broadcast %eq3A_603 : i32 to vector<16xi32>
    %eq3A_605 = arith.cmpi eq, %iota3A, %eq3A_604 : vector<16xi32>
    %jit3A_606 = arith.constant 0 : i32
    %broadcast_in_dim3A_607 = vector.broadcast %jit3A_606 : i32 to vector<16xi32>
    %select_n3A_608 = arith.select %eq3A_605, %get3A_446, %broadcast_in_dim3A_607 : vector<16xi1>, vector<16xi32>
    %reduce_sum3A_609 = arith.constant true
    %reduce_sum3A_610 = vector.broadcast %reduce_sum3A_609 : i1 to vector<16xi1>
    %reduce_sum3A_611 = tpu.scan <sum>, %select_n3A_608 masked %reduce_sum3A_610 : vector<16xi32>, vector<16xi1> -> vector<16xi32>
    %reduce_sum3A_612 = vector.extract %reduce_sum3A_611[15] : i32 from vector<16xi32>
    %add3A_613 = arith.constant 29 : i32
    %add3A_614 = arith.addi %mul3A_2, %add3A_613 : i32
    %eq3A_615 = arith.constant 14 : i32
    %eq3A_616 = vector.broadcast %eq3A_615 : i32 to vector<16xi32>
    %eq3A_617 = arith.cmpi eq, %iota3A, %eq3A_616 : vector<16xi32>
    %jit3A_618 = arith.constant 0 : i32
    %broadcast_in_dim3A_619 = vector.broadcast %jit3A_618 : i32 to vector<16xi32>
    %select_n3A_620 = arith.select %eq3A_617, %get3A_446, %broadcast_in_dim3A_619 : vector<16xi1>, vector<16xi32>
    %reduce_sum3A_621 = arith.constant true
    %reduce_sum3A_622 = vector.broadcast %reduce_sum3A_621 : i1 to vector<16xi1>
    %reduce_sum3A_623 = tpu.scan <sum>, %select_n3A_620 masked %reduce_sum3A_622 : vector<16xi32>, vector<16xi1> -> vector<16xi32>
    %reduce_sum3A_624 = vector.extract %reduce_sum3A_623[15] : i32 from vector<16xi32>
    %add3A_625 = arith.constant 30 : i32
    %add3A_626 = arith.addi %mul3A_2, %add3A_625 : i32
    %eq3A_627 = arith.constant 15 : i32
    %eq3A_628 = vector.broadcast %eq3A_627 : i32 to vector<16xi32>
    %eq3A_629 = arith.cmpi eq, %iota3A, %eq3A_628 : vector<16xi32>
    %jit3A_630 = arith.constant 0 : i32
    %broadcast_in_dim3A_631 = vector.broadcast %jit3A_630 : i32 to vector<16xi32>
    %select_n3A_632 = arith.select %eq3A_629, %get3A_446, %broadcast_in_dim3A_631 : vector<16xi1>, vector<16xi32>
    %reduce_sum3A_633 = arith.constant true
    %reduce_sum3A_634 = vector.broadcast %reduce_sum3A_633 : i1 to vector<16xi1>
    %reduce_sum3A_635 = tpu.scan <sum>, %select_n3A_632 masked %reduce_sum3A_634 : vector<16xi32>, vector<16xi1> -> vector<16xi32>
    %reduce_sum3A_636 = vector.extract %reduce_sum3A_635[15] : i32 from vector<16xi32>
    %add3A_637 = arith.constant 31 : i32
    %add3A_638 = arith.addi %mul3A_2, %add3A_637 : i32
    %dma_start3A_639 = arith.constant 0 : i32
    %dma_start3A_640 = arith.constant 0 : i32
    %dma_start3A_641 = tpu.memref_slice %arg4[%add3A_458, %dma_start3A_639, %dma_start3A_640] : memref<1024x64x96xf32, #tpu.memory_space<hbm>> -> memref<1x64x96xf32, #tpu.memory_space<hbm>>
    %dma_start3A_642 = tpu.memref_squeeze %dma_start3A_641 : memref<1x64x96xf32, #tpu.memory_space<hbm>> -> memref<64x96xf32, #tpu.memory_space<hbm>>
    %dma_start3A_643 = arith.constant 0 : i32
    %dma_start3A_644 = arith.constant 0 : i32
    %dma_start3A_645 = tpu.memref_slice %arg2[%reduce_sum3A_456, %dma_start3A_643, %dma_start3A_644] : memref<8192x64x96xf32, #tpu.memory_space<hbm>> -> memref<1x64x96xf32, #tpu.memory_space<hbm>>
    %dma_start3A_646 = tpu.memref_squeeze %dma_start3A_645 : memref<1x64x96xf32, #tpu.memory_space<hbm>> -> memref<64x96xf32, #tpu.memory_space<hbm>>
    tpu.enqueue_dma source(%dma_start3A_646 : memref<64x96xf32, #tpu.memory_space<hbm>>) target(%dma_start3A_642 : memref<64x96xf32, #tpu.memory_space<hbm>>) target_semaphore(%arg6 : memref<!tpu.dma_semaphore, #tpu.memory_space<semaphore_mem>>)
    %dma_start3A_647 = arith.constant 0 : i32
    %dma_start3A_648 = arith.constant 0 : i32
    %dma_start3A_649 = tpu.memref_slice %arg4[%add3A_470, %dma_start3A_647, %dma_start3A_648] : memref<1024x64x96xf32, #tpu.memory_space<hbm>> -> memref<1x64x96xf32, #tpu.memory_space<hbm>>
    %dma_start3A_650 = tpu.memref_squeeze %dma_start3A_649 : memref<1x64x96xf32, #tpu.memory_space<hbm>> -> memref<64x96xf32, #tpu.memory_space<hbm>>
    %dma_start3A_651 = arith.constant 0 : i32
    %dma_start3A_652 = arith.constant 0 : i32
    %dma_start3A_653 = tpu.memref_slice %arg2[%reduce_sum3A_468, %dma_start3A_651, %dma_start3A_652] : memref<8192x64x96xf32, #tpu.memory_space<hbm>> -> memref<1x64x96xf32, #tpu.memory_space<hbm>>
    %dma_start3A_654 = tpu.memref_squeeze %dma_start3A_653 : memref<1x64x96xf32, #tpu.memory_space<hbm>> -> memref<64x96xf32, #tpu.memory_space<hbm>>
    tpu.enqueue_dma source(%dma_start3A_654 : memref<64x96xf32, #tpu.memory_space<hbm>>) target(%dma_start3A_650 : memref<64x96xf32, #tpu.memory_space<hbm>>) target_semaphore(%arg6 : memref<!tpu.dma_semaphore, #tpu.memory_space<semaphore_mem>>)
    %dma_start3A_655 = arith.constant 0 : i32
    %dma_start3A_656 = arith.constant 0 : i32
    %dma_start3A_657 = tpu.memref_slice %arg4[%add3A_482, %dma_start3A_655, %dma_start3A_656] : memref<1024x64x96xf32, #tpu.memory_space<hbm>> -> memref<1x64x96xf32, #tpu.memory_space<hbm>>
    %dma_start3A_658 = tpu.memref_squeeze %dma_start3A_657 : memref<1x64x96xf32, #tpu.memory_space<hbm>> -> memref<64x96xf32, #tpu.memory_space<hbm>>
    %dma_start3A_659 = arith.constant 0 : i32
    %dma_start3A_660 = arith.constant 0 : i32
    %dma_start3A_661 = tpu.memref_slice %arg2[%reduce_sum3A_480, %dma_start3A_659, %dma_start3A_660] : memref<8192x64x96xf32, #tpu.memory_space<hbm>> -> memref<1x64x96xf32, #tpu.memory_space<hbm>>
    %dma_start3A_662 = tpu.memref_squeeze %dma_start3A_661 : memref<1x64x96xf32, #tpu.memory_space<hbm>> -> memref<64x96xf32, #tpu.memory_space<hbm>>
    tpu.enqueue_dma source(%dma_start3A_662 : memref<64x96xf32, #tpu.memory_space<hbm>>) target(%dma_start3A_658 : memref<64x96xf32, #tpu.memory_space<hbm>>) target_semaphore(%arg6 : memref<!tpu.dma_semaphore, #tpu.memory_space<semaphore_mem>>)
    %dma_start3A_663 = arith.constant 0 : i32
    %dma_start3A_664 = arith.constant 0 : i32
    %dma_start3A_665 = tpu.memref_slice %arg4[%add3A_494, %dma_start3A_663, %dma_start3A_664] : memref<1024x64x96xf32, #tpu.memory_space<hbm>> -> memref<1x64x96xf32, #tpu.memory_space<hbm>>
    %dma_start3A_666 = tpu.memref_squeeze %dma_start3A_665 : memref<1x64x96xf32, #tpu.memory_space<hbm>> -> memref<64x96xf32, #tpu.memory_space<hbm>>
    %dma_start3A_667 = arith.constant 0 : i32
    %dma_start3A_668 = arith.constant 0 : i32
    %dma_start3A_669 = tpu.memref_slice %arg2[%reduce_sum3A_492, %dma_start3A_667, %dma_start3A_668] : memref<8192x64x96xf32, #tpu.memory_space<hbm>> -> memref<1x64x96xf32, #tpu.memory_space<hbm>>
    %dma_start3A_670 = tpu.memref_squeeze %dma_start3A_669 : memref<1x64x96xf32, #tpu.memory_space<hbm>> -> memref<64x96xf32, #tpu.memory_space<hbm>>
    tpu.enqueue_dma source(%dma_start3A_670 : memref<64x96xf32, #tpu.memory_space<hbm>>) target(%dma_start3A_666 : memref<64x96xf32, #tpu.memory_space<hbm>>) target_semaphore(%arg6 : memref<!tpu.dma_semaphore, #tpu.memory_space<semaphore_mem>>)
    %dma_start3A_671 = arith.constant 0 : i32
    %dma_start3A_672 = arith.constant 0 : i32
    %dma_start3A_673 = tpu.memref_slice %arg4[%add3A_506, %dma_start3A_671, %dma_start3A_672] : memref<1024x64x96xf32, #tpu.memory_space<hbm>> -> memref<1x64x96xf32, #tpu.memory_space<hbm>>
    %dma_start3A_674 = tpu.memref_squeeze %dma_start3A_673 : memref<1x64x96xf32, #tpu.memory_space<hbm>> -> memref<64x96xf32, #tpu.memory_space<hbm>>
    %dma_start3A_675 = arith.constant 0 : i32
    %dma_start3A_676 = arith.constant 0 : i32
    %dma_start3A_677 = tpu.memref_slice %arg2[%reduce_sum3A_504, %dma_start3A_675, %dma_start3A_676] : memref<8192x64x96xf32, #tpu.memory_space<hbm>> -> memref<1x64x96xf32, #tpu.memory_space<hbm>>
    %dma_start3A_678 = tpu.memref_squeeze %dma_start3A_677 : memref<1x64x96xf32, #tpu.memory_space<hbm>> -> memref<64x96xf32, #tpu.memory_space<hbm>>
    tpu.enqueue_dma source(%dma_start3A_678 : memref<64x96xf32, #tpu.memory_space<hbm>>) target(%dma_start3A_674 : memref<64x96xf32, #tpu.memory_space<hbm>>) target_semaphore(%arg6 : memref<!tpu.dma_semaphore, #tpu.memory_space<semaphore_mem>>)
    %dma_start3A_679 = arith.constant 0 : i32
    %dma_start3A_680 = arith.constant 0 : i32
    %dma_start3A_681 = tpu.memref_slice %arg4[%add3A_518, %dma_start3A_679, %dma_start3A_680] : memref<1024x64x96xf32, #tpu.memory_space<hbm>> -> memref<1x64x96xf32, #tpu.memory_space<hbm>>
    %dma_start3A_682 = tpu.memref_squeeze %dma_start3A_681 : memref<1x64x96xf32, #tpu.memory_space<hbm>> -> memref<64x96xf32, #tpu.memory_space<hbm>>
    %dma_start3A_683 = arith.constant 0 : i32
    %dma_start3A_684 = arith.constant 0 : i32
    %dma_start3A_685 = tpu.memref_slice %arg2[%reduce_sum3A_516, %dma_start3A_683, %dma_start3A_684] : memref<8192x64x96xf32, #tpu.memory_space<hbm>> -> memref<1x64x96xf32, #tpu.memory_space<hbm>>
    %dma_start3A_686 = tpu.memref_squeeze %dma_start3A_685 : memref<1x64x96xf32, #tpu.memory_space<hbm>> -> memref<64x96xf32, #tpu.memory_space<hbm>>
    tpu.enqueue_dma source(%dma_start3A_686 : memref<64x96xf32, #tpu.memory_space<hbm>>) target(%dma_start3A_682 : memref<64x96xf32, #tpu.memory_space<hbm>>) target_semaphore(%arg6 : memref<!tpu.dma_semaphore, #tpu.memory_space<semaphore_mem>>)
    %dma_start3A_687 = arith.constant 0 : i32
    %dma_start3A_688 = arith.constant 0 : i32
    %dma_start3A_689 = tpu.memref_slice %arg4[%add3A_530, %dma_start3A_687, %dma_start3A_688] : memref<1024x64x96xf32, #tpu.memory_space<hbm>> -> memref<1x64x96xf32, #tpu.memory_space<hbm>>
    %dma_start3A_690 = tpu.memref_squeeze %dma_start3A_689 : memref<1x64x96xf32, #tpu.memory_space<hbm>> -> memref<64x96xf32, #tpu.memory_space<hbm>>
    %dma_start3A_691 = arith.constant 0 : i32
    %dma_start3A_692 = arith.constant 0 : i32
    %dma_start3A_693 = tpu.memref_slice %arg2[%reduce_sum3A_528, %dma_start3A_691, %dma_start3A_692] : memref<8192x64x96xf32, #tpu.memory_space<hbm>> -> memref<1x64x96xf32, #tpu.memory_space<hbm>>
    %dma_start3A_694 = tpu.memref_squeeze %dma_start3A_693 : memref<1x64x96xf32, #tpu.memory_space<hbm>> -> memref<64x96xf32, #tpu.memory_space<hbm>>
    tpu.enqueue_dma source(%dma_start3A_694 : memref<64x96xf32, #tpu.memory_space<hbm>>) target(%dma_start3A_690 : memref<64x96xf32, #tpu.memory_space<hbm>>) target_semaphore(%arg6 : memref<!tpu.dma_semaphore, #tpu.memory_space<semaphore_mem>>)
    %dma_start3A_695 = arith.constant 0 : i32
    %dma_start3A_696 = arith.constant 0 : i32
    %dma_start3A_697 = tpu.memref_slice %arg4[%add3A_542, %dma_start3A_695, %dma_start3A_696] : memref<1024x64x96xf32, #tpu.memory_space<hbm>> -> memref<1x64x96xf32, #tpu.memory_space<hbm>>
    %dma_start3A_698 = tpu.memref_squeeze %dma_start3A_697 : memref<1x64x96xf32, #tpu.memory_space<hbm>> -> memref<64x96xf32, #tpu.memory_space<hbm>>
    %dma_start3A_699 = arith.constant 0 : i32
    %dma_start3A_700 = arith.constant 0 : i32
    %dma_start3A_701 = tpu.memref_slice %arg2[%reduce_sum3A_540, %dma_start3A_699, %dma_start3A_700] : memref<8192x64x96xf32, #tpu.memory_space<hbm>> -> memref<1x64x96xf32, #tpu.memory_space<hbm>>
    %dma_start3A_702 = tpu.memref_squeeze %dma_start3A_701 : memref<1x64x96xf32, #tpu.memory_space<hbm>> -> memref<64x96xf32, #tpu.memory_space<hbm>>
    tpu.enqueue_dma source(%dma_start3A_702 : memref<64x96xf32, #tpu.memory_space<hbm>>) target(%dma_start3A_698 : memref<64x96xf32, #tpu.memory_space<hbm>>) target_semaphore(%arg6 : memref<!tpu.dma_semaphore, #tpu.memory_space<semaphore_mem>>)
    %dma_start3A_703 = arith.constant 0 : i32
    %dma_start3A_704 = arith.constant 0 : i32
    %dma_start3A_705 = tpu.memref_slice %arg4[%add3A_554, %dma_start3A_703, %dma_start3A_704] : memref<1024x64x96xf32, #tpu.memory_space<hbm>> -> memref<1x64x96xf32, #tpu.memory_space<hbm>>
    %dma_start3A_706 = tpu.memref_squeeze %dma_start3A_705 : memref<1x64x96xf32, #tpu.memory_space<hbm>> -> memref<64x96xf32, #tpu.memory_space<hbm>>
    %dma_start3A_707 = arith.constant 0 : i32
    %dma_start3A_708 = arith.constant 0 : i32
    %dma_start3A_709 = tpu.memref_slice %arg2[%reduce_sum3A_552, %dma_start3A_707, %dma_start3A_708] : memref<8192x64x96xf32, #tpu.memory_space<hbm>> -> memref<1x64x96xf32, #tpu.memory_space<hbm>>
    %dma_start3A_710 = tpu.memref_squeeze %dma_start3A_709 : memref<1x64x96xf32, #tpu.memory_space<hbm>> -> memref<64x96xf32, #tpu.memory_space<hbm>>
    tpu.enqueue_dma source(%dma_start3A_710 : memref<64x96xf32, #tpu.memory_space<hbm>>) target(%dma_start3A_706 : memref<64x96xf32, #tpu.memory_space<hbm>>) target_semaphore(%arg6 : memref<!tpu.dma_semaphore, #tpu.memory_space<semaphore_mem>>)
    %dma_start3A_711 = arith.constant 0 : i32
    %dma_start3A_712 = arith.constant 0 : i32
    %dma_start3A_713 = tpu.memref_slice %arg4[%add3A_566, %dma_start3A_711, %dma_start3A_712] : memref<1024x64x96xf32, #tpu.memory_space<hbm>> -> memref<1x64x96xf32, #tpu.memory_space<hbm>>
    %dma_start3A_714 = tpu.memref_squeeze %dma_start3A_713 : memref<1x64x96xf32, #tpu.memory_space<hbm>> -> memref<64x96xf32, #tpu.memory_space<hbm>>
    %dma_start3A_715 = arith.constant 0 : i32
    %dma_start3A_716 = arith.constant 0 : i32
    %dma_start3A_717 = tpu.memref_slice %arg2[%reduce_sum3A_564, %dma_start3A_715, %dma_start3A_716] : memref<8192x64x96xf32, #tpu.memory_space<hbm>> -> memref<1x64x96xf32, #tpu.memory_space<hbm>>
    %dma_start3A_718 = tpu.memref_squeeze %dma_start3A_717 : memref<1x64x96xf32, #tpu.memory_space<hbm>> -> memref<64x96xf32, #tpu.memory_space<hbm>>
    tpu.enqueue_dma source(%dma_start3A_718 : memref<64x96xf32, #tpu.memory_space<hbm>>) target(%dma_start3A_714 : memref<64x96xf32, #tpu.memory_space<hbm>>) target_semaphore(%arg6 : memref<!tpu.dma_semaphore, #tpu.memory_space<semaphore_mem>>)
    %dma_start3A_719 = arith.constant 0 : i32
    %dma_start3A_720 = arith.constant 0 : i32
    %dma_start3A_721 = tpu.memref_slice %arg4[%add3A_578, %dma_start3A_719, %dma_start3A_720] : memref<1024x64x96xf32, #tpu.memory_space<hbm>> -> memref<1x64x96xf32, #tpu.memory_space<hbm>>
    %dma_start3A_722 = tpu.memref_squeeze %dma_start3A_721 : memref<1x64x96xf32, #tpu.memory_space<hbm>> -> memref<64x96xf32, #tpu.memory_space<hbm>>
    %dma_start3A_723 = arith.constant 0 : i32
    %dma_start3A_724 = arith.constant 0 : i32
    %dma_start3A_725 = tpu.memref_slice %arg2[%reduce_sum3A_576, %dma_start3A_723, %dma_start3A_724] : memref<8192x64x96xf32, #tpu.memory_space<hbm>> -> memref<1x64x96xf32, #tpu.memory_space<hbm>>
    %dma_start3A_726 = tpu.memref_squeeze %dma_start3A_725 : memref<1x64x96xf32, #tpu.memory_space<hbm>> -> memref<64x96xf32, #tpu.memory_space<hbm>>
    tpu.enqueue_dma source(%dma_start3A_726 : memref<64x96xf32, #tpu.memory_space<hbm>>) target(%dma_start3A_722 : memref<64x96xf32, #tpu.memory_space<hbm>>) target_semaphore(%arg6 : memref<!tpu.dma_semaphore, #tpu.memory_space<semaphore_mem>>)
    %dma_start3A_727 = arith.constant 0 : i32
    %dma_start3A_728 = arith.constant 0 : i32
    %dma_start3A_729 = tpu.memref_slice %arg4[%add3A_590, %dma_start3A_727, %dma_start3A_728] : memref<1024x64x96xf32, #tpu.memory_space<hbm>> -> memref<1x64x96xf32, #tpu.memory_space<hbm>>
    %dma_start3A_730 = tpu.memref_squeeze %dma_start3A_729 : memref<1x64x96xf32, #tpu.memory_space<hbm>> -> memref<64x96xf32, #tpu.memory_space<hbm>>
    %dma_start3A_731 = arith.constant 0 : i32
    %dma_start3A_732 = arith.constant 0 : i32
    %dma_start3A_733 = tpu.memref_slice %arg2[%reduce_sum3A_588, %dma_start3A_731, %dma_start3A_732] : memref<8192x64x96xf32, #tpu.memory_space<hbm>> -> memref<1x64x96xf32, #tpu.memory_space<hbm>>
    %dma_start3A_734 = tpu.memref_squeeze %dma_start3A_733 : memref<1x64x96xf32, #tpu.memory_space<hbm>> -> memref<64x96xf32, #tpu.memory_space<hbm>>
    tpu.enqueue_dma source(%dma_start3A_734 : memref<64x96xf32, #tpu.memory_space<hbm>>) target(%dma_start3A_730 : memref<64x96xf32, #tpu.memory_space<hbm>>) target_semaphore(%arg6 : memref<!tpu.dma_semaphore, #tpu.memory_space<semaphore_mem>>)
    %dma_start3A_735 = arith.constant 0 : i32
    %dma_start3A_736 = arith.constant 0 : i32
    %dma_start3A_737 = tpu.memref_slice %arg4[%add3A_602, %dma_start3A_735, %dma_start3A_736] : memref<1024x64x96xf32, #tpu.memory_space<hbm>> -> memref<1x64x96xf32, #tpu.memory_space<hbm>>
    %dma_start3A_738 = tpu.memref_squeeze %dma_start3A_737 : memref<1x64x96xf32, #tpu.memory_space<hbm>> -> memref<64x96xf32, #tpu.memory_space<hbm>>
    %dma_start3A_739 = arith.constant 0 : i32
    %dma_start3A_740 = arith.constant 0 : i32
    %dma_start3A_741 = tpu.memref_slice %arg2[%reduce_sum3A_600, %dma_start3A_739, %dma_start3A_740] : memref<8192x64x96xf32, #tpu.memory_space<hbm>> -> memref<1x64x96xf32, #tpu.memory_space<hbm>>
    %dma_start3A_742 = tpu.memref_squeeze %dma_start3A_741 : memref<1x64x96xf32, #tpu.memory_space<hbm>> -> memref<64x96xf32, #tpu.memory_space<hbm>>
    tpu.enqueue_dma source(%dma_start3A_742 : memref<64x96xf32, #tpu.memory_space<hbm>>) target(%dma_start3A_738 : memref<64x96xf32, #tpu.memory_space<hbm>>) target_semaphore(%arg6 : memref<!tpu.dma_semaphore, #tpu.memory_space<semaphore_mem>>)
    %dma_start3A_743 = arith.constant 0 : i32
    %dma_start3A_744 = arith.constant 0 : i32
    %dma_start3A_745 = tpu.memref_slice %arg4[%add3A_614, %dma_start3A_743, %dma_start3A_744] : memref<1024x64x96xf32, #tpu.memory_space<hbm>> -> memref<1x64x96xf32, #tpu.memory_space<hbm>>
    %dma_start3A_746 = tpu.memref_squeeze %dma_start3A_745 : memref<1x64x96xf32, #tpu.memory_space<hbm>> -> memref<64x96xf32, #tpu.memory_space<hbm>>
    %dma_start3A_747 = arith.constant 0 : i32
    %dma_start3A_748 = arith.constant 0 : i32
    %dma_start3A_749 = tpu.memref_slice %arg2[%reduce_sum3A_612, %dma_start3A_747, %dma_start3A_748] : memref<8192x64x96xf32, #tpu.memory_space<hbm>> -> memref<1x64x96xf32, #tpu.memory_space<hbm>>
    %dma_start3A_750 = tpu.memref_squeeze %dma_start3A_749 : memref<1x64x96xf32, #tpu.memory_space<hbm>> -> memref<64x96xf32, #tpu.memory_space<hbm>>
    tpu.enqueue_dma source(%dma_start3A_750 : memref<64x96xf32, #tpu.memory_space<hbm>>) target(%dma_start3A_746 : memref<64x96xf32, #tpu.memory_space<hbm>>) target_semaphore(%arg6 : memref<!tpu.dma_semaphore, #tpu.memory_space<semaphore_mem>>)
    %dma_start3A_751 = arith.constant 0 : i32
    %dma_start3A_752 = arith.constant 0 : i32
    %dma_start3A_753 = tpu.memref_slice %arg4[%add3A_626, %dma_start3A_751, %dma_start3A_752] : memref<1024x64x96xf32, #tpu.memory_space<hbm>> -> memref<1x64x96xf32, #tpu.memory_space<hbm>>
    %dma_start3A_754 = tpu.memref_squeeze %dma_start3A_753 : memref<1x64x96xf32, #tpu.memory_space<hbm>> -> memref<64x96xf32, #tpu.memory_space<hbm>>
    %dma_start3A_755 = arith.constant 0 : i32
    %dma_start3A_756 = arith.constant 0 : i32
    %dma_start3A_757 = tpu.memref_slice %arg2[%reduce_sum3A_624, %dma_start3A_755, %dma_start3A_756] : memref<8192x64x96xf32, #tpu.memory_space<hbm>> -> memref<1x64x96xf32, #tpu.memory_space<hbm>>
    %dma_start3A_758 = tpu.memref_squeeze %dma_start3A_757 : memref<1x64x96xf32, #tpu.memory_space<hbm>> -> memref<64x96xf32, #tpu.memory_space<hbm>>
    tpu.enqueue_dma source(%dma_start3A_758 : memref<64x96xf32, #tpu.memory_space<hbm>>) target(%dma_start3A_754 : memref<64x96xf32, #tpu.memory_space<hbm>>) target_semaphore(%arg6 : memref<!tpu.dma_semaphore, #tpu.memory_space<semaphore_mem>>)
    %dma_start3A_759 = arith.constant 0 : i32
    %dma_start3A_760 = arith.constant 0 : i32
    %dma_start3A_761 = tpu.memref_slice %arg4[%add3A_638, %dma_start3A_759, %dma_start3A_760] : memref<1024x64x96xf32, #tpu.memory_space<hbm>> -> memref<1x64x96xf32, #tpu.memory_space<hbm>>
    %dma_start3A_762 = tpu.memref_squeeze %dma_start3A_761 : memref<1x64x96xf32, #tpu.memory_space<hbm>> -> memref<64x96xf32, #tpu.memory_space<hbm>>
    %dma_start3A_763 = arith.constant 0 : i32
    %dma_start3A_764 = arith.constant 0 : i32
    %dma_start3A_765 = tpu.memref_slice %arg2[%reduce_sum3A_636, %dma_start3A_763, %dma_start3A_764] : memref<8192x64x96xf32, #tpu.memory_space<hbm>> -> memref<1x64x96xf32, #tpu.memory_space<hbm>>
    %dma_start3A_766 = tpu.memref_squeeze %dma_start3A_765 : memref<1x64x96xf32, #tpu.memory_space<hbm>> -> memref<64x96xf32, #tpu.memory_space<hbm>>
    tpu.enqueue_dma source(%dma_start3A_766 : memref<64x96xf32, #tpu.memory_space<hbm>>) target(%dma_start3A_762 : memref<64x96xf32, #tpu.memory_space<hbm>>) target_semaphore(%arg6 : memref<!tpu.dma_semaphore, #tpu.memory_space<semaphore_mem>>)
    %dma_wait3A_767 = arith.constant 0 : i32
    %dma_wait3A_768 = arith.constant 0 : i32
    %dma_wait3A_769 = tpu.memref_slice %arg4[%add3A_458, %dma_wait3A_767, %dma_wait3A_768] : memref<1024x64x96xf32, #tpu.memory_space<hbm>> -> memref<1x64x96xf32, #tpu.memory_space<hbm>>
    %dma_wait3A_770 = tpu.memref_squeeze %dma_wait3A_769 : memref<1x64x96xf32, #tpu.memory_space<hbm>> -> memref<64x96xf32, #tpu.memory_space<hbm>>
    %dma_wait3A_771 = arith.constant 0 : i32
    %dma_wait3A_772 = arith.constant 0 : i32
    %dma_wait3A_773 = tpu.memref_slice %arg2[%reduce_sum3A_456, %dma_wait3A_771, %dma_wait3A_772] : memref<8192x64x96xf32, #tpu.memory_space<hbm>> -> memref<1x64x96xf32, #tpu.memory_space<hbm>>
    %dma_wait3A_774 = tpu.memref_squeeze %dma_wait3A_773 : memref<1x64x96xf32, #tpu.memory_space<hbm>> -> memref<64x96xf32, #tpu.memory_space<hbm>>
    tpu.wait_dma2 semaphore(%arg6 : memref<!tpu.dma_semaphore, #tpu.memory_space<semaphore_mem>>) src(%dma_wait3A_774 : memref<64x96xf32, #tpu.memory_space<hbm>>) dst(%dma_wait3A_770 : memref<64x96xf32, #tpu.memory_space<hbm>>)
    %dma_wait3A_775 = arith.constant 0 : i32
    %dma_wait3A_776 = arith.constant 0 : i32
    %dma_wait3A_777 = tpu.memref_slice %arg4[%add3A_470, %dma_wait3A_775, %dma_wait3A_776] : memref<1024x64x96xf32, #tpu.memory_space<hbm>> -> memref<1x64x96xf32, #tpu.memory_space<hbm>>
    %dma_wait3A_778 = tpu.memref_squeeze %dma_wait3A_777 : memref<1x64x96xf32, #tpu.memory_space<hbm>> -> memref<64x96xf32, #tpu.memory_space<hbm>>
    %dma_wait3A_779 = arith.constant 0 : i32
    %dma_wait3A_780 = arith.constant 0 : i32
    %dma_wait3A_781 = tpu.memref_slice %arg2[%reduce_sum3A_468, %dma_wait3A_779, %dma_wait3A_780] : memref<8192x64x96xf32, #tpu.memory_space<hbm>> -> memref<1x64x96xf32, #tpu.memory_space<hbm>>
    %dma_wait3A_782 = tpu.memref_squeeze %dma_wait3A_781 : memref<1x64x96xf32, #tpu.memory_space<hbm>> -> memref<64x96xf32, #tpu.memory_space<hbm>>
    tpu.wait_dma2 semaphore(%arg6 : memref<!tpu.dma_semaphore, #tpu.memory_space<semaphore_mem>>) src(%dma_wait3A_782 : memref<64x96xf32, #tpu.memory_space<hbm>>) dst(%dma_wait3A_778 : memref<64x96xf32, #tpu.memory_space<hbm>>)
    %dma_wait3A_783 = arith.constant 0 : i32
    %dma_wait3A_784 = arith.constant 0 : i32
    %dma_wait3A_785 = tpu.memref_slice %arg4[%add3A_482, %dma_wait3A_783, %dma_wait3A_784] : memref<1024x64x96xf32, #tpu.memory_space<hbm>> -> memref<1x64x96xf32, #tpu.memory_space<hbm>>
    %dma_wait3A_786 = tpu.memref_squeeze %dma_wait3A_785 : memref<1x64x96xf32, #tpu.memory_space<hbm>> -> memref<64x96xf32, #tpu.memory_space<hbm>>
    %dma_wait3A_787 = arith.constant 0 : i32
    %dma_wait3A_788 = arith.constant 0 : i32
    %dma_wait3A_789 = tpu.memref_slice %arg2[%reduce_sum3A_480, %dma_wait3A_787, %dma_wait3A_788] : memref<8192x64x96xf32, #tpu.memory_space<hbm>> -> memref<1x64x96xf32, #tpu.memory_space<hbm>>
    %dma_wait3A_790 = tpu.memref_squeeze %dma_wait3A_789 : memref<1x64x96xf32, #tpu.memory_space<hbm>> -> memref<64x96xf32, #tpu.memory_space<hbm>>
    tpu.wait_dma2 semaphore(%arg6 : memref<!tpu.dma_semaphore, #tpu.memory_space<semaphore_mem>>) src(%dma_wait3A_790 : memref<64x96xf32, #tpu.memory_space<hbm>>) dst(%dma_wait3A_786 : memref<64x96xf32, #tpu.memory_space<hbm>>)
    %dma_wait3A_791 = arith.constant 0 : i32
    %dma_wait3A_792 = arith.constant 0 : i32
    %dma_wait3A_793 = tpu.memref_slice %arg4[%add3A_494, %dma_wait3A_791, %dma_wait3A_792] : memref<1024x64x96xf32, #tpu.memory_space<hbm>> -> memref<1x64x96xf32, #tpu.memory_space<hbm>>
    %dma_wait3A_794 = tpu.memref_squeeze %dma_wait3A_793 : memref<1x64x96xf32, #tpu.memory_space<hbm>> -> memref<64x96xf32, #tpu.memory_space<hbm>>
    %dma_wait3A_795 = arith.constant 0 : i32
    %dma_wait3A_796 = arith.constant 0 : i32
    %dma_wait3A_797 = tpu.memref_slice %arg2[%reduce_sum3A_492, %dma_wait3A_795, %dma_wait3A_796] : memref<8192x64x96xf32, #tpu.memory_space<hbm>> -> memref<1x64x96xf32, #tpu.memory_space<hbm>>
    %dma_wait3A_798 = tpu.memref_squeeze %dma_wait3A_797 : memref<1x64x96xf32, #tpu.memory_space<hbm>> -> memref<64x96xf32, #tpu.memory_space<hbm>>
    tpu.wait_dma2 semaphore(%arg6 : memref<!tpu.dma_semaphore, #tpu.memory_space<semaphore_mem>>) src(%dma_wait3A_798 : memref<64x96xf32, #tpu.memory_space<hbm>>) dst(%dma_wait3A_794 : memref<64x96xf32, #tpu.memory_space<hbm>>)
    %dma_wait3A_799 = arith.constant 0 : i32
    %dma_wait3A_800 = arith.constant 0 : i32
    %dma_wait3A_801 = tpu.memref_slice %arg4[%add3A_506, %dma_wait3A_799, %dma_wait3A_800] : memref<1024x64x96xf32, #tpu.memory_space<hbm>> -> memref<1x64x96xf32, #tpu.memory_space<hbm>>
    %dma_wait3A_802 = tpu.memref_squeeze %dma_wait3A_801 : memref<1x64x96xf32, #tpu.memory_space<hbm>> -> memref<64x96xf32, #tpu.memory_space<hbm>>
    %dma_wait3A_803 = arith.constant 0 : i32
    %dma_wait3A_804 = arith.constant 0 : i32
    %dma_wait3A_805 = tpu.memref_slice %arg2[%reduce_sum3A_504, %dma_wait3A_803, %dma_wait3A_804] : memref<8192x64x96xf32, #tpu.memory_space<hbm>> -> memref<1x64x96xf32, #tpu.memory_space<hbm>>
    %dma_wait3A_806 = tpu.memref_squeeze %dma_wait3A_805 : memref<1x64x96xf32, #tpu.memory_space<hbm>> -> memref<64x96xf32, #tpu.memory_space<hbm>>
    tpu.wait_dma2 semaphore(%arg6 : memref<!tpu.dma_semaphore, #tpu.memory_space<semaphore_mem>>) src(%dma_wait3A_806 : memref<64x96xf32, #tpu.memory_space<hbm>>) dst(%dma_wait3A_802 : memref<64x96xf32, #tpu.memory_space<hbm>>)
    %dma_wait3A_807 = arith.constant 0 : i32
    %dma_wait3A_808 = arith.constant 0 : i32
    %dma_wait3A_809 = tpu.memref_slice %arg4[%add3A_518, %dma_wait3A_807, %dma_wait3A_808] : memref<1024x64x96xf32, #tpu.memory_space<hbm>> -> memref<1x64x96xf32, #tpu.memory_space<hbm>>
    %dma_wait3A_810 = tpu.memref_squeeze %dma_wait3A_809 : memref<1x64x96xf32, #tpu.memory_space<hbm>> -> memref<64x96xf32, #tpu.memory_space<hbm>>
    %dma_wait3A_811 = arith.constant 0 : i32
    %dma_wait3A_812 = arith.constant 0 : i32
    %dma_wait3A_813 = tpu.memref_slice %arg2[%reduce_sum3A_516, %dma_wait3A_811, %dma_wait3A_812] : memref<8192x64x96xf32, #tpu.memory_space<hbm>> -> memref<1x64x96xf32, #tpu.memory_space<hbm>>
    %dma_wait3A_814 = tpu.memref_squeeze %dma_wait3A_813 : memref<1x64x96xf32, #tpu.memory_space<hbm>> -> memref<64x96xf32, #tpu.memory_space<hbm>>
    tpu.wait_dma2 semaphore(%arg6 : memref<!tpu.dma_semaphore, #tpu.memory_space<semaphore_mem>>) src(%dma_wait3A_814 : memref<64x96xf32, #tpu.memory_space<hbm>>) dst(%dma_wait3A_810 : memref<64x96xf32, #tpu.memory_space<hbm>>)
    %dma_wait3A_815 = arith.constant 0 : i32
    %dma_wait3A_816 = arith.constant 0 : i32
    %dma_wait3A_817 = tpu.memref_slice %arg4[%add3A_530, %dma_wait3A_815, %dma_wait3A_816] : memref<1024x64x96xf32, #tpu.memory_space<hbm>> -> memref<1x64x96xf32, #tpu.memory_space<hbm>>
    %dma_wait3A_818 = tpu.memref_squeeze %dma_wait3A_817 : memref<1x64x96xf32, #tpu.memory_space<hbm>> -> memref<64x96xf32, #tpu.memory_space<hbm>>
    %dma_wait3A_819 = arith.constant 0 : i32
    %dma_wait3A_820 = arith.constant 0 : i32
    %dma_wait3A_821 = tpu.memref_slice %arg2[%reduce_sum3A_528, %dma_wait3A_819, %dma_wait3A_820] : memref<8192x64x96xf32, #tpu.memory_space<hbm>> -> memref<1x64x96xf32, #tpu.memory_space<hbm>>
    %dma_wait3A_822 = tpu.memref_squeeze %dma_wait3A_821 : memref<1x64x96xf32, #tpu.memory_space<hbm>> -> memref<64x96xf32, #tpu.memory_space<hbm>>
    tpu.wait_dma2 semaphore(%arg6 : memref<!tpu.dma_semaphore, #tpu.memory_space<semaphore_mem>>) src(%dma_wait3A_822 : memref<64x96xf32, #tpu.memory_space<hbm>>) dst(%dma_wait3A_818 : memref<64x96xf32, #tpu.memory_space<hbm>>)
    %dma_wait3A_823 = arith.constant 0 : i32
    %dma_wait3A_824 = arith.constant 0 : i32
    %dma_wait3A_825 = tpu.memref_slice %arg4[%add3A_542, %dma_wait3A_823, %dma_wait3A_824] : memref<1024x64x96xf32, #tpu.memory_space<hbm>> -> memref<1x64x96xf32, #tpu.memory_space<hbm>>
    %dma_wait3A_826 = tpu.memref_squeeze %dma_wait3A_825 : memref<1x64x96xf32, #tpu.memory_space<hbm>> -> memref<64x96xf32, #tpu.memory_space<hbm>>
    %dma_wait3A_827 = arith.constant 0 : i32
    %dma_wait3A_828 = arith.constant 0 : i32
    %dma_wait3A_829 = tpu.memref_slice %arg2[%reduce_sum3A_540, %dma_wait3A_827, %dma_wait3A_828] : memref<8192x64x96xf32, #tpu.memory_space<hbm>> -> memref<1x64x96xf32, #tpu.memory_space<hbm>>
    %dma_wait3A_830 = tpu.memref_squeeze %dma_wait3A_829 : memref<1x64x96xf32, #tpu.memory_space<hbm>> -> memref<64x96xf32, #tpu.memory_space<hbm>>
    tpu.wait_dma2 semaphore(%arg6 : memref<!tpu.dma_semaphore, #tpu.memory_space<semaphore_mem>>) src(%dma_wait3A_830 : memref<64x96xf32, #tpu.memory_space<hbm>>) dst(%dma_wait3A_826 : memref<64x96xf32, #tpu.memory_space<hbm>>)
    %dma_wait3A_831 = arith.constant 0 : i32
    %dma_wait3A_832 = arith.constant 0 : i32
    %dma_wait3A_833 = tpu.memref_slice %arg4[%add3A_554, %dma_wait3A_831, %dma_wait3A_832] : memref<1024x64x96xf32, #tpu.memory_space<hbm>> -> memref<1x64x96xf32, #tpu.memory_space<hbm>>
    %dma_wait3A_834 = tpu.memref_squeeze %dma_wait3A_833 : memref<1x64x96xf32, #tpu.memory_space<hbm>> -> memref<64x96xf32, #tpu.memory_space<hbm>>
    %dma_wait3A_835 = arith.constant 0 : i32
    %dma_wait3A_836 = arith.constant 0 : i32
    %dma_wait3A_837 = tpu.memref_slice %arg2[%reduce_sum3A_552, %dma_wait3A_835, %dma_wait3A_836] : memref<8192x64x96xf32, #tpu.memory_space<hbm>> -> memref<1x64x96xf32, #tpu.memory_space<hbm>>
    %dma_wait3A_838 = tpu.memref_squeeze %dma_wait3A_837 : memref<1x64x96xf32, #tpu.memory_space<hbm>> -> memref<64x96xf32, #tpu.memory_space<hbm>>
    tpu.wait_dma2 semaphore(%arg6 : memref<!tpu.dma_semaphore, #tpu.memory_space<semaphore_mem>>) src(%dma_wait3A_838 : memref<64x96xf32, #tpu.memory_space<hbm>>) dst(%dma_wait3A_834 : memref<64x96xf32, #tpu.memory_space<hbm>>)
    %dma_wait3A_839 = arith.constant 0 : i32
    %dma_wait3A_840 = arith.constant 0 : i32
    %dma_wait3A_841 = tpu.memref_slice %arg4[%add3A_566, %dma_wait3A_839, %dma_wait3A_840] : memref<1024x64x96xf32, #tpu.memory_space<hbm>> -> memref<1x64x96xf32, #tpu.memory_space<hbm>>
    %dma_wait3A_842 = tpu.memref_squeeze %dma_wait3A_841 : memref<1x64x96xf32, #tpu.memory_space<hbm>> -> memref<64x96xf32, #tpu.memory_space<hbm>>
    %dma_wait3A_843 = arith.constant 0 : i32
    %dma_wait3A_844 = arith.constant 0 : i32
    %dma_wait3A_845 = tpu.memref_slice %arg2[%reduce_sum3A_564, %dma_wait3A_843, %dma_wait3A_844] : memref<8192x64x96xf32, #tpu.memory_space<hbm>> -> memref<1x64x96xf32, #tpu.memory_space<hbm>>
    %dma_wait3A_846 = tpu.memref_squeeze %dma_wait3A_845 : memref<1x64x96xf32, #tpu.memory_space<hbm>> -> memref<64x96xf32, #tpu.memory_space<hbm>>
    tpu.wait_dma2 semaphore(%arg6 : memref<!tpu.dma_semaphore, #tpu.memory_space<semaphore_mem>>) src(%dma_wait3A_846 : memref<64x96xf32, #tpu.memory_space<hbm>>) dst(%dma_wait3A_842 : memref<64x96xf32, #tpu.memory_space<hbm>>)
    %dma_wait3A_847 = arith.constant 0 : i32
    %dma_wait3A_848 = arith.constant 0 : i32
    %dma_wait3A_849 = tpu.memref_slice %arg4[%add3A_578, %dma_wait3A_847, %dma_wait3A_848] : memref<1024x64x96xf32, #tpu.memory_space<hbm>> -> memref<1x64x96xf32, #tpu.memory_space<hbm>>
    %dma_wait3A_850 = tpu.memref_squeeze %dma_wait3A_849 : memref<1x64x96xf32, #tpu.memory_space<hbm>> -> memref<64x96xf32, #tpu.memory_space<hbm>>
    %dma_wait3A_851 = arith.constant 0 : i32
    %dma_wait3A_852 = arith.constant 0 : i32
    %dma_wait3A_853 = tpu.memref_slice %arg2[%reduce_sum3A_576, %dma_wait3A_851, %dma_wait3A_852] : memref<8192x64x96xf32, #tpu.memory_space<hbm>> -> memref<1x64x96xf32, #tpu.memory_space<hbm>>
    %dma_wait3A_854 = tpu.memref_squeeze %dma_wait3A_853 : memref<1x64x96xf32, #tpu.memory_space<hbm>> -> memref<64x96xf32, #tpu.memory_space<hbm>>
    tpu.wait_dma2 semaphore(%arg6 : memref<!tpu.dma_semaphore, #tpu.memory_space<semaphore_mem>>) src(%dma_wait3A_854 : memref<64x96xf32, #tpu.memory_space<hbm>>) dst(%dma_wait3A_850 : memref<64x96xf32, #tpu.memory_space<hbm>>)
    %dma_wait3A_855 = arith.constant 0 : i32
    %dma_wait3A_856 = arith.constant 0 : i32
    %dma_wait3A_857 = tpu.memref_slice %arg4[%add3A_590, %dma_wait3A_855, %dma_wait3A_856] : memref<1024x64x96xf32, #tpu.memory_space<hbm>> -> memref<1x64x96xf32, #tpu.memory_space<hbm>>
    %dma_wait3A_858 = tpu.memref_squeeze %dma_wait3A_857 : memref<1x64x96xf32, #tpu.memory_space<hbm>> -> memref<64x96xf32, #tpu.memory_space<hbm>>
    %dma_wait3A_859 = arith.constant 0 : i32
    %dma_wait3A_860 = arith.constant 0 : i32
    %dma_wait3A_861 = tpu.memref_slice %arg2[%reduce_sum3A_588, %dma_wait3A_859, %dma_wait3A_860] : memref<8192x64x96xf32, #tpu.memory_space<hbm>> -> memref<1x64x96xf32, #tpu.memory_space<hbm>>
    %dma_wait3A_862 = tpu.memref_squeeze %dma_wait3A_861 : memref<1x64x96xf32, #tpu.memory_space<hbm>> -> memref<64x96xf32, #tpu.memory_space<hbm>>
    tpu.wait_dma2 semaphore(%arg6 : memref<!tpu.dma_semaphore, #tpu.memory_space<semaphore_mem>>) src(%dma_wait3A_862 : memref<64x96xf32, #tpu.memory_space<hbm>>) dst(%dma_wait3A_858 : memref<64x96xf32, #tpu.memory_space<hbm>>)
    %dma_wait3A_863 = arith.constant 0 : i32
    %dma_wait3A_864 = arith.constant 0 : i32
    %dma_wait3A_865 = tpu.memref_slice %arg4[%add3A_602, %dma_wait3A_863, %dma_wait3A_864] : memref<1024x64x96xf32, #tpu.memory_space<hbm>> -> memref<1x64x96xf32, #tpu.memory_space<hbm>>
    %dma_wait3A_866 = tpu.memref_squeeze %dma_wait3A_865 : memref<1x64x96xf32, #tpu.memory_space<hbm>> -> memref<64x96xf32, #tpu.memory_space<hbm>>
    %dma_wait3A_867 = arith.constant 0 : i32
    %dma_wait3A_868 = arith.constant 0 : i32
    %dma_wait3A_869 = tpu.memref_slice %arg2[%reduce_sum3A_600, %dma_wait3A_867, %dma_wait3A_868] : memref<8192x64x96xf32, #tpu.memory_space<hbm>> -> memref<1x64x96xf32, #tpu.memory_space<hbm>>
    %dma_wait3A_870 = tpu.memref_squeeze %dma_wait3A_869 : memref<1x64x96xf32, #tpu.memory_space<hbm>> -> memref<64x96xf32, #tpu.memory_space<hbm>>
    tpu.wait_dma2 semaphore(%arg6 : memref<!tpu.dma_semaphore, #tpu.memory_space<semaphore_mem>>) src(%dma_wait3A_870 : memref<64x96xf32, #tpu.memory_space<hbm>>) dst(%dma_wait3A_866 : memref<64x96xf32, #tpu.memory_space<hbm>>)
    %dma_wait3A_871 = arith.constant 0 : i32
    %dma_wait3A_872 = arith.constant 0 : i32
    %dma_wait3A_873 = tpu.memref_slice %arg4[%add3A_614, %dma_wait3A_871, %dma_wait3A_872] : memref<1024x64x96xf32, #tpu.memory_space<hbm>> -> memref<1x64x96xf32, #tpu.memory_space<hbm>>
    %dma_wait3A_874 = tpu.memref_squeeze %dma_wait3A_873 : memref<1x64x96xf32, #tpu.memory_space<hbm>> -> memref<64x96xf32, #tpu.memory_space<hbm>>
    %dma_wait3A_875 = arith.constant 0 : i32
    %dma_wait3A_876 = arith.constant 0 : i32
    %dma_wait3A_877 = tpu.memref_slice %arg2[%reduce_sum3A_612, %dma_wait3A_875, %dma_wait3A_876] : memref<8192x64x96xf32, #tpu.memory_space<hbm>> -> memref<1x64x96xf32, #tpu.memory_space<hbm>>
    %dma_wait3A_878 = tpu.memref_squeeze %dma_wait3A_877 : memref<1x64x96xf32, #tpu.memory_space<hbm>> -> memref<64x96xf32, #tpu.memory_space<hbm>>
    tpu.wait_dma2 semaphore(%arg6 : memref<!tpu.dma_semaphore, #tpu.memory_space<semaphore_mem>>) src(%dma_wait3A_878 : memref<64x96xf32, #tpu.memory_space<hbm>>) dst(%dma_wait3A_874 : memref<64x96xf32, #tpu.memory_space<hbm>>)
    %dma_wait3A_879 = arith.constant 0 : i32
    %dma_wait3A_880 = arith.constant 0 : i32
    %dma_wait3A_881 = tpu.memref_slice %arg4[%add3A_626, %dma_wait3A_879, %dma_wait3A_880] : memref<1024x64x96xf32, #tpu.memory_space<hbm>> -> memref<1x64x96xf32, #tpu.memory_space<hbm>>
    %dma_wait3A_882 = tpu.memref_squeeze %dma_wait3A_881 : memref<1x64x96xf32, #tpu.memory_space<hbm>> -> memref<64x96xf32, #tpu.memory_space<hbm>>
    %dma_wait3A_883 = arith.constant 0 : i32
    %dma_wait3A_884 = arith.constant 0 : i32
    %dma_wait3A_885 = tpu.memref_slice %arg2[%reduce_sum3A_624, %dma_wait3A_883, %dma_wait3A_884] : memref<8192x64x96xf32, #tpu.memory_space<hbm>> -> memref<1x64x96xf32, #tpu.memory_space<hbm>>
    %dma_wait3A_886 = tpu.memref_squeeze %dma_wait3A_885 : memref<1x64x96xf32, #tpu.memory_space<hbm>> -> memref<64x96xf32, #tpu.memory_space<hbm>>
    tpu.wait_dma2 semaphore(%arg6 : memref<!tpu.dma_semaphore, #tpu.memory_space<semaphore_mem>>) src(%dma_wait3A_886 : memref<64x96xf32, #tpu.memory_space<hbm>>) dst(%dma_wait3A_882 : memref<64x96xf32, #tpu.memory_space<hbm>>)
    %dma_wait3A_887 = arith.constant 0 : i32
    %dma_wait3A_888 = arith.constant 0 : i32
    %dma_wait3A_889 = tpu.memref_slice %arg4[%add3A_638, %dma_wait3A_887, %dma_wait3A_888] : memref<1024x64x96xf32, #tpu.memory_space<hbm>> -> memref<1x64x96xf32, #tpu.memory_space<hbm>>
    %dma_wait3A_890 = tpu.memref_squeeze %dma_wait3A_889 : memref<1x64x96xf32, #tpu.memory_space<hbm>> -> memref<64x96xf32, #tpu.memory_space<hbm>>
    %dma_wait3A_891 = arith.constant 0 : i32
    %dma_wait3A_892 = arith.constant 0 : i32
    %dma_wait3A_893 = tpu.memref_slice %arg2[%reduce_sum3A_636, %dma_wait3A_891, %dma_wait3A_892] : memref<8192x64x96xf32, #tpu.memory_space<hbm>> -> memref<1x64x96xf32, #tpu.memory_space<hbm>>
    %dma_wait3A_894 = tpu.memref_squeeze %dma_wait3A_893 : memref<1x64x96xf32, #tpu.memory_space<hbm>> -> memref<64x96xf32, #tpu.memory_space<hbm>>
    tpu.wait_dma2 semaphore(%arg6 : memref<!tpu.dma_semaphore, #tpu.memory_space<semaphore_mem>>) src(%dma_wait3A_894 : memref<64x96xf32, #tpu.memory_space<hbm>>) dst(%dma_wait3A_890 : memref<64x96xf32, #tpu.memory_space<hbm>>)
    return
  }
}

module attributes {stable_mosaic.version = 14 : i64} {
  func.func @_ln_body(%arg0: i32, %arg1: memref<128x64x96xf32, #tpu.memory_space<vmem>>, %arg2: memref<1x1x96xf32, #tpu.memory_space<vmem>>, %arg3: memref<1x1x96xf32, #tpu.memory_space<vmem>>, %arg4: memref<128x64x96xf32, #tpu.memory_space<vmem>>) attributes {dimension_semantics = [#tpu.dimension_semantics<arbitrary>], iteration_bounds = array<i64: 64>, scalar_prefetch = 0 : i64, scratch_operands = 0 : i64, tpu.core_type = #tpu.core_type<tc>, window_params = [{transform_indices = @transform_0, window_bounds = array<i64: 128, 64, 96>}, {pipeline_mode = #tpu.pipeline_mode<synchronous>, transform_indices = @transform_1, window_bounds = array<i64: 1, 1, 96>}, {pipeline_mode = #tpu.pipeline_mode<synchronous>, transform_indices = @transform_2, window_bounds = array<i64: 1, 1, 96>}, {transform_indices = @transform_3, window_bounds = array<i64: 128, 64, 96>}]} {
    %get3A = arith.constant 0 : index
    %get3A_0 = arith.constant 0 : index
    %get3A_1 = arith.constant 0 : index
    %get3A_2 = vector.load %arg1[%get3A, %get3A_0, %get3A_1] : memref<128x64x96xf32, #tpu.memory_space<vmem>>, vector<128x64x96xf32>
    %get3A_3 = arith.constant 0 : index
    %get3A_4 = arith.constant 0 : index
    %get3A_5 = arith.constant 0 : index
    %get3A_6 = vector.load %arg2[%get3A_3, %get3A_4, %get3A_5] : memref<1x1x96xf32, #tpu.memory_space<vmem>>, vector<1x1x96xf32>
    %get3A_7 = arith.constant 0 : index
    %get3A_8 = arith.constant 0 : index
    %get3A_9 = arith.constant 0 : index
    %get3A_10 = vector.load %arg3[%get3A_7, %get3A_8, %get3A_9] : memref<1x1x96xf32, #tpu.memory_space<vmem>>, vector<1x1x96xf32>
    %reduce_sum3A = arith.constant dense<0.000000e+00> : vector<128x64xf32>
    %reduce_sum3A_11 = vector.multi_reduction <add>, %get3A_2, %reduce_sum3A [2] : vector<128x64x96xf32> to vector<128x64xf32>
    %broadcast_in_dim3A = vector.shape_cast %reduce_sum3A_11 : vector<128x64xf32> to vector<128x64x1xf32>
    %div3A = arith.constant 9.600000e+01 : f32
    %div3A_12 = vector.broadcast %div3A : f32 to vector<128x64x1xf32>
    %div3A_13 = arith.divf %broadcast_in_dim3A, %div3A_12 : vector<128x64x1xf32>
    %sub3A = vector.broadcast %div3A_13 : vector<128x64x1xf32> to vector<128x64x96xf32>
    %sub3A_14 = arith.subf %get3A_2, %sub3A : vector<128x64x96xf32>
    %mul3A = arith.mulf %sub3A_14, %sub3A_14 : vector<128x64x96xf32>
    %reduce_sum3A_15 = arith.constant dense<0.000000e+00> : vector<128x64xf32>
    %reduce_sum3A_16 = vector.multi_reduction <add>, %mul3A, %reduce_sum3A_15 [2] : vector<128x64x96xf32> to vector<128x64xf32>
    %broadcast_in_dim3A_17 = vector.shape_cast %reduce_sum3A_16 : vector<128x64xf32> to vector<128x64x1xf32>
    %div3A_18 = arith.constant 9.600000e+01 : f32
    %div3A_19 = vector.broadcast %div3A_18 : f32 to vector<128x64x1xf32>
    %div3A_20 = arith.divf %broadcast_in_dim3A_17, %div3A_19 : vector<128x64x1xf32>
    %add3A = arith.constant 9.99999974E-6 : f32
    %add3A_21 = vector.broadcast %add3A : f32 to vector<128x64x1xf32>
    %add3A_22 = arith.addf %div3A_20, %add3A_21 : vector<128x64x1xf32>
    %rsqrt3A = math.rsqrt %add3A_22 : vector<128x64x1xf32>
    %mul3A_23 = vector.broadcast %rsqrt3A : vector<128x64x1xf32> to vector<128x64x96xf32>
    %mul3A_24 = arith.mulf %sub3A_14, %mul3A_23 : vector<128x64x96xf32>
    %mul3A_25 = vector.broadcast %get3A_6 : vector<1x1x96xf32> to vector<128x64x96xf32>
    %mul3A_26 = arith.mulf %mul3A_24, %mul3A_25 : vector<128x64x96xf32>
    %add3A_27 = vector.broadcast %get3A_10 : vector<1x1x96xf32> to vector<128x64x96xf32>
    %add3A_28 = arith.addf %mul3A_26, %add3A_27 : vector<128x64x96xf32>
    %swap3A = arith.constant 0 : index
    %swap3A_29 = arith.constant 0 : index
    %swap3A_30 = arith.constant 0 : index
    %swap3A_31 = vector.load %arg4[%swap3A, %swap3A_29, %swap3A_30] : memref<128x64x96xf32, #tpu.memory_space<vmem>>, vector<128x64x96xf32>
    tpu.vector_store %arg4[%swap3A, %swap3A_29, %swap3A_30], %add3A_28 {strides = array<i32>} : memref<128x64x96xf32, #tpu.memory_space<vmem>>, vector<128x64x96xf32>,
    return
  }
  func.func @transform_0(%arg0: i32) -> (i32, i32, i32) {
    %c0_i32 = arith.constant 0 : i32
    %c0_i32_0 = arith.constant 0 : i32
    %c0_i32_1 = arith.constant 0 : i32
    return %arg0, %c0_i32, %c0_i32_0 : i32, i32, i32
  }
  func.func @transform_1(%arg0: i32) -> (i32, i32, i32) {
    %c0_i32 = arith.constant 0 : i32
    %c0_i32_0 = arith.constant 0 : i32
    %c0_i32_1 = arith.constant 0 : i32
    %c0_i32_2 = arith.constant 0 : i32
    return %c0_i32, %c0_i32_0, %c0_i32_1 : i32, i32, i32
  }
  func.func @transform_2(%arg0: i32) -> (i32, i32, i32) {
    %c0_i32 = arith.constant 0 : i32
    %c0_i32_0 = arith.constant 0 : i32
    %c0_i32_1 = arith.constant 0 : i32
    %c0_i32_2 = arith.constant 0 : i32
    return %c0_i32, %c0_i32_0, %c0_i32_1 : i32, i32, i32
  }
  func.func @transform_3(%arg0: i32) -> (i32, i32, i32) {
    %c0_i32 = arith.constant 0 : i32
    %c0_i32_0 = arith.constant 0 : i32
    %c0_i32_1 = arith.constant 0 : i32
    return %arg0, %c0_i32, %c0_i32_0 : i32, i32, i32
  }
}

module attributes {stable_mosaic.version = 14 : i64} {
  func.func @_block_body(%arg0: i32, %arg1: memref<1024xi32, #tpu.memory_space<smem>>, %arg2: memref<8x64x96xf32, #tpu.memory_space<vmem>>, %arg3: memref<8192x64x96xf32, #tpu.memory_space<any>>, %arg4: memref<1x96xf32, #tpu.memory_space<vmem>>, %arg5: memref<1x96xf32, #tpu.memory_space<vmem>>, %arg6: memref<96x288xf32, #tpu.memory_space<vmem>>, %arg7: memref<1x288xf32, #tpu.memory_space<vmem>>, %arg8: memref<96x96xf32, #tpu.memory_space<vmem>>, %arg9: memref<1x96xf32, #tpu.memory_space<vmem>>, %arg10: memref<1x96xf32, #tpu.memory_space<vmem>>, %arg11: memref<1x96xf32, #tpu.memory_space<vmem>>, %arg12: memref<96x384xf32, #tpu.memory_space<vmem>>, %arg13: memref<1x384xf32, #tpu.memory_space<vmem>>, %arg14: memref<384x96xf32, #tpu.memory_space<vmem>>, %arg15: memref<1x96xf32, #tpu.memory_space<vmem>>, %arg16: memref<8192x64x96xf32, #tpu.memory_space<any>>, %arg17: memref<8x64x96xf32, #tpu.memory_space<vmem>>, %arg18: memref<!tpu.dma_semaphore, #tpu.memory_space<semaphore_mem>>) attributes {dimension_semantics = [#tpu.dimension_semantics<arbitrary>], iteration_bounds = array<i64: 128>, scalar_prefetch = 1 : i64, scratch_operands = 2 : i64, tpu.core_type = #tpu.core_type<tc>, window_params = [{transform_indices = @transform_0, window_bounds = array<i64: 8, 64, 96>}, {}, {pipeline_mode = #tpu.pipeline_mode<synchronous>, transform_indices = @transform_2, window_bounds = array<i64: 1, 96>}, {pipeline_mode = #tpu.pipeline_mode<synchronous>, transform_indices = @transform_3, window_bounds = array<i64: 1, 96>}, {pipeline_mode = #tpu.pipeline_mode<synchronous>, transform_indices = @transform_4, window_bounds = array<i64: 96, 288>}, {pipeline_mode = #tpu.pipeline_mode<synchronous>, transform_indices = @transform_5, window_bounds = array<i64: 1, 288>}, {pipeline_mode = #tpu.pipeline_mode<synchronous>, transform_indices = @transform_6, window_bounds = array<i64: 96, 96>}, {pipeline_mode = #tpu.pipeline_mode<synchronous>, transform_indices = @transform_7, window_bounds = array<i64: 1, 96>}, {pipeline_mode = #tpu.pipeline_mode<synchronous>, transform_indices = @transform_8, window_bounds = array<i64: 1, 96>}, {pipeline_mode = #tpu.pipeline_mode<synchronous>, transform_indices = @transform_9, window_bounds = array<i64: 1, 96>}, {pipeline_mode = #tpu.pipeline_mode<synchronous>, transform_indices = @transform_10, window_bounds = array<i64: 96, 384>}, {pipeline_mode = #tpu.pipeline_mode<synchronous>, transform_indices = @transform_11, window_bounds = array<i64: 1, 384>}, {pipeline_mode = #tpu.pipeline_mode<synchronous>, transform_indices = @transform_12, window_bounds = array<i64: 384, 96>}, {pipeline_mode = #tpu.pipeline_mode<synchronous>, transform_indices = @transform_13, window_bounds = array<i64: 1, 96>}, {}]} {
    %get3A = arith.constant 0 : index
    %get3A_0 = arith.constant 0 : index
    %get3A_1 = arith.constant 0 : index
    %get3A_2 = vector.load %arg2[%get3A, %get3A_0, %get3A_1] : memref<8x64x96xf32, #tpu.memory_space<vmem>>, vector<8x64x96xf32>
    %reshape3A = vector.shape_cast %get3A_2 : vector<8x64x96xf32> to vector<512x96xf32>
    %get3A_3 = arith.constant 0 : index
    %get3A_4 = arith.constant 0 : index
    %get3A_5 = vector.load %arg4[%get3A_3, %get3A_4] : memref<1x96xf32, #tpu.memory_space<vmem>>, vector<1x96xf32>
    %get3A_6 = arith.constant 0 : index
    %get3A_7 = arith.constant 0 : index
    %get3A_8 = vector.load %arg5[%get3A_6, %get3A_7] : memref<1x96xf32, #tpu.memory_space<vmem>>, vector<1x96xf32>
    %reduce_sum3A = arith.constant dense<0.000000e+00> : vector<512xf32>
    %reduce_sum3A_9 = vector.multi_reduction <add>, %reshape3A, %reduce_sum3A [1] : vector<512x96xf32> to vector<512xf32>
    %broadcast_in_dim3A = vector.shape_cast %reduce_sum3A_9 : vector<512xf32> to vector<512x1xf32>
    %div3A = arith.constant 9.600000e+01 : f32
    %div3A_10 = vector.broadcast %div3A : f32 to vector<512x1xf32>
    %div3A_11 = arith.divf %broadcast_in_dim3A, %div3A_10 : vector<512x1xf32>
    %sub3A = vector.broadcast %div3A_11 : vector<512x1xf32> to vector<512x96xf32>
    %sub3A_12 = arith.subf %reshape3A, %sub3A : vector<512x96xf32>
    %mul3A = arith.mulf %sub3A_12, %sub3A_12 : vector<512x96xf32>
    %reduce_sum3A_13 = arith.constant dense<0.000000e+00> : vector<512xf32>
    %reduce_sum3A_14 = vector.multi_reduction <add>, %mul3A, %reduce_sum3A_13 [1] : vector<512x96xf32> to vector<512xf32>
    %broadcast_in_dim3A_15 = vector.shape_cast %reduce_sum3A_14 : vector<512xf32> to vector<512x1xf32>
    %div3A_16 = arith.constant 9.600000e+01 : f32
    %div3A_17 = vector.broadcast %div3A_16 : f32 to vector<512x1xf32>
    %div3A_18 = arith.divf %broadcast_in_dim3A_15, %div3A_17 : vector<512x1xf32>
    %add3A = arith.constant 9.99999974E-6 : f32
    %add3A_19 = vector.broadcast %add3A : f32 to vector<512x1xf32>
    %add3A_20 = arith.addf %div3A_18, %add3A_19 : vector<512x1xf32>
    %rsqrt3A = math.rsqrt %add3A_20 : vector<512x1xf32>
    %mul3A_21 = vector.broadcast %rsqrt3A : vector<512x1xf32> to vector<512x96xf32>
    %mul3A_22 = arith.mulf %sub3A_12, %mul3A_21 : vector<512x96xf32>
    %mul3A_23 = vector.broadcast %get3A_5 : vector<1x96xf32> to vector<512x96xf32>
    %mul3A_24 = arith.mulf %mul3A_22, %mul3A_23 : vector<512x96xf32>
    %add3A_25 = vector.broadcast %get3A_8 : vector<1x96xf32> to vector<512x96xf32>
    %add3A_26 = arith.addf %mul3A_24, %add3A_25 : vector<512x96xf32>
    %get3A_27 = arith.constant 0 : index
    %get3A_28 = arith.constant 0 : index
    %get3A_29 = vector.load %arg6[%get3A_27, %get3A_28] : memref<96x288xf32, #tpu.memory_space<vmem>>, vector<96x288xf32>
    %dot_general3A = arith.constant dense<0.000000e+00> : vector<512x288xf32>
    %dot_general3A_30 = tpu.matmul %add3A_26, %get3A_29, %dot_general3A {dimension_numbers = #tpu.dot_dimension_numbers<[1], [0], [0], [1], [0, 0, 1, 1], [], []>, transpose_lhs_hint = false} : vector<512x96xf32>, vector<96x288xf32>, vector<512x288xf32> -> vector<512x288xf32>
    %get3A_31 = arith.constant 0 : index
    %get3A_32 = arith.constant 0 : index
    %get3A_33 = vector.load %arg7[%get3A_31, %get3A_32] : memref<1x288xf32, #tpu.memory_space<vmem>>, vector<1x288xf32>
    %add3A_34 = vector.broadcast %get3A_33 : vector<1x288xf32> to vector<512x288xf32>
    %add3A_35 = arith.addf %dot_general3A_30, %add3A_34 : vector<512x288xf32>
    %slice3A = vector.extract_strided_slice %add3A_35 {offsets = [0, 0], sizes = [64, 288], strides = [1, 1]} : vector<512x288xf32> to vector<64x288xf32>
    %slice3A_36 = vector.extract_strided_slice %slice3A {offsets = [0, 0], sizes = [64, 32], strides = [1, 1]} : vector<64x288xf32> to vector<64x32xf32>
    %slice3A_37 = vector.extract_strided_slice %slice3A {offsets = [0, 32], sizes = [64, 32], strides = [1, 1]} : vector<64x288xf32> to vector<64x32xf32>
    %slice3A_38 = vector.extract_strided_slice %slice3A {offsets = [0, 64], sizes = [64, 32], strides = [1, 1]} : vector<64x288xf32> to vector<64x32xf32>
    %dot_general3A_39 = arith.constant dense<0.000000e+00> : vector<64x64xf32>
    %dot_general3A_40 = tpu.matmul %slice3A_36, %slice3A_37, %dot_general3A_39 {dimension_numbers = #tpu.dot_dimension_numbers<[1], [1], [0], [0], [0, 0, 1, 0], [], []>, transpose_lhs_hint = false} : vector<64x32xf32>, vector<64x32xf32>, vector<64x64xf32> -> vector<64x64xf32>
    %mul3A_41 = arith.constant 0.176776692 : f32
    %mul3A_42 = vector.broadcast %mul3A_41 : f32 to vector<64x64xf32>
    %mul3A_43 = arith.mulf %dot_general3A_40, %mul3A_42 : vector<64x64xf32>
    %reduce_max3A = arith.constant dense<0xFF800000> : vector<64xf32>
    %reduce_max3A_44 = vector.multi_reduction <maximumf>, %mul3A_43, %reduce_max3A [1] : vector<64x64xf32> to vector<64xf32>
    %broadcast_in_dim3A_45 = vector.shape_cast %reduce_max3A_44 : vector<64xf32> to vector<64x1xf32>
    %sub3A_46 = vector.broadcast %broadcast_in_dim3A_45 : vector<64x1xf32> to vector<64x64xf32>
    %sub3A_47 = arith.subf %mul3A_43, %sub3A_46 : vector<64x64xf32>
    %exp3A = math.exp %sub3A_47 : vector<64x64xf32>
    %reduce_sum3A_48 = arith.constant dense<0.000000e+00> : vector<64xf32>
    %reduce_sum3A_49 = vector.multi_reduction <add>, %exp3A, %reduce_sum3A_48 [1] : vector<64x64xf32> to vector<64xf32>
    %broadcast_in_dim3A_50 = vector.shape_cast %reduce_sum3A_49 : vector<64xf32> to vector<64x1xf32>
    %div3A_51 = vector.broadcast %broadcast_in_dim3A_50 : vector<64x1xf32> to vector<64x64xf32>
    %div3A_52 = arith.divf %exp3A, %div3A_51 : vector<64x64xf32>
    %dot_general3A_53 = arith.constant dense<0.000000e+00> : vector<64x32xf32>
    %dot_general3A_54 = tpu.matmul %div3A_52, %slice3A_38, %dot_general3A_53 {dimension_numbers = #tpu.dot_dimension_numbers<[1], [0], [0], [1], [0, 0, 1, 1], [], []>, transpose_lhs_hint = false} : vector<64x64xf32>, vector<64x32xf32>, vector<64x32xf32> -> vector<64x32xf32>
    %slice3A_55 = vector.extract_strided_slice %slice3A {offsets = [0, 96], sizes = [64, 32], strides = [1, 1]} : vector<64x288xf32> to vector<64x32xf32>
    %slice3A_56 = vector.extract_strided_slice %slice3A {offsets = [0, 128], sizes = [64, 32], strides = [1, 1]} : vector<64x288xf32> to vector<64x32xf32>
    %slice3A_57 = vector.extract_strided_slice %slice3A {offsets = [0, 160], sizes = [64, 32], strides = [1, 1]} : vector<64x288xf32> to vector<64x32xf32>
    %dot_general3A_58 = arith.constant dense<0.000000e+00> : vector<64x64xf32>
    %dot_general3A_59 = tpu.matmul %slice3A_55, %slice3A_56, %dot_general3A_58 {dimension_numbers = #tpu.dot_dimension_numbers<[1], [1], [0], [0], [0, 0, 1, 0], [], []>, transpose_lhs_hint = false} : vector<64x32xf32>, vector<64x32xf32>, vector<64x64xf32> -> vector<64x64xf32>
    %mul3A_60 = arith.constant 0.176776692 : f32
    %mul3A_61 = vector.broadcast %mul3A_60 : f32 to vector<64x64xf32>
    %mul3A_62 = arith.mulf %dot_general3A_59, %mul3A_61 : vector<64x64xf32>
    %reduce_max3A_63 = arith.constant dense<0xFF800000> : vector<64xf32>
    %reduce_max3A_64 = vector.multi_reduction <maximumf>, %mul3A_62, %reduce_max3A_63 [1] : vector<64x64xf32> to vector<64xf32>
    %broadcast_in_dim3A_65 = vector.shape_cast %reduce_max3A_64 : vector<64xf32> to vector<64x1xf32>
    %sub3A_66 = vector.broadcast %broadcast_in_dim3A_65 : vector<64x1xf32> to vector<64x64xf32>
    %sub3A_67 = arith.subf %mul3A_62, %sub3A_66 : vector<64x64xf32>
    %exp3A_68 = math.exp %sub3A_67 : vector<64x64xf32>
    %reduce_sum3A_69 = arith.constant dense<0.000000e+00> : vector<64xf32>
    %reduce_sum3A_70 = vector.multi_reduction <add>, %exp3A_68, %reduce_sum3A_69 [1] : vector<64x64xf32> to vector<64xf32>
    %broadcast_in_dim3A_71 = vector.shape_cast %reduce_sum3A_70 : vector<64xf32> to vector<64x1xf32>
    %div3A_72 = vector.broadcast %broadcast_in_dim3A_71 : vector<64x1xf32> to vector<64x64xf32>
    %div3A_73 = arith.divf %exp3A_68, %div3A_72 : vector<64x64xf32>
    %dot_general3A_74 = arith.constant dense<0.000000e+00> : vector<64x32xf32>
    %dot_general3A_75 = tpu.matmul %div3A_73, %slice3A_57, %dot_general3A_74 {dimension_numbers = #tpu.dot_dimension_numbers<[1], [0], [0], [1], [0, 0, 1, 1], [], []>, transpose_lhs_hint = false} : vector<64x64xf32>, vector<64x32xf32>, vector<64x32xf32> -> vector<64x32xf32>
    %slice3A_76 = vector.extract_strided_slice %slice3A {offsets = [0, 192], sizes = [64, 32], strides = [1, 1]} : vector<64x288xf32> to vector<64x32xf32>
    %slice3A_77 = vector.extract_strided_slice %slice3A {offsets = [0, 224], sizes = [64, 32], strides = [1, 1]} : vector<64x288xf32> to vector<64x32xf32>
    %slice3A_78 = vector.extract_strided_slice %slice3A {offsets = [0, 256], sizes = [64, 32], strides = [1, 1]} : vector<64x288xf32> to vector<64x32xf32>
    %dot_general3A_79 = arith.constant dense<0.000000e+00> : vector<64x64xf32>
    %dot_general3A_80 = tpu.matmul %slice3A_76, %slice3A_77, %dot_general3A_79 {dimension_numbers = #tpu.dot_dimension_numbers<[1], [1], [0], [0], [0, 0, 1, 0], [], []>, transpose_lhs_hint = false} : vector<64x32xf32>, vector<64x32xf32>, vector<64x64xf32> -> vector<64x64xf32>
    %mul3A_81 = arith.constant 0.176776692 : f32
    %mul3A_82 = vector.broadcast %mul3A_81 : f32 to vector<64x64xf32>
    %mul3A_83 = arith.mulf %dot_general3A_80, %mul3A_82 : vector<64x64xf32>
    %reduce_max3A_84 = arith.constant dense<0xFF800000> : vector<64xf32>
    %reduce_max3A_85 = vector.multi_reduction <maximumf>, %mul3A_83, %reduce_max3A_84 [1] : vector<64x64xf32> to vector<64xf32>
    %broadcast_in_dim3A_86 = vector.shape_cast %reduce_max3A_85 : vector<64xf32> to vector<64x1xf32>
    %sub3A_87 = vector.broadcast %broadcast_in_dim3A_86 : vector<64x1xf32> to vector<64x64xf32>
    %sub3A_88 = arith.subf %mul3A_83, %sub3A_87 : vector<64x64xf32>
    %exp3A_89 = math.exp %sub3A_88 : vector<64x64xf32>
    %reduce_sum3A_90 = arith.constant dense<0.000000e+00> : vector<64xf32>
    %reduce_sum3A_91 = vector.multi_reduction <add>, %exp3A_89, %reduce_sum3A_90 [1] : vector<64x64xf32> to vector<64xf32>
    %broadcast_in_dim3A_92 = vector.shape_cast %reduce_sum3A_91 : vector<64xf32> to vector<64x1xf32>
    %div3A_93 = vector.broadcast %broadcast_in_dim3A_92 : vector<64x1xf32> to vector<64x64xf32>
    %div3A_94 = arith.divf %exp3A_89, %div3A_93 : vector<64x64xf32>
    %dot_general3A_95 = arith.constant dense<0.000000e+00> : vector<64x32xf32>
    %dot_general3A_96 = tpu.matmul %div3A_94, %slice3A_78, %dot_general3A_95 {dimension_numbers = #tpu.dot_dimension_numbers<[1], [0], [0], [1], [0, 0, 1, 1], [], []>, transpose_lhs_hint = false} : vector<64x64xf32>, vector<64x32xf32>, vector<64x32xf32> -> vector<64x32xf32>
    %concatenate3A = tpu.concatenate %dot_general3A_54, %dot_general3A_75, %dot_general3A_96 in 1 : vector<64x32xf32>, vector<64x32xf32>, vector<64x32xf32> -> vector<64x96xf32>
    %slice3A_97 = vector.extract_strided_slice %add3A_35 {offsets = [64, 0], sizes = [64, 288], strides = [1, 1]} : vector<512x288xf32> to vector<64x288xf32>
    %slice3A_98 = vector.extract_strided_slice %slice3A_97 {offsets = [0, 0], sizes = [64, 32], strides = [1, 1]} : vector<64x288xf32> to vector<64x32xf32>
    %slice3A_99 = vector.extract_strided_slice %slice3A_97 {offsets = [0, 32], sizes = [64, 32], strides = [1, 1]} : vector<64x288xf32> to vector<64x32xf32>
    %slice3A_100 = vector.extract_strided_slice %slice3A_97 {offsets = [0, 64], sizes = [64, 32], strides = [1, 1]} : vector<64x288xf32> to vector<64x32xf32>
    %dot_general3A_101 = arith.constant dense<0.000000e+00> : vector<64x64xf32>
    %dot_general3A_102 = tpu.matmul %slice3A_98, %slice3A_99, %dot_general3A_101 {dimension_numbers = #tpu.dot_dimension_numbers<[1], [1], [0], [0], [0, 0, 1, 0], [], []>, transpose_lhs_hint = false} : vector<64x32xf32>, vector<64x32xf32>, vector<64x64xf32> -> vector<64x64xf32>
    %mul3A_103 = arith.constant 0.176776692 : f32
    %mul3A_104 = vector.broadcast %mul3A_103 : f32 to vector<64x64xf32>
    %mul3A_105 = arith.mulf %dot_general3A_102, %mul3A_104 : vector<64x64xf32>
    %reduce_max3A_106 = arith.constant dense<0xFF800000> : vector<64xf32>
    %reduce_max3A_107 = vector.multi_reduction <maximumf>, %mul3A_105, %reduce_max3A_106 [1] : vector<64x64xf32> to vector<64xf32>
    %broadcast_in_dim3A_108 = vector.shape_cast %reduce_max3A_107 : vector<64xf32> to vector<64x1xf32>
    %sub3A_109 = vector.broadcast %broadcast_in_dim3A_108 : vector<64x1xf32> to vector<64x64xf32>
    %sub3A_110 = arith.subf %mul3A_105, %sub3A_109 : vector<64x64xf32>
    %exp3A_111 = math.exp %sub3A_110 : vector<64x64xf32>
    %reduce_sum3A_112 = arith.constant dense<0.000000e+00> : vector<64xf32>
    %reduce_sum3A_113 = vector.multi_reduction <add>, %exp3A_111, %reduce_sum3A_112 [1] : vector<64x64xf32> to vector<64xf32>
    %broadcast_in_dim3A_114 = vector.shape_cast %reduce_sum3A_113 : vector<64xf32> to vector<64x1xf32>
    %div3A_115 = vector.broadcast %broadcast_in_dim3A_114 : vector<64x1xf32> to vector<64x64xf32>
    %div3A_116 = arith.divf %exp3A_111, %div3A_115 : vector<64x64xf32>
    %dot_general3A_117 = arith.constant dense<0.000000e+00> : vector<64x32xf32>
    %dot_general3A_118 = tpu.matmul %div3A_116, %slice3A_100, %dot_general3A_117 {dimension_numbers = #tpu.dot_dimension_numbers<[1], [0], [0], [1], [0, 0, 1, 1], [], []>, transpose_lhs_hint = false} : vector<64x64xf32>, vector<64x32xf32>, vector<64x32xf32> -> vector<64x32xf32>
    %slice3A_119 = vector.extract_strided_slice %slice3A_97 {offsets = [0, 96], sizes = [64, 32], strides = [1, 1]} : vector<64x288xf32> to vector<64x32xf32>
    %slice3A_120 = vector.extract_strided_slice %slice3A_97 {offsets = [0, 128], sizes = [64, 32], strides = [1, 1]} : vector<64x288xf32> to vector<64x32xf32>
    %slice3A_121 = vector.extract_strided_slice %slice3A_97 {offsets = [0, 160], sizes = [64, 32], strides = [1, 1]} : vector<64x288xf32> to vector<64x32xf32>
    %dot_general3A_122 = arith.constant dense<0.000000e+00> : vector<64x64xf32>
    %dot_general3A_123 = tpu.matmul %slice3A_119, %slice3A_120, %dot_general3A_122 {dimension_numbers = #tpu.dot_dimension_numbers<[1], [1], [0], [0], [0, 0, 1, 0], [], []>, transpose_lhs_hint = false} : vector<64x32xf32>, vector<64x32xf32>, vector<64x64xf32> -> vector<64x64xf32>
    %mul3A_124 = arith.constant 0.176776692 : f32
    %mul3A_125 = vector.broadcast %mul3A_124 : f32 to vector<64x64xf32>
    %mul3A_126 = arith.mulf %dot_general3A_123, %mul3A_125 : vector<64x64xf32>
    %reduce_max3A_127 = arith.constant dense<0xFF800000> : vector<64xf32>
    %reduce_max3A_128 = vector.multi_reduction <maximumf>, %mul3A_126, %reduce_max3A_127 [1] : vector<64x64xf32> to vector<64xf32>
    %broadcast_in_dim3A_129 = vector.shape_cast %reduce_max3A_128 : vector<64xf32> to vector<64x1xf32>
    %sub3A_130 = vector.broadcast %broadcast_in_dim3A_129 : vector<64x1xf32> to vector<64x64xf32>
    %sub3A_131 = arith.subf %mul3A_126, %sub3A_130 : vector<64x64xf32>
    %exp3A_132 = math.exp %sub3A_131 : vector<64x64xf32>
    %reduce_sum3A_133 = arith.constant dense<0.000000e+00> : vector<64xf32>
    %reduce_sum3A_134 = vector.multi_reduction <add>, %exp3A_132, %reduce_sum3A_133 [1] : vector<64x64xf32> to vector<64xf32>
    %broadcast_in_dim3A_135 = vector.shape_cast %reduce_sum3A_134 : vector<64xf32> to vector<64x1xf32>
    %div3A_136 = vector.broadcast %broadcast_in_dim3A_135 : vector<64x1xf32> to vector<64x64xf32>
    %div3A_137 = arith.divf %exp3A_132, %div3A_136 : vector<64x64xf32>
    %dot_general3A_138 = arith.constant dense<0.000000e+00> : vector<64x32xf32>
    %dot_general3A_139 = tpu.matmul %div3A_137, %slice3A_121, %dot_general3A_138 {dimension_numbers = #tpu.dot_dimension_numbers<[1], [0], [0], [1], [0, 0, 1, 1], [], []>, transpose_lhs_hint = false} : vector<64x64xf32>, vector<64x32xf32>, vector<64x32xf32> -> vector<64x32xf32>
    %slice3A_140 = vector.extract_strided_slice %slice3A_97 {offsets = [0, 192], sizes = [64, 32], strides = [1, 1]} : vector<64x288xf32> to vector<64x32xf32>
    %slice3A_141 = vector.extract_strided_slice %slice3A_97 {offsets = [0, 224], sizes = [64, 32], strides = [1, 1]} : vector<64x288xf32> to vector<64x32xf32>
    %slice3A_142 = vector.extract_strided_slice %slice3A_97 {offsets = [0, 256], sizes = [64, 32], strides = [1, 1]} : vector<64x288xf32> to vector<64x32xf32>
    %dot_general3A_143 = arith.constant dense<0.000000e+00> : vector<64x64xf32>
    %dot_general3A_144 = tpu.matmul %slice3A_140, %slice3A_141, %dot_general3A_143 {dimension_numbers = #tpu.dot_dimension_numbers<[1], [1], [0], [0], [0, 0, 1, 0], [], []>, transpose_lhs_hint = false} : vector<64x32xf32>, vector<64x32xf32>, vector<64x64xf32> -> vector<64x64xf32>
    %mul3A_145 = arith.constant 0.176776692 : f32
    %mul3A_146 = vector.broadcast %mul3A_145 : f32 to vector<64x64xf32>
    %mul3A_147 = arith.mulf %dot_general3A_144, %mul3A_146 : vector<64x64xf32>
    %reduce_max3A_148 = arith.constant dense<0xFF800000> : vector<64xf32>
    %reduce_max3A_149 = vector.multi_reduction <maximumf>, %mul3A_147, %reduce_max3A_148 [1] : vector<64x64xf32> to vector<64xf32>
    %broadcast_in_dim3A_150 = vector.shape_cast %reduce_max3A_149 : vector<64xf32> to vector<64x1xf32>
    %sub3A_151 = vector.broadcast %broadcast_in_dim3A_150 : vector<64x1xf32> to vector<64x64xf32>
    %sub3A_152 = arith.subf %mul3A_147, %sub3A_151 : vector<64x64xf32>
    %exp3A_153 = math.exp %sub3A_152 : vector<64x64xf32>
    %reduce_sum3A_154 = arith.constant dense<0.000000e+00> : vector<64xf32>
    %reduce_sum3A_155 = vector.multi_reduction <add>, %exp3A_153, %reduce_sum3A_154 [1] : vector<64x64xf32> to vector<64xf32>
    %broadcast_in_dim3A_156 = vector.shape_cast %reduce_sum3A_155 : vector<64xf32> to vector<64x1xf32>
    %div3A_157 = vector.broadcast %broadcast_in_dim3A_156 : vector<64x1xf32> to vector<64x64xf32>
    %div3A_158 = arith.divf %exp3A_153, %div3A_157 : vector<64x64xf32>
    %dot_general3A_159 = arith.constant dense<0.000000e+00> : vector<64x32xf32>
    %dot_general3A_160 = tpu.matmul %div3A_158, %slice3A_142, %dot_general3A_159 {dimension_numbers = #tpu.dot_dimension_numbers<[1], [0], [0], [1], [0, 0, 1, 1], [], []>, transpose_lhs_hint = false} : vector<64x64xf32>, vector<64x32xf32>, vector<64x32xf32> -> vector<64x32xf32>
    %concatenate3A_161 = tpu.concatenate %dot_general3A_118, %dot_general3A_139, %dot_general3A_160 in 1 : vector<64x32xf32>, vector<64x32xf32>, vector<64x32xf32> -> vector<64x96xf32>
    %slice3A_162 = vector.extract_strided_slice %add3A_35 {offsets = [128, 0], sizes = [64, 288], strides = [1, 1]} : vector<512x288xf32> to vector<64x288xf32>
    %slice3A_163 = vector.extract_strided_slice %slice3A_162 {offsets = [0, 0], sizes = [64, 32], strides = [1, 1]} : vector<64x288xf32> to vector<64x32xf32>
    %slice3A_164 = vector.extract_strided_slice %slice3A_162 {offsets = [0, 32], sizes = [64, 32], strides = [1, 1]} : vector<64x288xf32> to vector<64x32xf32>
    %slice3A_165 = vector.extract_strided_slice %slice3A_162 {offsets = [0, 64], sizes = [64, 32], strides = [1, 1]} : vector<64x288xf32> to vector<64x32xf32>
    %dot_general3A_166 = arith.constant dense<0.000000e+00> : vector<64x64xf32>
    %dot_general3A_167 = tpu.matmul %slice3A_163, %slice3A_164, %dot_general3A_166 {dimension_numbers = #tpu.dot_dimension_numbers<[1], [1], [0], [0], [0, 0, 1, 0], [], []>, transpose_lhs_hint = false} : vector<64x32xf32>, vector<64x32xf32>, vector<64x64xf32> -> vector<64x64xf32>
    %mul3A_168 = arith.constant 0.176776692 : f32
    %mul3A_169 = vector.broadcast %mul3A_168 : f32 to vector<64x64xf32>
    %mul3A_170 = arith.mulf %dot_general3A_167, %mul3A_169 : vector<64x64xf32>
    %reduce_max3A_171 = arith.constant dense<0xFF800000> : vector<64xf32>
    %reduce_max3A_172 = vector.multi_reduction <maximumf>, %mul3A_170, %reduce_max3A_171 [1] : vector<64x64xf32> to vector<64xf32>
    %broadcast_in_dim3A_173 = vector.shape_cast %reduce_max3A_172 : vector<64xf32> to vector<64x1xf32>
    %sub3A_174 = vector.broadcast %broadcast_in_dim3A_173 : vector<64x1xf32> to vector<64x64xf32>
    %sub3A_175 = arith.subf %mul3A_170, %sub3A_174 : vector<64x64xf32>
    %exp3A_176 = math.exp %sub3A_175 : vector<64x64xf32>
    %reduce_sum3A_177 = arith.constant dense<0.000000e+00> : vector<64xf32>
    %reduce_sum3A_178 = vector.multi_reduction <add>, %exp3A_176, %reduce_sum3A_177 [1] : vector<64x64xf32> to vector<64xf32>
    %broadcast_in_dim3A_179 = vector.shape_cast %reduce_sum3A_178 : vector<64xf32> to vector<64x1xf32>
    %div3A_180 = vector.broadcast %broadcast_in_dim3A_179 : vector<64x1xf32> to vector<64x64xf32>
    %div3A_181 = arith.divf %exp3A_176, %div3A_180 : vector<64x64xf32>
    %dot_general3A_182 = arith.constant dense<0.000000e+00> : vector<64x32xf32>
    %dot_general3A_183 = tpu.matmul %div3A_181, %slice3A_165, %dot_general3A_182 {dimension_numbers = #tpu.dot_dimension_numbers<[1], [0], [0], [1], [0, 0, 1, 1], [], []>, transpose_lhs_hint = false} : vector<64x64xf32>, vector<64x32xf32>, vector<64x32xf32> -> vector<64x32xf32>
    %slice3A_184 = vector.extract_strided_slice %slice3A_162 {offsets = [0, 96], sizes = [64, 32], strides = [1, 1]} : vector<64x288xf32> to vector<64x32xf32>
    %slice3A_185 = vector.extract_strided_slice %slice3A_162 {offsets = [0, 128], sizes = [64, 32], strides = [1, 1]} : vector<64x288xf32> to vector<64x32xf32>
    %slice3A_186 = vector.extract_strided_slice %slice3A_162 {offsets = [0, 160], sizes = [64, 32], strides = [1, 1]} : vector<64x288xf32> to vector<64x32xf32>
    %dot_general3A_187 = arith.constant dense<0.000000e+00> : vector<64x64xf32>
    %dot_general3A_188 = tpu.matmul %slice3A_184, %slice3A_185, %dot_general3A_187 {dimension_numbers = #tpu.dot_dimension_numbers<[1], [1], [0], [0], [0, 0, 1, 0], [], []>, transpose_lhs_hint = false} : vector<64x32xf32>, vector<64x32xf32>, vector<64x64xf32> -> vector<64x64xf32>
    %mul3A_189 = arith.constant 0.176776692 : f32
    %mul3A_190 = vector.broadcast %mul3A_189 : f32 to vector<64x64xf32>
    %mul3A_191 = arith.mulf %dot_general3A_188, %mul3A_190 : vector<64x64xf32>
    %reduce_max3A_192 = arith.constant dense<0xFF800000> : vector<64xf32>
    %reduce_max3A_193 = vector.multi_reduction <maximumf>, %mul3A_191, %reduce_max3A_192 [1] : vector<64x64xf32> to vector<64xf32>
    %broadcast_in_dim3A_194 = vector.shape_cast %reduce_max3A_193 : vector<64xf32> to vector<64x1xf32>
    %sub3A_195 = vector.broadcast %broadcast_in_dim3A_194 : vector<64x1xf32> to vector<64x64xf32>
    %sub3A_196 = arith.subf %mul3A_191, %sub3A_195 : vector<64x64xf32>
    %exp3A_197 = math.exp %sub3A_196 : vector<64x64xf32>
    %reduce_sum3A_198 = arith.constant dense<0.000000e+00> : vector<64xf32>
    %reduce_sum3A_199 = vector.multi_reduction <add>, %exp3A_197, %reduce_sum3A_198 [1] : vector<64x64xf32> to vector<64xf32>
    %broadcast_in_dim3A_200 = vector.shape_cast %reduce_sum3A_199 : vector<64xf32> to vector<64x1xf32>
    %div3A_201 = vector.broadcast %broadcast_in_dim3A_200 : vector<64x1xf32> to vector<64x64xf32>
    %div3A_202 = arith.divf %exp3A_197, %div3A_201 : vector<64x64xf32>
    %dot_general3A_203 = arith.constant dense<0.000000e+00> : vector<64x32xf32>
    %dot_general3A_204 = tpu.matmul %div3A_202, %slice3A_186, %dot_general3A_203 {dimension_numbers = #tpu.dot_dimension_numbers<[1], [0], [0], [1], [0, 0, 1, 1], [], []>, transpose_lhs_hint = false} : vector<64x64xf32>, vector<64x32xf32>, vector<64x32xf32> -> vector<64x32xf32>
    %slice3A_205 = vector.extract_strided_slice %slice3A_162 {offsets = [0, 192], sizes = [64, 32], strides = [1, 1]} : vector<64x288xf32> to vector<64x32xf32>
    %slice3A_206 = vector.extract_strided_slice %slice3A_162 {offsets = [0, 224], sizes = [64, 32], strides = [1, 1]} : vector<64x288xf32> to vector<64x32xf32>
    %slice3A_207 = vector.extract_strided_slice %slice3A_162 {offsets = [0, 256], sizes = [64, 32], strides = [1, 1]} : vector<64x288xf32> to vector<64x32xf32>
    %dot_general3A_208 = arith.constant dense<0.000000e+00> : vector<64x64xf32>
    %dot_general3A_209 = tpu.matmul %slice3A_205, %slice3A_206, %dot_general3A_208 {dimension_numbers = #tpu.dot_dimension_numbers<[1], [1], [0], [0], [0, 0, 1, 0], [], []>, transpose_lhs_hint = false} : vector<64x32xf32>, vector<64x32xf32>, vector<64x64xf32> -> vector<64x64xf32>
    %mul3A_210 = arith.constant 0.176776692 : f32
    %mul3A_211 = vector.broadcast %mul3A_210 : f32 to vector<64x64xf32>
    %mul3A_212 = arith.mulf %dot_general3A_209, %mul3A_211 : vector<64x64xf32>
    %reduce_max3A_213 = arith.constant dense<0xFF800000> : vector<64xf32>
    %reduce_max3A_214 = vector.multi_reduction <maximumf>, %mul3A_212, %reduce_max3A_213 [1] : vector<64x64xf32> to vector<64xf32>
    %broadcast_in_dim3A_215 = vector.shape_cast %reduce_max3A_214 : vector<64xf32> to vector<64x1xf32>
    %sub3A_216 = vector.broadcast %broadcast_in_dim3A_215 : vector<64x1xf32> to vector<64x64xf32>
    %sub3A_217 = arith.subf %mul3A_212, %sub3A_216 : vector<64x64xf32>
    %exp3A_218 = math.exp %sub3A_217 : vector<64x64xf32>
    %reduce_sum3A_219 = arith.constant dense<0.000000e+00> : vector<64xf32>
    %reduce_sum3A_220 = vector.multi_reduction <add>, %exp3A_218, %reduce_sum3A_219 [1] : vector<64x64xf32> to vector<64xf32>
    %broadcast_in_dim3A_221 = vector.shape_cast %reduce_sum3A_220 : vector<64xf32> to vector<64x1xf32>
    %div3A_222 = vector.broadcast %broadcast_in_dim3A_221 : vector<64x1xf32> to vector<64x64xf32>
    %div3A_223 = arith.divf %exp3A_218, %div3A_222 : vector<64x64xf32>
    %dot_general3A_224 = arith.constant dense<0.000000e+00> : vector<64x32xf32>
    %dot_general3A_225 = tpu.matmul %div3A_223, %slice3A_207, %dot_general3A_224 {dimension_numbers = #tpu.dot_dimension_numbers<[1], [0], [0], [1], [0, 0, 1, 1], [], []>, transpose_lhs_hint = false} : vector<64x64xf32>, vector<64x32xf32>, vector<64x32xf32> -> vector<64x32xf32>
    %concatenate3A_226 = tpu.concatenate %dot_general3A_183, %dot_general3A_204, %dot_general3A_225 in 1 : vector<64x32xf32>, vector<64x32xf32>, vector<64x32xf32> -> vector<64x96xf32>
    %slice3A_227 = vector.extract_strided_slice %add3A_35 {offsets = [192, 0], sizes = [64, 288], strides = [1, 1]} : vector<512x288xf32> to vector<64x288xf32>
    %slice3A_228 = vector.extract_strided_slice %slice3A_227 {offsets = [0, 0], sizes = [64, 32], strides = [1, 1]} : vector<64x288xf32> to vector<64x32xf32>
    %slice3A_229 = vector.extract_strided_slice %slice3A_227 {offsets = [0, 32], sizes = [64, 32], strides = [1, 1]} : vector<64x288xf32> to vector<64x32xf32>
    %slice3A_230 = vector.extract_strided_slice %slice3A_227 {offsets = [0, 64], sizes = [64, 32], strides = [1, 1]} : vector<64x288xf32> to vector<64x32xf32>
    %dot_general3A_231 = arith.constant dense<0.000000e+00> : vector<64x64xf32>
    %dot_general3A_232 = tpu.matmul %slice3A_228, %slice3A_229, %dot_general3A_231 {dimension_numbers = #tpu.dot_dimension_numbers<[1], [1], [0], [0], [0, 0, 1, 0], [], []>, transpose_lhs_hint = false} : vector<64x32xf32>, vector<64x32xf32>, vector<64x64xf32> -> vector<64x64xf32>
    %mul3A_233 = arith.constant 0.176776692 : f32
    %mul3A_234 = vector.broadcast %mul3A_233 : f32 to vector<64x64xf32>
    %mul3A_235 = arith.mulf %dot_general3A_232, %mul3A_234 : vector<64x64xf32>
    %reduce_max3A_236 = arith.constant dense<0xFF800000> : vector<64xf32>
    %reduce_max3A_237 = vector.multi_reduction <maximumf>, %mul3A_235, %reduce_max3A_236 [1] : vector<64x64xf32> to vector<64xf32>
    %broadcast_in_dim3A_238 = vector.shape_cast %reduce_max3A_237 : vector<64xf32> to vector<64x1xf32>
    %sub3A_239 = vector.broadcast %broadcast_in_dim3A_238 : vector<64x1xf32> to vector<64x64xf32>
    %sub3A_240 = arith.subf %mul3A_235, %sub3A_239 : vector<64x64xf32>
    %exp3A_241 = math.exp %sub3A_240 : vector<64x64xf32>
    %reduce_sum3A_242 = arith.constant dense<0.000000e+00> : vector<64xf32>
    %reduce_sum3A_243 = vector.multi_reduction <add>, %exp3A_241, %reduce_sum3A_242 [1] : vector<64x64xf32> to vector<64xf32>
    %broadcast_in_dim3A_244 = vector.shape_cast %reduce_sum3A_243 : vector<64xf32> to vector<64x1xf32>
    %div3A_245 = vector.broadcast %broadcast_in_dim3A_244 : vector<64x1xf32> to vector<64x64xf32>
    %div3A_246 = arith.divf %exp3A_241, %div3A_245 : vector<64x64xf32>
    %dot_general3A_247 = arith.constant dense<0.000000e+00> : vector<64x32xf32>
    %dot_general3A_248 = tpu.matmul %div3A_246, %slice3A_230, %dot_general3A_247 {dimension_numbers = #tpu.dot_dimension_numbers<[1], [0], [0], [1], [0, 0, 1, 1], [], []>, transpose_lhs_hint = false} : vector<64x64xf32>, vector<64x32xf32>, vector<64x32xf32> -> vector<64x32xf32>
    %slice3A_249 = vector.extract_strided_slice %slice3A_227 {offsets = [0, 96], sizes = [64, 32], strides = [1, 1]} : vector<64x288xf32> to vector<64x32xf32>
    %slice3A_250 = vector.extract_strided_slice %slice3A_227 {offsets = [0, 128], sizes = [64, 32], strides = [1, 1]} : vector<64x288xf32> to vector<64x32xf32>
    %slice3A_251 = vector.extract_strided_slice %slice3A_227 {offsets = [0, 160], sizes = [64, 32], strides = [1, 1]} : vector<64x288xf32> to vector<64x32xf32>
    %dot_general3A_252 = arith.constant dense<0.000000e+00> : vector<64x64xf32>
    %dot_general3A_253 = tpu.matmul %slice3A_249, %slice3A_250, %dot_general3A_252 {dimension_numbers = #tpu.dot_dimension_numbers<[1], [1], [0], [0], [0, 0, 1, 0], [], []>, transpose_lhs_hint = false} : vector<64x32xf32>, vector<64x32xf32>, vector<64x64xf32> -> vector<64x64xf32>
    %mul3A_254 = arith.constant 0.176776692 : f32
    %mul3A_255 = vector.broadcast %mul3A_254 : f32 to vector<64x64xf32>
    %mul3A_256 = arith.mulf %dot_general3A_253, %mul3A_255 : vector<64x64xf32>
    %reduce_max3A_257 = arith.constant dense<0xFF800000> : vector<64xf32>
    %reduce_max3A_258 = vector.multi_reduction <maximumf>, %mul3A_256, %reduce_max3A_257 [1] : vector<64x64xf32> to vector<64xf32>
    %broadcast_in_dim3A_259 = vector.shape_cast %reduce_max3A_258 : vector<64xf32> to vector<64x1xf32>
    %sub3A_260 = vector.broadcast %broadcast_in_dim3A_259 : vector<64x1xf32> to vector<64x64xf32>
    %sub3A_261 = arith.subf %mul3A_256, %sub3A_260 : vector<64x64xf32>
    %exp3A_262 = math.exp %sub3A_261 : vector<64x64xf32>
    %reduce_sum3A_263 = arith.constant dense<0.000000e+00> : vector<64xf32>
    %reduce_sum3A_264 = vector.multi_reduction <add>, %exp3A_262, %reduce_sum3A_263 [1] : vector<64x64xf32> to vector<64xf32>
    %broadcast_in_dim3A_265 = vector.shape_cast %reduce_sum3A_264 : vector<64xf32> to vector<64x1xf32>
    %div3A_266 = vector.broadcast %broadcast_in_dim3A_265 : vector<64x1xf32> to vector<64x64xf32>
    %div3A_267 = arith.divf %exp3A_262, %div3A_266 : vector<64x64xf32>
    %dot_general3A_268 = arith.constant dense<0.000000e+00> : vector<64x32xf32>
    %dot_general3A_269 = tpu.matmul %div3A_267, %slice3A_251, %dot_general3A_268 {dimension_numbers = #tpu.dot_dimension_numbers<[1], [0], [0], [1], [0, 0, 1, 1], [], []>, transpose_lhs_hint = false} : vector<64x64xf32>, vector<64x32xf32>, vector<64x32xf32> -> vector<64x32xf32>
    %slice3A_270 = vector.extract_strided_slice %slice3A_227 {offsets = [0, 192], sizes = [64, 32], strides = [1, 1]} : vector<64x288xf32> to vector<64x32xf32>
    %slice3A_271 = vector.extract_strided_slice %slice3A_227 {offsets = [0, 224], sizes = [64, 32], strides = [1, 1]} : vector<64x288xf32> to vector<64x32xf32>
    %slice3A_272 = vector.extract_strided_slice %slice3A_227 {offsets = [0, 256], sizes = [64, 32], strides = [1, 1]} : vector<64x288xf32> to vector<64x32xf32>
    %dot_general3A_273 = arith.constant dense<0.000000e+00> : vector<64x64xf32>
    %dot_general3A_274 = tpu.matmul %slice3A_270, %slice3A_271, %dot_general3A_273 {dimension_numbers = #tpu.dot_dimension_numbers<[1], [1], [0], [0], [0, 0, 1, 0], [], []>, transpose_lhs_hint = false} : vector<64x32xf32>, vector<64x32xf32>, vector<64x64xf32> -> vector<64x64xf32>
    %mul3A_275 = arith.constant 0.176776692 : f32
    %mul3A_276 = vector.broadcast %mul3A_275 : f32 to vector<64x64xf32>
    %mul3A_277 = arith.mulf %dot_general3A_274, %mul3A_276 : vector<64x64xf32>
    %reduce_max3A_278 = arith.constant dense<0xFF800000> : vector<64xf32>
    %reduce_max3A_279 = vector.multi_reduction <maximumf>, %mul3A_277, %reduce_max3A_278 [1] : vector<64x64xf32> to vector<64xf32>
    %broadcast_in_dim3A_280 = vector.shape_cast %reduce_max3A_279 : vector<64xf32> to vector<64x1xf32>
    %sub3A_281 = vector.broadcast %broadcast_in_dim3A_280 : vector<64x1xf32> to vector<64x64xf32>
    %sub3A_282 = arith.subf %mul3A_277, %sub3A_281 : vector<64x64xf32>
    %exp3A_283 = math.exp %sub3A_282 : vector<64x64xf32>
    %reduce_sum3A_284 = arith.constant dense<0.000000e+00> : vector<64xf32>
    %reduce_sum3A_285 = vector.multi_reduction <add>, %exp3A_283, %reduce_sum3A_284 [1] : vector<64x64xf32> to vector<64xf32>
    %broadcast_in_dim3A_286 = vector.shape_cast %reduce_sum3A_285 : vector<64xf32> to vector<64x1xf32>
    %div3A_287 = vector.broadcast %broadcast_in_dim3A_286 : vector<64x1xf32> to vector<64x64xf32>
    %div3A_288 = arith.divf %exp3A_283, %div3A_287 : vector<64x64xf32>
    %dot_general3A_289 = arith.constant dense<0.000000e+00> : vector<64x32xf32>
    %dot_general3A_290 = tpu.matmul %div3A_288, %slice3A_272, %dot_general3A_289 {dimension_numbers = #tpu.dot_dimension_numbers<[1], [0], [0], [1], [0, 0, 1, 1], [], []>, transpose_lhs_hint = false} : vector<64x64xf32>, vector<64x32xf32>, vector<64x32xf32> -> vector<64x32xf32>
    %concatenate3A_291 = tpu.concatenate %dot_general3A_248, %dot_general3A_269, %dot_general3A_290 in 1 : vector<64x32xf32>, vector<64x32xf32>, vector<64x32xf32> -> vector<64x96xf32>
    %slice3A_292 = vector.extract_strided_slice %add3A_35 {offsets = [256, 0], sizes = [64, 288], strides = [1, 1]} : vector<512x288xf32> to vector<64x288xf32>
    %slice3A_293 = vector.extract_strided_slice %slice3A_292 {offsets = [0, 0], sizes = [64, 32], strides = [1, 1]} : vector<64x288xf32> to vector<64x32xf32>
    %slice3A_294 = vector.extract_strided_slice %slice3A_292 {offsets = [0, 32], sizes = [64, 32], strides = [1, 1]} : vector<64x288xf32> to vector<64x32xf32>
    %slice3A_295 = vector.extract_strided_slice %slice3A_292 {offsets = [0, 64], sizes = [64, 32], strides = [1, 1]} : vector<64x288xf32> to vector<64x32xf32>
    %dot_general3A_296 = arith.constant dense<0.000000e+00> : vector<64x64xf32>
    %dot_general3A_297 = tpu.matmul %slice3A_293, %slice3A_294, %dot_general3A_296 {dimension_numbers = #tpu.dot_dimension_numbers<[1], [1], [0], [0], [0, 0, 1, 0], [], []>, transpose_lhs_hint = false} : vector<64x32xf32>, vector<64x32xf32>, vector<64x64xf32> -> vector<64x64xf32>
    %mul3A_298 = arith.constant 0.176776692 : f32
    %mul3A_299 = vector.broadcast %mul3A_298 : f32 to vector<64x64xf32>
    %mul3A_300 = arith.mulf %dot_general3A_297, %mul3A_299 : vector<64x64xf32>
    %reduce_max3A_301 = arith.constant dense<0xFF800000> : vector<64xf32>
    %reduce_max3A_302 = vector.multi_reduction <maximumf>, %mul3A_300, %reduce_max3A_301 [1] : vector<64x64xf32> to vector<64xf32>
    %broadcast_in_dim3A_303 = vector.shape_cast %reduce_max3A_302 : vector<64xf32> to vector<64x1xf32>
    %sub3A_304 = vector.broadcast %broadcast_in_dim3A_303 : vector<64x1xf32> to vector<64x64xf32>
    %sub3A_305 = arith.subf %mul3A_300, %sub3A_304 : vector<64x64xf32>
    %exp3A_306 = math.exp %sub3A_305 : vector<64x64xf32>
    %reduce_sum3A_307 = arith.constant dense<0.000000e+00> : vector<64xf32>
    %reduce_sum3A_308 = vector.multi_reduction <add>, %exp3A_306, %reduce_sum3A_307 [1] : vector<64x64xf32> to vector<64xf32>
    %broadcast_in_dim3A_309 = vector.shape_cast %reduce_sum3A_308 : vector<64xf32> to vector<64x1xf32>
    %div3A_310 = vector.broadcast %broadcast_in_dim3A_309 : vector<64x1xf32> to vector<64x64xf32>
    %div3A_311 = arith.divf %exp3A_306, %div3A_310 : vector<64x64xf32>
    %dot_general3A_312 = arith.constant dense<0.000000e+00> : vector<64x32xf32>
    %dot_general3A_313 = tpu.matmul %div3A_311, %slice3A_295, %dot_general3A_312 {dimension_numbers = #tpu.dot_dimension_numbers<[1], [0], [0], [1], [0, 0, 1, 1], [], []>, transpose_lhs_hint = false} : vector<64x64xf32>, vector<64x32xf32>, vector<64x32xf32> -> vector<64x32xf32>
    %slice3A_314 = vector.extract_strided_slice %slice3A_292 {offsets = [0, 96], sizes = [64, 32], strides = [1, 1]} : vector<64x288xf32> to vector<64x32xf32>
    %slice3A_315 = vector.extract_strided_slice %slice3A_292 {offsets = [0, 128], sizes = [64, 32], strides = [1, 1]} : vector<64x288xf32> to vector<64x32xf32>
    %slice3A_316 = vector.extract_strided_slice %slice3A_292 {offsets = [0, 160], sizes = [64, 32], strides = [1, 1]} : vector<64x288xf32> to vector<64x32xf32>
    %dot_general3A_317 = arith.constant dense<0.000000e+00> : vector<64x64xf32>
    %dot_general3A_318 = tpu.matmul %slice3A_314, %slice3A_315, %dot_general3A_317 {dimension_numbers = #tpu.dot_dimension_numbers<[1], [1], [0], [0], [0, 0, 1, 0], [], []>, transpose_lhs_hint = false} : vector<64x32xf32>, vector<64x32xf32>, vector<64x64xf32> -> vector<64x64xf32>
    %mul3A_319 = arith.constant 0.176776692 : f32
    %mul3A_320 = vector.broadcast %mul3A_319 : f32 to vector<64x64xf32>
    %mul3A_321 = arith.mulf %dot_general3A_318, %mul3A_320 : vector<64x64xf32>
    %reduce_max3A_322 = arith.constant dense<0xFF800000> : vector<64xf32>
    %reduce_max3A_323 = vector.multi_reduction <maximumf>, %mul3A_321, %reduce_max3A_322 [1] : vector<64x64xf32> to vector<64xf32>
    %broadcast_in_dim3A_324 = vector.shape_cast %reduce_max3A_323 : vector<64xf32> to vector<64x1xf32>
    %sub3A_325 = vector.broadcast %broadcast_in_dim3A_324 : vector<64x1xf32> to vector<64x64xf32>
    %sub3A_326 = arith.subf %mul3A_321, %sub3A_325 : vector<64x64xf32>
    %exp3A_327 = math.exp %sub3A_326 : vector<64x64xf32>
    %reduce_sum3A_328 = arith.constant dense<0.000000e+00> : vector<64xf32>
    %reduce_sum3A_329 = vector.multi_reduction <add>, %exp3A_327, %reduce_sum3A_328 [1] : vector<64x64xf32> to vector<64xf32>
    %broadcast_in_dim3A_330 = vector.shape_cast %reduce_sum3A_329 : vector<64xf32> to vector<64x1xf32>
    %div3A_331 = vector.broadcast %broadcast_in_dim3A_330 : vector<64x1xf32> to vector<64x64xf32>
    %div3A_332 = arith.divf %exp3A_327, %div3A_331 : vector<64x64xf32>
    %dot_general3A_333 = arith.constant dense<0.000000e+00> : vector<64x32xf32>
    %dot_general3A_334 = tpu.matmul %div3A_332, %slice3A_316, %dot_general3A_333 {dimension_numbers = #tpu.dot_dimension_numbers<[1], [0], [0], [1], [0, 0, 1, 1], [], []>, transpose_lhs_hint = false} : vector<64x64xf32>, vector<64x32xf32>, vector<64x32xf32> -> vector<64x32xf32>
    %slice3A_335 = vector.extract_strided_slice %slice3A_292 {offsets = [0, 192], sizes = [64, 32], strides = [1, 1]} : vector<64x288xf32> to vector<64x32xf32>
    %slice3A_336 = vector.extract_strided_slice %slice3A_292 {offsets = [0, 224], sizes = [64, 32], strides = [1, 1]} : vector<64x288xf32> to vector<64x32xf32>
    %slice3A_337 = vector.extract_strided_slice %slice3A_292 {offsets = [0, 256], sizes = [64, 32], strides = [1, 1]} : vector<64x288xf32> to vector<64x32xf32>
    %dot_general3A_338 = arith.constant dense<0.000000e+00> : vector<64x64xf32>
    %dot_general3A_339 = tpu.matmul %slice3A_335, %slice3A_336, %dot_general3A_338 {dimension_numbers = #tpu.dot_dimension_numbers<[1], [1], [0], [0], [0, 0, 1, 0], [], []>, transpose_lhs_hint = false} : vector<64x32xf32>, vector<64x32xf32>, vector<64x64xf32> -> vector<64x64xf32>
    %mul3A_340 = arith.constant 0.176776692 : f32
    %mul3A_341 = vector.broadcast %mul3A_340 : f32 to vector<64x64xf32>
    %mul3A_342 = arith.mulf %dot_general3A_339, %mul3A_341 : vector<64x64xf32>
    %reduce_max3A_343 = arith.constant dense<0xFF800000> : vector<64xf32>
    %reduce_max3A_344 = vector.multi_reduction <maximumf>, %mul3A_342, %reduce_max3A_343 [1] : vector<64x64xf32> to vector<64xf32>
    %broadcast_in_dim3A_345 = vector.shape_cast %reduce_max3A_344 : vector<64xf32> to vector<64x1xf32>
    %sub3A_346 = vector.broadcast %broadcast_in_dim3A_345 : vector<64x1xf32> to vector<64x64xf32>
    %sub3A_347 = arith.subf %mul3A_342, %sub3A_346 : vector<64x64xf32>
    %exp3A_348 = math.exp %sub3A_347 : vector<64x64xf32>
    %reduce_sum3A_349 = arith.constant dense<0.000000e+00> : vector<64xf32>
    %reduce_sum3A_350 = vector.multi_reduction <add>, %exp3A_348, %reduce_sum3A_349 [1] : vector<64x64xf32> to vector<64xf32>
    %broadcast_in_dim3A_351 = vector.shape_cast %reduce_sum3A_350 : vector<64xf32> to vector<64x1xf32>
    %div3A_352 = vector.broadcast %broadcast_in_dim3A_351 : vector<64x1xf32> to vector<64x64xf32>
    %div3A_353 = arith.divf %exp3A_348, %div3A_352 : vector<64x64xf32>
    %dot_general3A_354 = arith.constant dense<0.000000e+00> : vector<64x32xf32>
    %dot_general3A_355 = tpu.matmul %div3A_353, %slice3A_337, %dot_general3A_354 {dimension_numbers = #tpu.dot_dimension_numbers<[1], [0], [0], [1], [0, 0, 1, 1], [], []>, transpose_lhs_hint = false} : vector<64x64xf32>, vector<64x32xf32>, vector<64x32xf32> -> vector<64x32xf32>
    %concatenate3A_356 = tpu.concatenate %dot_general3A_313, %dot_general3A_334, %dot_general3A_355 in 1 : vector<64x32xf32>, vector<64x32xf32>, vector<64x32xf32> -> vector<64x96xf32>
    %slice3A_357 = vector.extract_strided_slice %add3A_35 {offsets = [320, 0], sizes = [64, 288], strides = [1, 1]} : vector<512x288xf32> to vector<64x288xf32>
    %slice3A_358 = vector.extract_strided_slice %slice3A_357 {offsets = [0, 0], sizes = [64, 32], strides = [1, 1]} : vector<64x288xf32> to vector<64x32xf32>
    %slice3A_359 = vector.extract_strided_slice %slice3A_357 {offsets = [0, 32], sizes = [64, 32], strides = [1, 1]} : vector<64x288xf32> to vector<64x32xf32>
    %slice3A_360 = vector.extract_strided_slice %slice3A_357 {offsets = [0, 64], sizes = [64, 32], strides = [1, 1]} : vector<64x288xf32> to vector<64x32xf32>
    %dot_general3A_361 = arith.constant dense<0.000000e+00> : vector<64x64xf32>
    %dot_general3A_362 = tpu.matmul %slice3A_358, %slice3A_359, %dot_general3A_361 {dimension_numbers = #tpu.dot_dimension_numbers<[1], [1], [0], [0], [0, 0, 1, 0], [], []>, transpose_lhs_hint = false} : vector<64x32xf32>, vector<64x32xf32>, vector<64x64xf32> -> vector<64x64xf32>
    %mul3A_363 = arith.constant 0.176776692 : f32
    %mul3A_364 = vector.broadcast %mul3A_363 : f32 to vector<64x64xf32>
    %mul3A_365 = arith.mulf %dot_general3A_362, %mul3A_364 : vector<64x64xf32>
    %reduce_max3A_366 = arith.constant dense<0xFF800000> : vector<64xf32>
    %reduce_max3A_367 = vector.multi_reduction <maximumf>, %mul3A_365, %reduce_max3A_366 [1] : vector<64x64xf32> to vector<64xf32>
    %broadcast_in_dim3A_368 = vector.shape_cast %reduce_max3A_367 : vector<64xf32> to vector<64x1xf32>
    %sub3A_369 = vector.broadcast %broadcast_in_dim3A_368 : vector<64x1xf32> to vector<64x64xf32>
    %sub3A_370 = arith.subf %mul3A_365, %sub3A_369 : vector<64x64xf32>
    %exp3A_371 = math.exp %sub3A_370 : vector<64x64xf32>
    %reduce_sum3A_372 = arith.constant dense<0.000000e+00> : vector<64xf32>
    %reduce_sum3A_373 = vector.multi_reduction <add>, %exp3A_371, %reduce_sum3A_372 [1] : vector<64x64xf32> to vector<64xf32>
    %broadcast_in_dim3A_374 = vector.shape_cast %reduce_sum3A_373 : vector<64xf32> to vector<64x1xf32>
    %div3A_375 = vector.broadcast %broadcast_in_dim3A_374 : vector<64x1xf32> to vector<64x64xf32>
    %div3A_376 = arith.divf %exp3A_371, %div3A_375 : vector<64x64xf32>
    %dot_general3A_377 = arith.constant dense<0.000000e+00> : vector<64x32xf32>
    %dot_general3A_378 = tpu.matmul %div3A_376, %slice3A_360, %dot_general3A_377 {dimension_numbers = #tpu.dot_dimension_numbers<[1], [0], [0], [1], [0, 0, 1, 1], [], []>, transpose_lhs_hint = false} : vector<64x64xf32>, vector<64x32xf32>, vector<64x32xf32> -> vector<64x32xf32>
    %slice3A_379 = vector.extract_strided_slice %slice3A_357 {offsets = [0, 96], sizes = [64, 32], strides = [1, 1]} : vector<64x288xf32> to vector<64x32xf32>
    %slice3A_380 = vector.extract_strided_slice %slice3A_357 {offsets = [0, 128], sizes = [64, 32], strides = [1, 1]} : vector<64x288xf32> to vector<64x32xf32>
    %slice3A_381 = vector.extract_strided_slice %slice3A_357 {offsets = [0, 160], sizes = [64, 32], strides = [1, 1]} : vector<64x288xf32> to vector<64x32xf32>
    %dot_general3A_382 = arith.constant dense<0.000000e+00> : vector<64x64xf32>
    %dot_general3A_383 = tpu.matmul %slice3A_379, %slice3A_380, %dot_general3A_382 {dimension_numbers = #tpu.dot_dimension_numbers<[1], [1], [0], [0], [0, 0, 1, 0], [], []>, transpose_lhs_hint = false} : vector<64x32xf32>, vector<64x32xf32>, vector<64x64xf32> -> vector<64x64xf32>
    %mul3A_384 = arith.constant 0.176776692 : f32
    %mul3A_385 = vector.broadcast %mul3A_384 : f32 to vector<64x64xf32>
    %mul3A_386 = arith.mulf %dot_general3A_383, %mul3A_385 : vector<64x64xf32>
    %reduce_max3A_387 = arith.constant dense<0xFF800000> : vector<64xf32>
    %reduce_max3A_388 = vector.multi_reduction <maximumf>, %mul3A_386, %reduce_max3A_387 [1] : vector<64x64xf32> to vector<64xf32>
    %broadcast_in_dim3A_389 = vector.shape_cast %reduce_max3A_388 : vector<64xf32> to vector<64x1xf32>
    %sub3A_390 = vector.broadcast %broadcast_in_dim3A_389 : vector<64x1xf32> to vector<64x64xf32>
    %sub3A_391 = arith.subf %mul3A_386, %sub3A_390 : vector<64x64xf32>
    %exp3A_392 = math.exp %sub3A_391 : vector<64x64xf32>
    %reduce_sum3A_393 = arith.constant dense<0.000000e+00> : vector<64xf32>
    %reduce_sum3A_394 = vector.multi_reduction <add>, %exp3A_392, %reduce_sum3A_393 [1] : vector<64x64xf32> to vector<64xf32>
    %broadcast_in_dim3A_395 = vector.shape_cast %reduce_sum3A_394 : vector<64xf32> to vector<64x1xf32>
    %div3A_396 = vector.broadcast %broadcast_in_dim3A_395 : vector<64x1xf32> to vector<64x64xf32>
    %div3A_397 = arith.divf %exp3A_392, %div3A_396 : vector<64x64xf32>
    %dot_general3A_398 = arith.constant dense<0.000000e+00> : vector<64x32xf32>
    %dot_general3A_399 = tpu.matmul %div3A_397, %slice3A_381, %dot_general3A_398 {dimension_numbers = #tpu.dot_dimension_numbers<[1], [0], [0], [1], [0, 0, 1, 1], [], []>, transpose_lhs_hint = false} : vector<64x64xf32>, vector<64x32xf32>, vector<64x32xf32> -> vector<64x32xf32>
    %slice3A_400 = vector.extract_strided_slice %slice3A_357 {offsets = [0, 192], sizes = [64, 32], strides = [1, 1]} : vector<64x288xf32> to vector<64x32xf32>
    %slice3A_401 = vector.extract_strided_slice %slice3A_357 {offsets = [0, 224], sizes = [64, 32], strides = [1, 1]} : vector<64x288xf32> to vector<64x32xf32>
    %slice3A_402 = vector.extract_strided_slice %slice3A_357 {offsets = [0, 256], sizes = [64, 32], strides = [1, 1]} : vector<64x288xf32> to vector<64x32xf32>
    %dot_general3A_403 = arith.constant dense<0.000000e+00> : vector<64x64xf32>
    %dot_general3A_404 = tpu.matmul %slice3A_400, %slice3A_401, %dot_general3A_403 {dimension_numbers = #tpu.dot_dimension_numbers<[1], [1], [0], [0], [0, 0, 1, 0], [], []>, transpose_lhs_hint = false} : vector<64x32xf32>, vector<64x32xf32>, vector<64x64xf32> -> vector<64x64xf32>
    %mul3A_405 = arith.constant 0.176776692 : f32
    %mul3A_406 = vector.broadcast %mul3A_405 : f32 to vector<64x64xf32>
    %mul3A_407 = arith.mulf %dot_general3A_404, %mul3A_406 : vector<64x64xf32>
    %reduce_max3A_408 = arith.constant dense<0xFF800000> : vector<64xf32>
    %reduce_max3A_409 = vector.multi_reduction <maximumf>, %mul3A_407, %reduce_max3A_408 [1] : vector<64x64xf32> to vector<64xf32>
    %broadcast_in_dim3A_410 = vector.shape_cast %reduce_max3A_409 : vector<64xf32> to vector<64x1xf32>
    %sub3A_411 = vector.broadcast %broadcast_in_dim3A_410 : vector<64x1xf32> to vector<64x64xf32>
    %sub3A_412 = arith.subf %mul3A_407, %sub3A_411 : vector<64x64xf32>
    %exp3A_413 = math.exp %sub3A_412 : vector<64x64xf32>
    %reduce_sum3A_414 = arith.constant dense<0.000000e+00> : vector<64xf32>
    %reduce_sum3A_415 = vector.multi_reduction <add>, %exp3A_413, %reduce_sum3A_414 [1] : vector<64x64xf32> to vector<64xf32>
    %broadcast_in_dim3A_416 = vector.shape_cast %reduce_sum3A_415 : vector<64xf32> to vector<64x1xf32>
    %div3A_417 = vector.broadcast %broadcast_in_dim3A_416 : vector<64x1xf32> to vector<64x64xf32>
    %div3A_418 = arith.divf %exp3A_413, %div3A_417 : vector<64x64xf32>
    %dot_general3A_419 = arith.constant dense<0.000000e+00> : vector<64x32xf32>
    %dot_general3A_420 = tpu.matmul %div3A_418, %slice3A_402, %dot_general3A_419 {dimension_numbers = #tpu.dot_dimension_numbers<[1], [0], [0], [1], [0, 0, 1, 1], [], []>, transpose_lhs_hint = false} : vector<64x64xf32>, vector<64x32xf32>, vector<64x32xf32> -> vector<64x32xf32>
    %concatenate3A_421 = tpu.concatenate %dot_general3A_378, %dot_general3A_399, %dot_general3A_420 in 1 : vector<64x32xf32>, vector<64x32xf32>, vector<64x32xf32> -> vector<64x96xf32>
    %slice3A_422 = vector.extract_strided_slice %add3A_35 {offsets = [384, 0], sizes = [64, 288], strides = [1, 1]} : vector<512x288xf32> to vector<64x288xf32>
    %slice3A_423 = vector.extract_strided_slice %slice3A_422 {offsets = [0, 0], sizes = [64, 32], strides = [1, 1]} : vector<64x288xf32> to vector<64x32xf32>
    %slice3A_424 = vector.extract_strided_slice %slice3A_422 {offsets = [0, 32], sizes = [64, 32], strides = [1, 1]} : vector<64x288xf32> to vector<64x32xf32>
    %slice3A_425 = vector.extract_strided_slice %slice3A_422 {offsets = [0, 64], sizes = [64, 32], strides = [1, 1]} : vector<64x288xf32> to vector<64x32xf32>
    %dot_general3A_426 = arith.constant dense<0.000000e+00> : vector<64x64xf32>
    %dot_general3A_427 = tpu.matmul %slice3A_423, %slice3A_424, %dot_general3A_426 {dimension_numbers = #tpu.dot_dimension_numbers<[1], [1], [0], [0], [0, 0, 1, 0], [], []>, transpose_lhs_hint = false} : vector<64x32xf32>, vector<64x32xf32>, vector<64x64xf32> -> vector<64x64xf32>
    %mul3A_428 = arith.constant 0.176776692 : f32
    %mul3A_429 = vector.broadcast %mul3A_428 : f32 to vector<64x64xf32>
    %mul3A_430 = arith.mulf %dot_general3A_427, %mul3A_429 : vector<64x64xf32>
    %reduce_max3A_431 = arith.constant dense<0xFF800000> : vector<64xf32>
    %reduce_max3A_432 = vector.multi_reduction <maximumf>, %mul3A_430, %reduce_max3A_431 [1] : vector<64x64xf32> to vector<64xf32>
    %broadcast_in_dim3A_433 = vector.shape_cast %reduce_max3A_432 : vector<64xf32> to vector<64x1xf32>
    %sub3A_434 = vector.broadcast %broadcast_in_dim3A_433 : vector<64x1xf32> to vector<64x64xf32>
    %sub3A_435 = arith.subf %mul3A_430, %sub3A_434 : vector<64x64xf32>
    %exp3A_436 = math.exp %sub3A_435 : vector<64x64xf32>
    %reduce_sum3A_437 = arith.constant dense<0.000000e+00> : vector<64xf32>
    %reduce_sum3A_438 = vector.multi_reduction <add>, %exp3A_436, %reduce_sum3A_437 [1] : vector<64x64xf32> to vector<64xf32>
    %broadcast_in_dim3A_439 = vector.shape_cast %reduce_sum3A_438 : vector<64xf32> to vector<64x1xf32>
    %div3A_440 = vector.broadcast %broadcast_in_dim3A_439 : vector<64x1xf32> to vector<64x64xf32>
    %div3A_441 = arith.divf %exp3A_436, %div3A_440 : vector<64x64xf32>
    %dot_general3A_442 = arith.constant dense<0.000000e+00> : vector<64x32xf32>
    %dot_general3A_443 = tpu.matmul %div3A_441, %slice3A_425, %dot_general3A_442 {dimension_numbers = #tpu.dot_dimension_numbers<[1], [0], [0], [1], [0, 0, 1, 1], [], []>, transpose_lhs_hint = false} : vector<64x64xf32>, vector<64x32xf32>, vector<64x32xf32> -> vector<64x32xf32>
    %slice3A_444 = vector.extract_strided_slice %slice3A_422 {offsets = [0, 96], sizes = [64, 32], strides = [1, 1]} : vector<64x288xf32> to vector<64x32xf32>
    %slice3A_445 = vector.extract_strided_slice %slice3A_422 {offsets = [0, 128], sizes = [64, 32], strides = [1, 1]} : vector<64x288xf32> to vector<64x32xf32>
    %slice3A_446 = vector.extract_strided_slice %slice3A_422 {offsets = [0, 160], sizes = [64, 32], strides = [1, 1]} : vector<64x288xf32> to vector<64x32xf32>
    %dot_general3A_447 = arith.constant dense<0.000000e+00> : vector<64x64xf32>
    %dot_general3A_448 = tpu.matmul %slice3A_444, %slice3A_445, %dot_general3A_447 {dimension_numbers = #tpu.dot_dimension_numbers<[1], [1], [0], [0], [0, 0, 1, 0], [], []>, transpose_lhs_hint = false} : vector<64x32xf32>, vector<64x32xf32>, vector<64x64xf32> -> vector<64x64xf32>
    %mul3A_449 = arith.constant 0.176776692 : f32
    %mul3A_450 = vector.broadcast %mul3A_449 : f32 to vector<64x64xf32>
    %mul3A_451 = arith.mulf %dot_general3A_448, %mul3A_450 : vector<64x64xf32>
    %reduce_max3A_452 = arith.constant dense<0xFF800000> : vector<64xf32>
    %reduce_max3A_453 = vector.multi_reduction <maximumf>, %mul3A_451, %reduce_max3A_452 [1] : vector<64x64xf32> to vector<64xf32>
    %broadcast_in_dim3A_454 = vector.shape_cast %reduce_max3A_453 : vector<64xf32> to vector<64x1xf32>
    %sub3A_455 = vector.broadcast %broadcast_in_dim3A_454 : vector<64x1xf32> to vector<64x64xf32>
    %sub3A_456 = arith.subf %mul3A_451, %sub3A_455 : vector<64x64xf32>
    %exp3A_457 = math.exp %sub3A_456 : vector<64x64xf32>
    %reduce_sum3A_458 = arith.constant dense<0.000000e+00> : vector<64xf32>
    %reduce_sum3A_459 = vector.multi_reduction <add>, %exp3A_457, %reduce_sum3A_458 [1] : vector<64x64xf32> to vector<64xf32>
    %broadcast_in_dim3A_460 = vector.shape_cast %reduce_sum3A_459 : vector<64xf32> to vector<64x1xf32>
    %div3A_461 = vector.broadcast %broadcast_in_dim3A_460 : vector<64x1xf32> to vector<64x64xf32>
    %div3A_462 = arith.divf %exp3A_457, %div3A_461 : vector<64x64xf32>
    %dot_general3A_463 = arith.constant dense<0.000000e+00> : vector<64x32xf32>
    %dot_general3A_464 = tpu.matmul %div3A_462, %slice3A_446, %dot_general3A_463 {dimension_numbers = #tpu.dot_dimension_numbers<[1], [0], [0], [1], [0, 0, 1, 1], [], []>, transpose_lhs_hint = false} : vector<64x64xf32>, vector<64x32xf32>, vector<64x32xf32> -> vector<64x32xf32>
    %slice3A_465 = vector.extract_strided_slice %slice3A_422 {offsets = [0, 192], sizes = [64, 32], strides = [1, 1]} : vector<64x288xf32> to vector<64x32xf32>
    %slice3A_466 = vector.extract_strided_slice %slice3A_422 {offsets = [0, 224], sizes = [64, 32], strides = [1, 1]} : vector<64x288xf32> to vector<64x32xf32>
    %slice3A_467 = vector.extract_strided_slice %slice3A_422 {offsets = [0, 256], sizes = [64, 32], strides = [1, 1]} : vector<64x288xf32> to vector<64x32xf32>
    %dot_general3A_468 = arith.constant dense<0.000000e+00> : vector<64x64xf32>
    %dot_general3A_469 = tpu.matmul %slice3A_465, %slice3A_466, %dot_general3A_468 {dimension_numbers = #tpu.dot_dimension_numbers<[1], [1], [0], [0], [0, 0, 1, 0], [], []>, transpose_lhs_hint = false} : vector<64x32xf32>, vector<64x32xf32>, vector<64x64xf32> -> vector<64x64xf32>
    %mul3A_470 = arith.constant 0.176776692 : f32
    %mul3A_471 = vector.broadcast %mul3A_470 : f32 to vector<64x64xf32>
    %mul3A_472 = arith.mulf %dot_general3A_469, %mul3A_471 : vector<64x64xf32>
    %reduce_max3A_473 = arith.constant dense<0xFF800000> : vector<64xf32>
    %reduce_max3A_474 = vector.multi_reduction <maximumf>, %mul3A_472, %reduce_max3A_473 [1] : vector<64x64xf32> to vector<64xf32>
    %broadcast_in_dim3A_475 = vector.shape_cast %reduce_max3A_474 : vector<64xf32> to vector<64x1xf32>
    %sub3A_476 = vector.broadcast %broadcast_in_dim3A_475 : vector<64x1xf32> to vector<64x64xf32>
    %sub3A_477 = arith.subf %mul3A_472, %sub3A_476 : vector<64x64xf32>
    %exp3A_478 = math.exp %sub3A_477 : vector<64x64xf32>
    %reduce_sum3A_479 = arith.constant dense<0.000000e+00> : vector<64xf32>
    %reduce_sum3A_480 = vector.multi_reduction <add>, %exp3A_478, %reduce_sum3A_479 [1] : vector<64x64xf32> to vector<64xf32>
    %broadcast_in_dim3A_481 = vector.shape_cast %reduce_sum3A_480 : vector<64xf32> to vector<64x1xf32>
    %div3A_482 = vector.broadcast %broadcast_in_dim3A_481 : vector<64x1xf32> to vector<64x64xf32>
    %div3A_483 = arith.divf %exp3A_478, %div3A_482 : vector<64x64xf32>
    %dot_general3A_484 = arith.constant dense<0.000000e+00> : vector<64x32xf32>
    %dot_general3A_485 = tpu.matmul %div3A_483, %slice3A_467, %dot_general3A_484 {dimension_numbers = #tpu.dot_dimension_numbers<[1], [0], [0], [1], [0, 0, 1, 1], [], []>, transpose_lhs_hint = false} : vector<64x64xf32>, vector<64x32xf32>, vector<64x32xf32> -> vector<64x32xf32>
    %concatenate3A_486 = tpu.concatenate %dot_general3A_443, %dot_general3A_464, %dot_general3A_485 in 1 : vector<64x32xf32>, vector<64x32xf32>, vector<64x32xf32> -> vector<64x96xf32>
    %slice3A_487 = vector.extract_strided_slice %add3A_35 {offsets = [448, 0], sizes = [64, 288], strides = [1, 1]} : vector<512x288xf32> to vector<64x288xf32>
    %slice3A_488 = vector.extract_strided_slice %slice3A_487 {offsets = [0, 0], sizes = [64, 32], strides = [1, 1]} : vector<64x288xf32> to vector<64x32xf32>
    %slice3A_489 = vector.extract_strided_slice %slice3A_487 {offsets = [0, 32], sizes = [64, 32], strides = [1, 1]} : vector<64x288xf32> to vector<64x32xf32>
    %slice3A_490 = vector.extract_strided_slice %slice3A_487 {offsets = [0, 64], sizes = [64, 32], strides = [1, 1]} : vector<64x288xf32> to vector<64x32xf32>
    %dot_general3A_491 = arith.constant dense<0.000000e+00> : vector<64x64xf32>
    %dot_general3A_492 = tpu.matmul %slice3A_488, %slice3A_489, %dot_general3A_491 {dimension_numbers = #tpu.dot_dimension_numbers<[1], [1], [0], [0], [0, 0, 1, 0], [], []>, transpose_lhs_hint = false} : vector<64x32xf32>, vector<64x32xf32>, vector<64x64xf32> -> vector<64x64xf32>
    %mul3A_493 = arith.constant 0.176776692 : f32
    %mul3A_494 = vector.broadcast %mul3A_493 : f32 to vector<64x64xf32>
    %mul3A_495 = arith.mulf %dot_general3A_492, %mul3A_494 : vector<64x64xf32>
    %reduce_max3A_496 = arith.constant dense<0xFF800000> : vector<64xf32>
    %reduce_max3A_497 = vector.multi_reduction <maximumf>, %mul3A_495, %reduce_max3A_496 [1] : vector<64x64xf32> to vector<64xf32>
    %broadcast_in_dim3A_498 = vector.shape_cast %reduce_max3A_497 : vector<64xf32> to vector<64x1xf32>
    %sub3A_499 = vector.broadcast %broadcast_in_dim3A_498 : vector<64x1xf32> to vector<64x64xf32>
    %sub3A_500 = arith.subf %mul3A_495, %sub3A_499 : vector<64x64xf32>
    %exp3A_501 = math.exp %sub3A_500 : vector<64x64xf32>
    %reduce_sum3A_502 = arith.constant dense<0.000000e+00> : vector<64xf32>
    %reduce_sum3A_503 = vector.multi_reduction <add>, %exp3A_501, %reduce_sum3A_502 [1] : vector<64x64xf32> to vector<64xf32>
    %broadcast_in_dim3A_504 = vector.shape_cast %reduce_sum3A_503 : vector<64xf32> to vector<64x1xf32>
    %div3A_505 = vector.broadcast %broadcast_in_dim3A_504 : vector<64x1xf32> to vector<64x64xf32>
    %div3A_506 = arith.divf %exp3A_501, %div3A_505 : vector<64x64xf32>
    %dot_general3A_507 = arith.constant dense<0.000000e+00> : vector<64x32xf32>
    %dot_general3A_508 = tpu.matmul %div3A_506, %slice3A_490, %dot_general3A_507 {dimension_numbers = #tpu.dot_dimension_numbers<[1], [0], [0], [1], [0, 0, 1, 1], [], []>, transpose_lhs_hint = false} : vector<64x64xf32>, vector<64x32xf32>, vector<64x32xf32> -> vector<64x32xf32>
    %slice3A_509 = vector.extract_strided_slice %slice3A_487 {offsets = [0, 96], sizes = [64, 32], strides = [1, 1]} : vector<64x288xf32> to vector<64x32xf32>
    %slice3A_510 = vector.extract_strided_slice %slice3A_487 {offsets = [0, 128], sizes = [64, 32], strides = [1, 1]} : vector<64x288xf32> to vector<64x32xf32>
    %slice3A_511 = vector.extract_strided_slice %slice3A_487 {offsets = [0, 160], sizes = [64, 32], strides = [1, 1]} : vector<64x288xf32> to vector<64x32xf32>
    %dot_general3A_512 = arith.constant dense<0.000000e+00> : vector<64x64xf32>
    %dot_general3A_513 = tpu.matmul %slice3A_509, %slice3A_510, %dot_general3A_512 {dimension_numbers = #tpu.dot_dimension_numbers<[1], [1], [0], [0], [0, 0, 1, 0], [], []>, transpose_lhs_hint = false} : vector<64x32xf32>, vector<64x32xf32>, vector<64x64xf32> -> vector<64x64xf32>
    %mul3A_514 = arith.constant 0.176776692 : f32
    %mul3A_515 = vector.broadcast %mul3A_514 : f32 to vector<64x64xf32>
    %mul3A_516 = arith.mulf %dot_general3A_513, %mul3A_515 : vector<64x64xf32>
    %reduce_max3A_517 = arith.constant dense<0xFF800000> : vector<64xf32>
    %reduce_max3A_518 = vector.multi_reduction <maximumf>, %mul3A_516, %reduce_max3A_517 [1] : vector<64x64xf32> to vector<64xf32>
    %broadcast_in_dim3A_519 = vector.shape_cast %reduce_max3A_518 : vector<64xf32> to vector<64x1xf32>
    %sub3A_520 = vector.broadcast %broadcast_in_dim3A_519 : vector<64x1xf32> to vector<64x64xf32>
    %sub3A_521 = arith.subf %mul3A_516, %sub3A_520 : vector<64x64xf32>
    %exp3A_522 = math.exp %sub3A_521 : vector<64x64xf32>
    %reduce_sum3A_523 = arith.constant dense<0.000000e+00> : vector<64xf32>
    %reduce_sum3A_524 = vector.multi_reduction <add>, %exp3A_522, %reduce_sum3A_523 [1] : vector<64x64xf32> to vector<64xf32>
    %broadcast_in_dim3A_525 = vector.shape_cast %reduce_sum3A_524 : vector<64xf32> to vector<64x1xf32>
    %div3A_526 = vector.broadcast %broadcast_in_dim3A_525 : vector<64x1xf32> to vector<64x64xf32>
    %div3A_527 = arith.divf %exp3A_522, %div3A_526 : vector<64x64xf32>
    %dot_general3A_528 = arith.constant dense<0.000000e+00> : vector<64x32xf32>
    %dot_general3A_529 = tpu.matmul %div3A_527, %slice3A_511, %dot_general3A_528 {dimension_numbers = #tpu.dot_dimension_numbers<[1], [0], [0], [1], [0, 0, 1, 1], [], []>, transpose_lhs_hint = false} : vector<64x64xf32>, vector<64x32xf32>, vector<64x32xf32> -> vector<64x32xf32>
    %slice3A_530 = vector.extract_strided_slice %slice3A_487 {offsets = [0, 192], sizes = [64, 32], strides = [1, 1]} : vector<64x288xf32> to vector<64x32xf32>
    %slice3A_531 = vector.extract_strided_slice %slice3A_487 {offsets = [0, 224], sizes = [64, 32], strides = [1, 1]} : vector<64x288xf32> to vector<64x32xf32>
    %slice3A_532 = vector.extract_strided_slice %slice3A_487 {offsets = [0, 256], sizes = [64, 32], strides = [1, 1]} : vector<64x288xf32> to vector<64x32xf32>
    %dot_general3A_533 = arith.constant dense<0.000000e+00> : vector<64x64xf32>
    %dot_general3A_534 = tpu.matmul %slice3A_530, %slice3A_531, %dot_general3A_533 {dimension_numbers = #tpu.dot_dimension_numbers<[1], [1], [0], [0], [0, 0, 1, 0], [], []>, transpose_lhs_hint = false} : vector<64x32xf32>, vector<64x32xf32>, vector<64x64xf32> -> vector<64x64xf32>
    %mul3A_535 = arith.constant 0.176776692 : f32
    %mul3A_536 = vector.broadcast %mul3A_535 : f32 to vector<64x64xf32>
    %mul3A_537 = arith.mulf %dot_general3A_534, %mul3A_536 : vector<64x64xf32>
    %reduce_max3A_538 = arith.constant dense<0xFF800000> : vector<64xf32>
    %reduce_max3A_539 = vector.multi_reduction <maximumf>, %mul3A_537, %reduce_max3A_538 [1] : vector<64x64xf32> to vector<64xf32>
    %broadcast_in_dim3A_540 = vector.shape_cast %reduce_max3A_539 : vector<64xf32> to vector<64x1xf32>
    %sub3A_541 = vector.broadcast %broadcast_in_dim3A_540 : vector<64x1xf32> to vector<64x64xf32>
    %sub3A_542 = arith.subf %mul3A_537, %sub3A_541 : vector<64x64xf32>
    %exp3A_543 = math.exp %sub3A_542 : vector<64x64xf32>
    %reduce_sum3A_544 = arith.constant dense<0.000000e+00> : vector<64xf32>
    %reduce_sum3A_545 = vector.multi_reduction <add>, %exp3A_543, %reduce_sum3A_544 [1] : vector<64x64xf32> to vector<64xf32>
    %broadcast_in_dim3A_546 = vector.shape_cast %reduce_sum3A_545 : vector<64xf32> to vector<64x1xf32>
    %div3A_547 = vector.broadcast %broadcast_in_dim3A_546 : vector<64x1xf32> to vector<64x64xf32>
    %div3A_548 = arith.divf %exp3A_543, %div3A_547 : vector<64x64xf32>
    %dot_general3A_549 = arith.constant dense<0.000000e+00> : vector<64x32xf32>
    %dot_general3A_550 = tpu.matmul %div3A_548, %slice3A_532, %dot_general3A_549 {dimension_numbers = #tpu.dot_dimension_numbers<[1], [0], [0], [1], [0, 0, 1, 1], [], []>, transpose_lhs_hint = false} : vector<64x64xf32>, vector<64x32xf32>, vector<64x32xf32> -> vector<64x32xf32>
    %concatenate3A_551 = tpu.concatenate %dot_general3A_508, %dot_general3A_529, %dot_general3A_550 in 1 : vector<64x32xf32>, vector<64x32xf32>, vector<64x32xf32> -> vector<64x96xf32>
    %concatenate3A_552 = tpu.concatenate %concatenate3A, %concatenate3A_161, %concatenate3A_226, %concatenate3A_291, %concatenate3A_356, %concatenate3A_421, %concatenate3A_486, %concatenate3A_551 in 0 : vector<64x96xf32>, vector<64x96xf32>, vector<64x96xf32>, vector<64x96xf32>, vector<64x96xf32>, vector<64x96xf32>, vector<64x96xf32>, vector<64x96xf32> -> vector<512x96xf32>
    %get3A_553 = arith.constant 0 : index
    %get3A_554 = arith.constant 0 : index
    %get3A_555 = vector.load %arg8[%get3A_553, %get3A_554] : memref<96x96xf32, #tpu.memory_space<vmem>>, vector<96x96xf32>
    %dot_general3A_556 = arith.constant dense<0.000000e+00> : vector<512x96xf32>
    %dot_general3A_557 = tpu.matmul %concatenate3A_552, %get3A_555, %dot_general3A_556 {dimension_numbers = #tpu.dot_dimension_numbers<[1], [0], [0], [1], [0, 0, 1, 1], [], []>, transpose_lhs_hint = false} : vector<512x96xf32>, vector<96x96xf32>, vector<512x96xf32> -> vector<512x96xf32>
    %get3A_558 = arith.constant 0 : index
    %get3A_559 = arith.constant 0 : index
    %get3A_560 = vector.load %arg9[%get3A_558, %get3A_559] : memref<1x96xf32, #tpu.memory_space<vmem>>, vector<1x96xf32>
    %add3A_561 = vector.broadcast %get3A_560 : vector<1x96xf32> to vector<512x96xf32>
    %add3A_562 = arith.addf %dot_general3A_557, %add3A_561 : vector<512x96xf32>
    %add3A_563 = arith.addf %add3A_562, %add3A_26 : vector<512x96xf32>
    %get3A_564 = arith.constant 0 : index
    %get3A_565 = arith.constant 0 : index
    %get3A_566 = vector.load %arg10[%get3A_564, %get3A_565] : memref<1x96xf32, #tpu.memory_space<vmem>>, vector<1x96xf32>
    %get3A_567 = arith.constant 0 : index
    %get3A_568 = arith.constant 0 : index
    %get3A_569 = vector.load %arg11[%get3A_567, %get3A_568] : memref<1x96xf32, #tpu.memory_space<vmem>>, vector<1x96xf32>
    %reduce_sum3A_570 = arith.constant dense<0.000000e+00> : vector<512xf32>
    %reduce_sum3A_571 = vector.multi_reduction <add>, %add3A_563, %reduce_sum3A_570 [1] : vector<512x96xf32> to vector<512xf32>
    %broadcast_in_dim3A_572 = vector.shape_cast %reduce_sum3A_571 : vector<512xf32> to vector<512x1xf32>
    %div3A_573 = arith.constant 9.600000e+01 : f32
    %div3A_574 = vector.broadcast %div3A_573 : f32 to vector<512x1xf32>
    %div3A_575 = arith.divf %broadcast_in_dim3A_572, %div3A_574 : vector<512x1xf32>
    %sub3A_576 = vector.broadcast %div3A_575 : vector<512x1xf32> to vector<512x96xf32>
    %sub3A_577 = arith.subf %add3A_563, %sub3A_576 : vector<512x96xf32>
    %mul3A_578 = arith.mulf %sub3A_577, %sub3A_577 : vector<512x96xf32>
    %reduce_sum3A_579 = arith.constant dense<0.000000e+00> : vector<512xf32>
    %reduce_sum3A_580 = vector.multi_reduction <add>, %mul3A_578, %reduce_sum3A_579 [1] : vector<512x96xf32> to vector<512xf32>
    %broadcast_in_dim3A_581 = vector.shape_cast %reduce_sum3A_580 : vector<512xf32> to vector<512x1xf32>
    %div3A_582 = arith.constant 9.600000e+01 : f32
    %div3A_583 = vector.broadcast %div3A_582 : f32 to vector<512x1xf32>
    %div3A_584 = arith.divf %broadcast_in_dim3A_581, %div3A_583 : vector<512x1xf32>
    %add3A_585 = arith.constant 9.99999974E-6 : f32
    %add3A_586 = vector.broadcast %add3A_585 : f32 to vector<512x1xf32>
    %add3A_587 = arith.addf %div3A_584, %add3A_586 : vector<512x1xf32>
    %rsqrt3A_588 = math.rsqrt %add3A_587 : vector<512x1xf32>
    %mul3A_589 = vector.broadcast %rsqrt3A_588 : vector<512x1xf32> to vector<512x96xf32>
    %mul3A_590 = arith.mulf %sub3A_577, %mul3A_589 : vector<512x96xf32>
    %mul3A_591 = vector.broadcast %get3A_566 : vector<1x96xf32> to vector<512x96xf32>
    %mul3A_592 = arith.mulf %mul3A_590, %mul3A_591 : vector<512x96xf32>
    %add3A_593 = vector.broadcast %get3A_569 : vector<1x96xf32> to vector<512x96xf32>
    %add3A_594 = arith.addf %mul3A_592, %add3A_593 : vector<512x96xf32>
    %get3A_595 = arith.constant 0 : index
    %get3A_596 = arith.constant 0 : index
    %get3A_597 = vector.load %arg12[%get3A_595, %get3A_596] : memref<96x384xf32, #tpu.memory_space<vmem>>, vector<96x384xf32>
    %dot_general3A_598 = arith.constant dense<0.000000e+00> : vector<512x384xf32>
    %dot_general3A_599 = tpu.matmul %add3A_594, %get3A_597, %dot_general3A_598 {dimension_numbers = #tpu.dot_dimension_numbers<[1], [0], [0], [1], [0, 0, 1, 1], [], []>, transpose_lhs_hint = false} : vector<512x96xf32>, vector<96x384xf32>, vector<512x384xf32> -> vector<512x384xf32>
    %get3A_600 = arith.constant 0 : index
    %get3A_601 = arith.constant 0 : index
    %get3A_602 = vector.load %arg13[%get3A_600, %get3A_601] : memref<1x384xf32, #tpu.memory_space<vmem>>, vector<1x384xf32>
    %add3A_603 = vector.broadcast %get3A_602 : vector<1x384xf32> to vector<512x384xf32>
    %add3A_604 = arith.addf %dot_general3A_599, %add3A_603 : vector<512x384xf32>
    %mul3A_605 = arith.constant 5.000000e-01 : f32
    %mul3A_606 = vector.broadcast %mul3A_605 : f32 to vector<512x384xf32>
    %mul3A_607 = arith.mulf %mul3A_606, %add3A_604 : vector<512x384xf32>
    %mul3A_608 = arith.constant 0.707106769 : f32
    %mul3A_609 = vector.broadcast %mul3A_608 : f32 to vector<512x384xf32>
    %mul3A_610 = arith.mulf %add3A_604, %mul3A_609 : vector<512x384xf32>
    %erf3A = math.erf %mul3A_610 : vector<512x384xf32>
    %add3A_611 = arith.constant 1.000000e+00 : f32
    %add3A_612 = vector.broadcast %add3A_611 : f32 to vector<512x384xf32>
    %add3A_613 = arith.addf %add3A_612, %erf3A : vector<512x384xf32>
    %mul3A_614 = arith.mulf %mul3A_607, %add3A_613 : vector<512x384xf32>
    %get3A_615 = arith.constant 0 : index
    %get3A_616 = arith.constant 0 : index
    %get3A_617 = vector.load %arg14[%get3A_615, %get3A_616] : memref<384x96xf32, #tpu.memory_space<vmem>>, vector<384x96xf32>
    %dot_general3A_618 = arith.constant dense<0.000000e+00> : vector<512x96xf32>
    %dot_general3A_619 = tpu.matmul %mul3A_614, %get3A_617, %dot_general3A_618 {dimension_numbers = #tpu.dot_dimension_numbers<[1], [0], [0], [1], [0, 0, 1, 1], [], []>, transpose_lhs_hint = false} : vector<512x384xf32>, vector<384x96xf32>, vector<512x96xf32> -> vector<512x96xf32>
    %add3A_620 = arith.addf %add3A_563, %dot_general3A_619 : vector<512x96xf32>
    %get3A_621 = arith.constant 0 : index
    %get3A_622 = arith.constant 0 : index
    %get3A_623 = vector.load %arg15[%get3A_621, %get3A_622] : memref<1x96xf32, #tpu.memory_space<vmem>>, vector<1x96xf32>
    %add3A_624 = vector.broadcast %get3A_623 : vector<1x96xf32> to vector<512x96xf32>
    %add3A_625 = arith.addf %add3A_620, %add3A_624 : vector<512x96xf32>
    %reshape3A_626 = vector.shape_cast %add3A_625 : vector<512x96xf32> to vector<8x64x96xf32>
    %swap3A = arith.constant 0 : index
    %swap3A_627 = arith.constant 0 : index
    %swap3A_628 = arith.constant 0 : index
    %swap3A_629 = vector.load %arg17[%swap3A, %swap3A_627, %swap3A_628] : memref<8x64x96xf32, #tpu.memory_space<vmem>>, vector<8x64x96xf32>
    tpu.vector_store %arg17[%swap3A, %swap3A_627, %swap3A_628], %reshape3A_626 {strides = array<i32>} : memref<8x64x96xf32, #tpu.memory_space<vmem>>, vector<8x64x96xf32>,
    %mul3A_630 = arith.constant 8 : i32
    %mul3A_631 = arith.muli %arg0, %mul3A_630 : i32
    %add3A_632 = arith.constant 0 : i32
    %add3A_633 = arith.addi %mul3A_631, %add3A_632 : i32
    %get3A_634 = arith.index_cast %add3A_633 : i32 to index
    %get3A_635 = memref.load %arg1[%get3A_634] : memref<1024xi32, #tpu.memory_space<smem>>
    %mul3A_636 = arith.constant 8 : i32
    %mul3A_637 = arith.muli %arg0, %mul3A_636 : i32
    %add3A_638 = arith.constant 1 : i32
    %add3A_639 = arith.addi %mul3A_637, %add3A_638 : i32
    %get3A_640 = arith.index_cast %add3A_639 : i32 to index
    %get3A_641 = memref.load %arg1[%get3A_640] : memref<1024xi32, #tpu.memory_space<smem>>
    %mul3A_642 = arith.constant 8 : i32
    %mul3A_643 = arith.muli %arg0, %mul3A_642 : i32
    %add3A_644 = arith.constant 2 : i32
    %add3A_645 = arith.addi %mul3A_643, %add3A_644 : i32
    %get3A_646 = arith.index_cast %add3A_645 : i32 to index
    %get3A_647 = memref.load %arg1[%get3A_646] : memref<1024xi32, #tpu.memory_space<smem>>
    %mul3A_648 = arith.constant 8 : i32
    %mul3A_649 = arith.muli %arg0, %mul3A_648 : i32
    %add3A_650 = arith.constant 3 : i32
    %add3A_651 = arith.addi %mul3A_649, %add3A_650 : i32
    %get3A_652 = arith.index_cast %add3A_651 : i32 to index
    %get3A_653 = memref.load %arg1[%get3A_652] : memref<1024xi32, #tpu.memory_space<smem>>
    %mul3A_654 = arith.constant 8 : i32
    %mul3A_655 = arith.muli %arg0, %mul3A_654 : i32
    %add3A_656 = arith.constant 4 : i32
    %add3A_657 = arith.addi %mul3A_655, %add3A_656 : i32
    %get3A_658 = arith.index_cast %add3A_657 : i32 to index
    %get3A_659 = memref.load %arg1[%get3A_658] : memref<1024xi32, #tpu.memory_space<smem>>
    %mul3A_660 = arith.constant 8 : i32
    %mul3A_661 = arith.muli %arg0, %mul3A_660 : i32
    %add3A_662 = arith.constant 5 : i32
    %add3A_663 = arith.addi %mul3A_661, %add3A_662 : i32
    %get3A_664 = arith.index_cast %add3A_663 : i32 to index
    %get3A_665 = memref.load %arg1[%get3A_664] : memref<1024xi32, #tpu.memory_space<smem>>
    %mul3A_666 = arith.constant 8 : i32
    %mul3A_667 = arith.muli %arg0, %mul3A_666 : i32
    %add3A_668 = arith.constant 6 : i32
    %add3A_669 = arith.addi %mul3A_667, %add3A_668 : i32
    %get3A_670 = arith.index_cast %add3A_669 : i32 to index
    %get3A_671 = memref.load %arg1[%get3A_670] : memref<1024xi32, #tpu.memory_space<smem>>
    %mul3A_672 = arith.constant 8 : i32
    %mul3A_673 = arith.muli %arg0, %mul3A_672 : i32
    %add3A_674 = arith.constant 7 : i32
    %add3A_675 = arith.addi %mul3A_673, %add3A_674 : i32
    %get3A_676 = arith.index_cast %add3A_675 : i32 to index
    %get3A_677 = memref.load %arg1[%get3A_676] : memref<1024xi32, #tpu.memory_space<smem>>
    %dma_start3A = arith.constant 0 : i32
    %dma_start3A_678 = arith.constant 0 : i32
    %dma_start3A_679 = arith.constant 0 : i32
    %dma_start3A_680 = tpu.memref_slice %arg16[%get3A_635, %dma_start3A_678, %dma_start3A_679] : memref<8192x64x96xf32, #tpu.memory_space<any>> -> memref<1x64x96xf32, #tpu.memory_space<any>>
    %dma_start3A_681 = tpu.memref_squeeze %dma_start3A_680 : memref<1x64x96xf32, #tpu.memory_space<any>> -> memref<64x96xf32, #tpu.memory_space<any>>
    %dma_start3A_682 = arith.constant 0 : i32
    %dma_start3A_683 = arith.constant 0 : i32
    %dma_start3A_684 = tpu.memref_slice %arg17[%dma_start3A, %dma_start3A_682, %dma_start3A_683] : memref<8x64x96xf32, #tpu.memory_space<vmem>> -> memref<1x64x96xf32, #tpu.memory_space<vmem>>
    %dma_start3A_685 = tpu.memref_squeeze %dma_start3A_684 : memref<1x64x96xf32, #tpu.memory_space<vmem>> -> memref<64x96xf32, #tpu.memory_space<vmem>>
    tpu.enqueue_dma source(%dma_start3A_685 : memref<64x96xf32, #tpu.memory_space<vmem>>) target(%dma_start3A_681 : memref<64x96xf32, #tpu.memory_space<any>>) target_semaphore(%arg18 : memref<!tpu.dma_semaphore, #tpu.memory_space<semaphore_mem>>)
    %dma_start3A_686 = arith.constant 1 : i32
    %dma_start3A_687 = arith.constant 0 : i32
    %dma_start3A_688 = arith.constant 0 : i32
    %dma_start3A_689 = tpu.memref_slice %arg16[%get3A_641, %dma_start3A_687, %dma_start3A_688] : memref<8192x64x96xf32, #tpu.memory_space<any>> -> memref<1x64x96xf32, #tpu.memory_space<any>>
    %dma_start3A_690 = tpu.memref_squeeze %dma_start3A_689 : memref<1x64x96xf32, #tpu.memory_space<any>> -> memref<64x96xf32, #tpu.memory_space<any>>
    %dma_start3A_691 = arith.constant 0 : i32
    %dma_start3A_692 = arith.constant 0 : i32
    %dma_start3A_693 = tpu.memref_slice %arg17[%dma_start3A_686, %dma_start3A_691, %dma_start3A_692] : memref<8x64x96xf32, #tpu.memory_space<vmem>> -> memref<1x64x96xf32, #tpu.memory_space<vmem>>
    %dma_start3A_694 = tpu.memref_squeeze %dma_start3A_693 : memref<1x64x96xf32, #tpu.memory_space<vmem>> -> memref<64x96xf32, #tpu.memory_space<vmem>>
    tpu.enqueue_dma source(%dma_start3A_694 : memref<64x96xf32, #tpu.memory_space<vmem>>) target(%dma_start3A_690 : memref<64x96xf32, #tpu.memory_space<any>>) target_semaphore(%arg18 : memref<!tpu.dma_semaphore, #tpu.memory_space<semaphore_mem>>)
    %dma_start3A_695 = arith.constant 2 : i32
    %dma_start3A_696 = arith.constant 0 : i32
    %dma_start3A_697 = arith.constant 0 : i32
    %dma_start3A_698 = tpu.memref_slice %arg16[%get3A_647, %dma_start3A_696, %dma_start3A_697] : memref<8192x64x96xf32, #tpu.memory_space<any>> -> memref<1x64x96xf32, #tpu.memory_space<any>>
    %dma_start3A_699 = tpu.memref_squeeze %dma_start3A_698 : memref<1x64x96xf32, #tpu.memory_space<any>> -> memref<64x96xf32, #tpu.memory_space<any>>
    %dma_start3A_700 = arith.constant 0 : i32
    %dma_start3A_701 = arith.constant 0 : i32
    %dma_start3A_702 = tpu.memref_slice %arg17[%dma_start3A_695, %dma_start3A_700, %dma_start3A_701] : memref<8x64x96xf32, #tpu.memory_space<vmem>> -> memref<1x64x96xf32, #tpu.memory_space<vmem>>
    %dma_start3A_703 = tpu.memref_squeeze %dma_start3A_702 : memref<1x64x96xf32, #tpu.memory_space<vmem>> -> memref<64x96xf32, #tpu.memory_space<vmem>>
    tpu.enqueue_dma source(%dma_start3A_703 : memref<64x96xf32, #tpu.memory_space<vmem>>) target(%dma_start3A_699 : memref<64x96xf32, #tpu.memory_space<any>>) target_semaphore(%arg18 : memref<!tpu.dma_semaphore, #tpu.memory_space<semaphore_mem>>)
    %dma_start3A_704 = arith.constant 3 : i32
    %dma_start3A_705 = arith.constant 0 : i32
    %dma_start3A_706 = arith.constant 0 : i32
    %dma_start3A_707 = tpu.memref_slice %arg16[%get3A_653, %dma_start3A_705, %dma_start3A_706] : memref<8192x64x96xf32, #tpu.memory_space<any>> -> memref<1x64x96xf32, #tpu.memory_space<any>>
    %dma_start3A_708 = tpu.memref_squeeze %dma_start3A_707 : memref<1x64x96xf32, #tpu.memory_space<any>> -> memref<64x96xf32, #tpu.memory_space<any>>
    %dma_start3A_709 = arith.constant 0 : i32
    %dma_start3A_710 = arith.constant 0 : i32
    %dma_start3A_711 = tpu.memref_slice %arg17[%dma_start3A_704, %dma_start3A_709, %dma_start3A_710] : memref<8x64x96xf32, #tpu.memory_space<vmem>> -> memref<1x64x96xf32, #tpu.memory_space<vmem>>
    %dma_start3A_712 = tpu.memref_squeeze %dma_start3A_711 : memref<1x64x96xf32, #tpu.memory_space<vmem>> -> memref<64x96xf32, #tpu.memory_space<vmem>>
    tpu.enqueue_dma source(%dma_start3A_712 : memref<64x96xf32, #tpu.memory_space<vmem>>) target(%dma_start3A_708 : memref<64x96xf32, #tpu.memory_space<any>>) target_semaphore(%arg18 : memref<!tpu.dma_semaphore, #tpu.memory_space<semaphore_mem>>)
    %dma_start3A_713 = arith.constant 4 : i32
    %dma_start3A_714 = arith.constant 0 : i32
    %dma_start3A_715 = arith.constant 0 : i32
    %dma_start3A_716 = tpu.memref_slice %arg16[%get3A_659, %dma_start3A_714, %dma_start3A_715] : memref<8192x64x96xf32, #tpu.memory_space<any>> -> memref<1x64x96xf32, #tpu.memory_space<any>>
    %dma_start3A_717 = tpu.memref_squeeze %dma_start3A_716 : memref<1x64x96xf32, #tpu.memory_space<any>> -> memref<64x96xf32, #tpu.memory_space<any>>
    %dma_start3A_718 = arith.constant 0 : i32
    %dma_start3A_719 = arith.constant 0 : i32
    %dma_start3A_720 = tpu.memref_slice %arg17[%dma_start3A_713, %dma_start3A_718, %dma_start3A_719] : memref<8x64x96xf32, #tpu.memory_space<vmem>> -> memref<1x64x96xf32, #tpu.memory_space<vmem>>
    %dma_start3A_721 = tpu.memref_squeeze %dma_start3A_720 : memref<1x64x96xf32, #tpu.memory_space<vmem>> -> memref<64x96xf32, #tpu.memory_space<vmem>>
    tpu.enqueue_dma source(%dma_start3A_721 : memref<64x96xf32, #tpu.memory_space<vmem>>) target(%dma_start3A_717 : memref<64x96xf32, #tpu.memory_space<any>>) target_semaphore(%arg18 : memref<!tpu.dma_semaphore, #tpu.memory_space<semaphore_mem>>)
    %dma_start3A_722 = arith.constant 5 : i32
    %dma_start3A_723 = arith.constant 0 : i32
    %dma_start3A_724 = arith.constant 0 : i32
    %dma_start3A_725 = tpu.memref_slice %arg16[%get3A_665, %dma_start3A_723, %dma_start3A_724] : memref<8192x64x96xf32, #tpu.memory_space<any>> -> memref<1x64x96xf32, #tpu.memory_space<any>>
    %dma_start3A_726 = tpu.memref_squeeze %dma_start3A_725 : memref<1x64x96xf32, #tpu.memory_space<any>> -> memref<64x96xf32, #tpu.memory_space<any>>
    %dma_start3A_727 = arith.constant 0 : i32
    %dma_start3A_728 = arith.constant 0 : i32
    %dma_start3A_729 = tpu.memref_slice %arg17[%dma_start3A_722, %dma_start3A_727, %dma_start3A_728] : memref<8x64x96xf32, #tpu.memory_space<vmem>> -> memref<1x64x96xf32, #tpu.memory_space<vmem>>
    %dma_start3A_730 = tpu.memref_squeeze %dma_start3A_729 : memref<1x64x96xf32, #tpu.memory_space<vmem>> -> memref<64x96xf32, #tpu.memory_space<vmem>>
    tpu.enqueue_dma source(%dma_start3A_730 : memref<64x96xf32, #tpu.memory_space<vmem>>) target(%dma_start3A_726 : memref<64x96xf32, #tpu.memory_space<any>>) target_semaphore(%arg18 : memref<!tpu.dma_semaphore, #tpu.memory_space<semaphore_mem>>)
    %dma_start3A_731 = arith.constant 6 : i32
    %dma_start3A_732 = arith.constant 0 : i32
    %dma_start3A_733 = arith.constant 0 : i32
    %dma_start3A_734 = tpu.memref_slice %arg16[%get3A_671, %dma_start3A_732, %dma_start3A_733] : memref<8192x64x96xf32, #tpu.memory_space<any>> -> memref<1x64x96xf32, #tpu.memory_space<any>>
    %dma_start3A_735 = tpu.memref_squeeze %dma_start3A_734 : memref<1x64x96xf32, #tpu.memory_space<any>> -> memref<64x96xf32, #tpu.memory_space<any>>
    %dma_start3A_736 = arith.constant 0 : i32
    %dma_start3A_737 = arith.constant 0 : i32
    %dma_start3A_738 = tpu.memref_slice %arg17[%dma_start3A_731, %dma_start3A_736, %dma_start3A_737] : memref<8x64x96xf32, #tpu.memory_space<vmem>> -> memref<1x64x96xf32, #tpu.memory_space<vmem>>
    %dma_start3A_739 = tpu.memref_squeeze %dma_start3A_738 : memref<1x64x96xf32, #tpu.memory_space<vmem>> -> memref<64x96xf32, #tpu.memory_space<vmem>>
    tpu.enqueue_dma source(%dma_start3A_739 : memref<64x96xf32, #tpu.memory_space<vmem>>) target(%dma_start3A_735 : memref<64x96xf32, #tpu.memory_space<any>>) target_semaphore(%arg18 : memref<!tpu.dma_semaphore, #tpu.memory_space<semaphore_mem>>)
    %dma_start3A_740 = arith.constant 7 : i32
    %dma_start3A_741 = arith.constant 0 : i32
    %dma_start3A_742 = arith.constant 0 : i32
    %dma_start3A_743 = tpu.memref_slice %arg16[%get3A_677, %dma_start3A_741, %dma_start3A_742] : memref<8192x64x96xf32, #tpu.memory_space<any>> -> memref<1x64x96xf32, #tpu.memory_space<any>>
    %dma_start3A_744 = tpu.memref_squeeze %dma_start3A_743 : memref<1x64x96xf32, #tpu.memory_space<any>> -> memref<64x96xf32, #tpu.memory_space<any>>
    %dma_start3A_745 = arith.constant 0 : i32
    %dma_start3A_746 = arith.constant 0 : i32
    %dma_start3A_747 = tpu.memref_slice %arg17[%dma_start3A_740, %dma_start3A_745, %dma_start3A_746] : memref<8x64x96xf32, #tpu.memory_space<vmem>> -> memref<1x64x96xf32, #tpu.memory_space<vmem>>
    %dma_start3A_748 = tpu.memref_squeeze %dma_start3A_747 : memref<1x64x96xf32, #tpu.memory_space<vmem>> -> memref<64x96xf32, #tpu.memory_space<vmem>>
    tpu.enqueue_dma source(%dma_start3A_748 : memref<64x96xf32, #tpu.memory_space<vmem>>) target(%dma_start3A_744 : memref<64x96xf32, #tpu.memory_space<any>>) target_semaphore(%arg18 : memref<!tpu.dma_semaphore, #tpu.memory_space<semaphore_mem>>)
    %dma_wait3A = arith.constant 0 : i32
    %dma_wait3A_749 = arith.constant 0 : i32
    %dma_wait3A_750 = arith.constant 0 : i32
    %dma_wait3A_751 = tpu.memref_slice %arg16[%get3A_635, %dma_wait3A_749, %dma_wait3A_750] : memref<8192x64x96xf32, #tpu.memory_space<any>> -> memref<1x64x96xf32, #tpu.memory_space<any>>
    %dma_wait3A_752 = tpu.memref_squeeze %dma_wait3A_751 : memref<1x64x96xf32, #tpu.memory_space<any>> -> memref<64x96xf32, #tpu.memory_space<any>>
    %dma_wait3A_753 = arith.constant 0 : i32
    %dma_wait3A_754 = arith.constant 0 : i32
    %dma_wait3A_755 = tpu.memref_slice %arg17[%dma_wait3A, %dma_wait3A_753, %dma_wait3A_754] : memref<8x64x96xf32, #tpu.memory_space<vmem>> -> memref<1x64x96xf32, #tpu.memory_space<vmem>>
    %dma_wait3A_756 = tpu.memref_squeeze %dma_wait3A_755 : memref<1x64x96xf32, #tpu.memory_space<vmem>> -> memref<64x96xf32, #tpu.memory_space<vmem>>
    tpu.wait_dma2 semaphore(%arg18 : memref<!tpu.dma_semaphore, #tpu.memory_space<semaphore_mem>>) src(%dma_wait3A_756 : memref<64x96xf32, #tpu.memory_space<vmem>>) dst(%dma_wait3A_752 : memref<64x96xf32, #tpu.memory_space<any>>)
    %dma_wait3A_757 = arith.constant 1 : i32
    %dma_wait3A_758 = arith.constant 0 : i32
    %dma_wait3A_759 = arith.constant 0 : i32
    %dma_wait3A_760 = tpu.memref_slice %arg16[%get3A_641, %dma_wait3A_758, %dma_wait3A_759] : memref<8192x64x96xf32, #tpu.memory_space<any>> -> memref<1x64x96xf32, #tpu.memory_space<any>>
    %dma_wait3A_761 = tpu.memref_squeeze %dma_wait3A_760 : memref<1x64x96xf32, #tpu.memory_space<any>> -> memref<64x96xf32, #tpu.memory_space<any>>
    %dma_wait3A_762 = arith.constant 0 : i32
    %dma_wait3A_763 = arith.constant 0 : i32
    %dma_wait3A_764 = tpu.memref_slice %arg17[%dma_wait3A_757, %dma_wait3A_762, %dma_wait3A_763] : memref<8x64x96xf32, #tpu.memory_space<vmem>> -> memref<1x64x96xf32, #tpu.memory_space<vmem>>
    %dma_wait3A_765 = tpu.memref_squeeze %dma_wait3A_764 : memref<1x64x96xf32, #tpu.memory_space<vmem>> -> memref<64x96xf32, #tpu.memory_space<vmem>>
    tpu.wait_dma2 semaphore(%arg18 : memref<!tpu.dma_semaphore, #tpu.memory_space<semaphore_mem>>) src(%dma_wait3A_765 : memref<64x96xf32, #tpu.memory_space<vmem>>) dst(%dma_wait3A_761 : memref<64x96xf32, #tpu.memory_space<any>>)
    %dma_wait3A_766 = arith.constant 2 : i32
    %dma_wait3A_767 = arith.constant 0 : i32
    %dma_wait3A_768 = arith.constant 0 : i32
    %dma_wait3A_769 = tpu.memref_slice %arg16[%get3A_647, %dma_wait3A_767, %dma_wait3A_768] : memref<8192x64x96xf32, #tpu.memory_space<any>> -> memref<1x64x96xf32, #tpu.memory_space<any>>
    %dma_wait3A_770 = tpu.memref_squeeze %dma_wait3A_769 : memref<1x64x96xf32, #tpu.memory_space<any>> -> memref<64x96xf32, #tpu.memory_space<any>>
    %dma_wait3A_771 = arith.constant 0 : i32
    %dma_wait3A_772 = arith.constant 0 : i32
    %dma_wait3A_773 = tpu.memref_slice %arg17[%dma_wait3A_766, %dma_wait3A_771, %dma_wait3A_772] : memref<8x64x96xf32, #tpu.memory_space<vmem>> -> memref<1x64x96xf32, #tpu.memory_space<vmem>>
    %dma_wait3A_774 = tpu.memref_squeeze %dma_wait3A_773 : memref<1x64x96xf32, #tpu.memory_space<vmem>> -> memref<64x96xf32, #tpu.memory_space<vmem>>
    tpu.wait_dma2 semaphore(%arg18 : memref<!tpu.dma_semaphore, #tpu.memory_space<semaphore_mem>>) src(%dma_wait3A_774 : memref<64x96xf32, #tpu.memory_space<vmem>>) dst(%dma_wait3A_770 : memref<64x96xf32, #tpu.memory_space<any>>)
    %dma_wait3A_775 = arith.constant 3 : i32
    %dma_wait3A_776 = arith.constant 0 : i32
    %dma_wait3A_777 = arith.constant 0 : i32
    %dma_wait3A_778 = tpu.memref_slice %arg16[%get3A_653, %dma_wait3A_776, %dma_wait3A_777] : memref<8192x64x96xf32, #tpu.memory_space<any>> -> memref<1x64x96xf32, #tpu.memory_space<any>>
    %dma_wait3A_779 = tpu.memref_squeeze %dma_wait3A_778 : memref<1x64x96xf32, #tpu.memory_space<any>> -> memref<64x96xf32, #tpu.memory_space<any>>
    %dma_wait3A_780 = arith.constant 0 : i32
    %dma_wait3A_781 = arith.constant 0 : i32
    %dma_wait3A_782 = tpu.memref_slice %arg17[%dma_wait3A_775, %dma_wait3A_780, %dma_wait3A_781] : memref<8x64x96xf32, #tpu.memory_space<vmem>> -> memref<1x64x96xf32, #tpu.memory_space<vmem>>
    %dma_wait3A_783 = tpu.memref_squeeze %dma_wait3A_782 : memref<1x64x96xf32, #tpu.memory_space<vmem>> -> memref<64x96xf32, #tpu.memory_space<vmem>>
    tpu.wait_dma2 semaphore(%arg18 : memref<!tpu.dma_semaphore, #tpu.memory_space<semaphore_mem>>) src(%dma_wait3A_783 : memref<64x96xf32, #tpu.memory_space<vmem>>) dst(%dma_wait3A_779 : memref<64x96xf32, #tpu.memory_space<any>>)
    %dma_wait3A_784 = arith.constant 4 : i32
    %dma_wait3A_785 = arith.constant 0 : i32
    %dma_wait3A_786 = arith.constant 0 : i32
    %dma_wait3A_787 = tpu.memref_slice %arg16[%get3A_659, %dma_wait3A_785, %dma_wait3A_786] : memref<8192x64x96xf32, #tpu.memory_space<any>> -> memref<1x64x96xf32, #tpu.memory_space<any>>
    %dma_wait3A_788 = tpu.memref_squeeze %dma_wait3A_787 : memref<1x64x96xf32, #tpu.memory_space<any>> -> memref<64x96xf32, #tpu.memory_space<any>>
    %dma_wait3A_789 = arith.constant 0 : i32
    %dma_wait3A_790 = arith.constant 0 : i32
    %dma_wait3A_791 = tpu.memref_slice %arg17[%dma_wait3A_784, %dma_wait3A_789, %dma_wait3A_790] : memref<8x64x96xf32, #tpu.memory_space<vmem>> -> memref<1x64x96xf32, #tpu.memory_space<vmem>>
    %dma_wait3A_792 = tpu.memref_squeeze %dma_wait3A_791 : memref<1x64x96xf32, #tpu.memory_space<vmem>> -> memref<64x96xf32, #tpu.memory_space<vmem>>
    tpu.wait_dma2 semaphore(%arg18 : memref<!tpu.dma_semaphore, #tpu.memory_space<semaphore_mem>>) src(%dma_wait3A_792 : memref<64x96xf32, #tpu.memory_space<vmem>>) dst(%dma_wait3A_788 : memref<64x96xf32, #tpu.memory_space<any>>)
    %dma_wait3A_793 = arith.constant 5 : i32
    %dma_wait3A_794 = arith.constant 0 : i32
    %dma_wait3A_795 = arith.constant 0 : i32
    %dma_wait3A_796 = tpu.memref_slice %arg16[%get3A_665, %dma_wait3A_794, %dma_wait3A_795] : memref<8192x64x96xf32, #tpu.memory_space<any>> -> memref<1x64x96xf32, #tpu.memory_space<any>>
    %dma_wait3A_797 = tpu.memref_squeeze %dma_wait3A_796 : memref<1x64x96xf32, #tpu.memory_space<any>> -> memref<64x96xf32, #tpu.memory_space<any>>
    %dma_wait3A_798 = arith.constant 0 : i32
    %dma_wait3A_799 = arith.constant 0 : i32
    %dma_wait3A_800 = tpu.memref_slice %arg17[%dma_wait3A_793, %dma_wait3A_798, %dma_wait3A_799] : memref<8x64x96xf32, #tpu.memory_space<vmem>> -> memref<1x64x96xf32, #tpu.memory_space<vmem>>
    %dma_wait3A_801 = tpu.memref_squeeze %dma_wait3A_800 : memref<1x64x96xf32, #tpu.memory_space<vmem>> -> memref<64x96xf32, #tpu.memory_space<vmem>>
    tpu.wait_dma2 semaphore(%arg18 : memref<!tpu.dma_semaphore, #tpu.memory_space<semaphore_mem>>) src(%dma_wait3A_801 : memref<64x96xf32, #tpu.memory_space<vmem>>) dst(%dma_wait3A_797 : memref<64x96xf32, #tpu.memory_space<any>>)
    %dma_wait3A_802 = arith.constant 6 : i32
    %dma_wait3A_803 = arith.constant 0 : i32
    %dma_wait3A_804 = arith.constant 0 : i32
    %dma_wait3A_805 = tpu.memref_slice %arg16[%get3A_671, %dma_wait3A_803, %dma_wait3A_804] : memref<8192x64x96xf32, #tpu.memory_space<any>> -> memref<1x64x96xf32, #tpu.memory_space<any>>
    %dma_wait3A_806 = tpu.memref_squeeze %dma_wait3A_805 : memref<1x64x96xf32, #tpu.memory_space<any>> -> memref<64x96xf32, #tpu.memory_space<any>>
    %dma_wait3A_807 = arith.constant 0 : i32
    %dma_wait3A_808 = arith.constant 0 : i32
    %dma_wait3A_809 = tpu.memref_slice %arg17[%dma_wait3A_802, %dma_wait3A_807, %dma_wait3A_808] : memref<8x64x96xf32, #tpu.memory_space<vmem>> -> memref<1x64x96xf32, #tpu.memory_space<vmem>>
    %dma_wait3A_810 = tpu.memref_squeeze %dma_wait3A_809 : memref<1x64x96xf32, #tpu.memory_space<vmem>> -> memref<64x96xf32, #tpu.memory_space<vmem>>
    tpu.wait_dma2 semaphore(%arg18 : memref<!tpu.dma_semaphore, #tpu.memory_space<semaphore_mem>>) src(%dma_wait3A_810 : memref<64x96xf32, #tpu.memory_space<vmem>>) dst(%dma_wait3A_806 : memref<64x96xf32, #tpu.memory_space<any>>)
    %dma_wait3A_811 = arith.constant 7 : i32
    %dma_wait3A_812 = arith.constant 0 : i32
    %dma_wait3A_813 = arith.constant 0 : i32
    %dma_wait3A_814 = tpu.memref_slice %arg16[%get3A_677, %dma_wait3A_812, %dma_wait3A_813] : memref<8192x64x96xf32, #tpu.memory_space<any>> -> memref<1x64x96xf32, #tpu.memory_space<any>>
    %dma_wait3A_815 = tpu.memref_squeeze %dma_wait3A_814 : memref<1x64x96xf32, #tpu.memory_space<any>> -> memref<64x96xf32, #tpu.memory_space<any>>
    %dma_wait3A_816 = arith.constant 0 : i32
    %dma_wait3A_817 = arith.constant 0 : i32
    %dma_wait3A_818 = tpu.memref_slice %arg17[%dma_wait3A_811, %dma_wait3A_816, %dma_wait3A_817] : memref<8x64x96xf32, #tpu.memory_space<vmem>> -> memref<1x64x96xf32, #tpu.memory_space<vmem>>
    %dma_wait3A_819 = tpu.memref_squeeze %dma_wait3A_818 : memref<1x64x96xf32, #tpu.memory_space<vmem>> -> memref<64x96xf32, #tpu.memory_space<vmem>>
    tpu.wait_dma2 semaphore(%arg18 : memref<!tpu.dma_semaphore, #tpu.memory_space<semaphore_mem>>) src(%dma_wait3A_819 : memref<64x96xf32, #tpu.memory_space<vmem>>) dst(%dma_wait3A_815 : memref<64x96xf32, #tpu.memory_space<any>>)
    return
  }
  func.func @transform_0(%arg0: i32, %arg1: memref<1024xi32, #tpu.memory_space<smem>>) -> (i32, i32, i32) {
    %c0_i32 = arith.constant 0 : i32
    %c0_i32_0 = arith.constant 0 : i32
    %c0_i32_1 = arith.constant 0 : i32
    return %arg0, %c0_i32, %c0_i32_0 : i32, i32, i32
  }
  func.func @transform_2(%arg0: i32, %arg1: memref<1024xi32, #tpu.memory_space<smem>>) -> (i32, i32) {
    %c0_i32 = arith.constant 0 : i32
    %c0_i32_0 = arith.constant 0 : i32
    %c0_i32_1 = arith.constant 0 : i32
    return %c0_i32, %c0_i32_0 : i32, i32
  }
  func.func @transform_3(%arg0: i32, %arg1: memref<1024xi32, #tpu.memory_space<smem>>) -> (i32, i32) {
    %c0_i32 = arith.constant 0 : i32
    %c0_i32_0 = arith.constant 0 : i32
    %c0_i32_1 = arith.constant 0 : i32
    return %c0_i32, %c0_i32_0 : i32, i32
  }
  func.func @transform_4(%arg0: i32, %arg1: memref<1024xi32, #tpu.memory_space<smem>>) -> (i32, i32) {
    %c0_i32 = arith.constant 0 : i32
    %c0_i32_0 = arith.constant 0 : i32
    %c0_i32_1 = arith.constant 0 : i32
    return %c0_i32, %c0_i32_0 : i32, i32
  }
  func.func @transform_5(%arg0: i32, %arg1: memref<1024xi32, #tpu.memory_space<smem>>) -> (i32, i32) {
    %c0_i32 = arith.constant 0 : i32
    %c0_i32_0 = arith.constant 0 : i32
    %c0_i32_1 = arith.constant 0 : i32
    return %c0_i32, %c0_i32_0 : i32, i32
  }
  func.func @transform_6(%arg0: i32, %arg1: memref<1024xi32, #tpu.memory_space<smem>>) -> (i32, i32) {
    %c0_i32 = arith.constant 0 : i32
    %c0_i32_0 = arith.constant 0 : i32
    %c0_i32_1 = arith.constant 0 : i32
    return %c0_i32, %c0_i32_0 : i32, i32
  }
  func.func @transform_7(%arg0: i32, %arg1: memref<1024xi32, #tpu.memory_space<smem>>) -> (i32, i32) {
    %c0_i32 = arith.constant 0 : i32
    %c0_i32_0 = arith.constant 0 : i32
    %c0_i32_1 = arith.constant 0 : i32
    return %c0_i32, %c0_i32_0 : i32, i32
  }
  func.func @transform_8(%arg0: i32, %arg1: memref<1024xi32, #tpu.memory_space<smem>>) -> (i32, i32) {
    %c0_i32 = arith.constant 0 : i32
    %c0_i32_0 = arith.constant 0 : i32
    %c0_i32_1 = arith.constant 0 : i32
    return %c0_i32, %c0_i32_0 : i32, i32
  }
  func.func @transform_9(%arg0: i32, %arg1: memref<1024xi32, #tpu.memory_space<smem>>) -> (i32, i32) {
    %c0_i32 = arith.constant 0 : i32
    %c0_i32_0 = arith.constant 0 : i32
    %c0_i32_1 = arith.constant 0 : i32
    return %c0_i32, %c0_i32_0 : i32, i32
  }
  func.func @transform_10(%arg0: i32, %arg1: memref<1024xi32, #tpu.memory_space<smem>>) -> (i32, i32) {
    %c0_i32 = arith.constant 0 : i32
    %c0_i32_0 = arith.constant 0 : i32
    %c0_i32_1 = arith.constant 0 : i32
    return %c0_i32, %c0_i32_0 : i32, i32
  }
  func.func @transform_11(%arg0: i32, %arg1: memref<1024xi32, #tpu.memory_space<smem>>) -> (i32, i32) {
    %c0_i32 = arith.constant 0 : i32
    %c0_i32_0 = arith.constant 0 : i32
    %c0_i32_1 = arith.constant 0 : i32
    return %c0_i32, %c0_i32_0 : i32, i32
  }
  func.func @transform_12(%arg0: i32, %arg1: memref<1024xi32, #tpu.memory_space<smem>>) -> (i32, i32) {
    %c0_i32 = arith.constant 0 : i32
    %c0_i32_0 = arith.constant 0 : i32
    %c0_i32_1 = arith.constant 0 : i32
    return %c0_i32, %c0_i32_0 : i32, i32
  }
  func.func @transform_13(%arg0: i32, %arg1: memref<1024xi32, #tpu.memory_space<smem>>) -> (i32, i32) {
    %c0_i32 = arith.constant 0 : i32
    %c0_i32_0 = arith.constant 0 : i32
    %c0_i32_1 = arith.constant 0 : i32
    return %c0_i32, %c0_i32_0 : i32, i32
  }
}

</mosaic_0001>

<sc_bundles>
// kernel: kernel.5.cloned.1.call-start
scs
__scs_entry_jumppad:
0x0: {  	(pc) =	sbr.rel $0x88, $3  }
0x1: {  	(tag) =	ssettag $0x0;
	lr =	simm.s32 $0x1  }
0x2: {  	[smem:$0x3F93] =	sst lr;
	_ =	strace $0xD0000000  }
0x3: {  	_ = 	snop  }
0x4: {  	_ = 	snop  }
0x5: {  	_ = 	snop  }
0x6: {  	_ = 	snop  }
0x7: {  	_ = 	snop  }
__scs_overlays_trampoline_lowered:
0x8: {  	[smem:$0x3FA2] =	sst s0  }
0x9: {  	[smem:$0x3FA3] =	sst s1  }
0xa: {  	[smem:$0x3FA4] =	sst s2  }
0xb: {  	[smem:$0x3FA5] =	sst s3  }
0xc: {  	[smem:$0x3FA6] =	sst s4  }
0xd: {  	[smem:$0x3FA7] =	sst s5  }
0xe: {  	[smem:$0x3FA8] =	sst s6  }
0xf: {  	[smem:$0x3FA9] =	sst s7  }
0x10: {  	[smem:$0x3FAA] =	sst s8  }
0x11: {  	[smem:$0x3FAB] =	sst s9;
	s0 =	simm.s32 @!p0 $0x0  }
0x12: {  	s1 =	sld [smem:$0x3F91];
	s0 =	simm.s32 @p0 $0x1  }
0x13: {  	[smem:$0x3FAC] =	sst s0;
	s0 =	simm.s32 @!p1 $0x0  }
0x14: {  	s2 =	sld [smem:$0x3F90];
	s0 =	simm.s32 @p1 $0x1  }
0x15: {  	[smem:$0x3FAD] =	sst s0;
	s0 =	simm.s32 @!p2 $0x0  }
0x16: {  	s3 =	sld [smem:$0x3FDB];
	s0 =	simm.s32 @p2 $0x1  }
0x17: {  	s4 =	simm.s32 $0x1BF5;
	[smem:$0x3FAF] =	sst s0  }
0x18: {  	s0 =	sld [smem:$0x3F92];
	_ =	swait.ge [sflag:s4], $0x0  }
0x19: {  	s7 =	sld [smem:$0x3F93]  }
0x1a: {  	s8 =	sadd.s32 $0xFFFFE003, lr  }
0x1b: {  	s9 =	sadd.s32 $0xFFFFFEF7, lr;
	s5 =	simm.s32 $0xFFFFFFFF;
	p2 =	slt.u32 s8, $0xFFFFF086  }
0x1c: {  	p1 =	slt.u32 s9, $0xF7A;
	s5 =	simm.s32 @!p2 $0x0  }
0x1d: {  	s5 =	simm.s32 @p1 $0x1;
	p0 =	seq.s32 s7, s2  }
0x1e: {  	s7 =	smul.u32 @!p0 $0xF7A, s2;
	p2 =	seq.s32 @!p0 s5, $0x0  }
0x1f: {  	s9 =	smul.u32 $0xF7A, s1;
	s8 =	simm.s32 @!p0 $0x1BF5;
	p2 =	por !p2, p0  }
0x20: {  	[sflag:s8] =	ssyncset.s32 @!p0 $0xFFFFF086;
	s6 =	sadd.s32 @!p0 s3, s7;
	s7 =	simm.s32 @!p0 $0x108  }
0x21: {  	s3 =	sadd.s32 s3, s9;
	s6 =	sadd.s32 @!p0 $0x88, s6;
	s7 =	simm.s32 @p2 $0x1082  }
0x22: {  	[simem:s7], [sflag:s8] =	dma.local @!p0 [hbm:s6], $0xF7A  }
0x23: {  	s9 =	sor.u32 $0xD0000000, s2;
	s6 =	simm.s32 $0x108;
	_ =	swait.ge @!p0 [sflag:s8], $0x0  }
0x24: {  	s3 =	sadd.s32 $0x88, s3;
	s6 =	simm.s32 @!p1 $0x1082;
	[sflag:s4] =	ssyncset.s32 $0xFFFFF086  }
0x25: {  	[simem:s6], [sflag:s4] =	dma.local [hbm:s3], $0xF7A  }
0x26: {  	[smem:$0x3F93] =	sst s1;
	(tag) =	ssettag s2;
	_ =	strace s9  }
0x27: {  	s1 =	sld [smem:$0x3FA3]  }
0x28: {  	s2 =	sld [smem:$0x3FA4]  }
0x29: {  	s4 =	sld [smem:$0x3FA6]  }
0x2a: {  	p0 =	seq.s32 s5, $0x0;
	s5 =	sld [smem:$0x3FA7]  }
0x2b: {  	s6 =	sld [smem:$0x3FA8]  }
0x2c: {  	s7 =	sld [smem:$0x3FA9]  }
0x2d: {  	s3 =	simm.s32 $0x108;
	s8 =	sld [smem:$0x3FAA]  }
0x2e: {  	s3 =	simm.s32 @!p0 $0x1082;
	s9 =	sld [smem:$0x3FAB]  }
0x2f: {  	lr =	sadd.s32 s0, s3;
	s0 =	sld [smem:$0x3FA2]  }
0x30: {  	s3 =	sld [smem:$0x3FA5]  }
0x31: {  	[smem:$0x3FAE] =	sst s10  }
0x32: {  	s10 =	sld [smem:$0x3FAC];
	_ =	sdelay $0x3  }
0x33: {  	p0 =	seq.s32 s10, $0x1;
	s10 =	sld [smem:$0x3FAE];
	_ =	sdelay $0x3  }
0x34: {  	[smem:$0x3FAE] =	sst s10  }
0x35: {  	s10 =	sld [smem:$0x3FAD];
	_ =	sdelay $0x3  }
0x36: {  	p1 =	seq.s32 s10, $0x1;
	s10 =	sld [smem:$0x3FAE];
	_ =	sdelay $0x3  }
0x37: {  	[smem:$0x3FAE] =	sst s10  }
0x38: {  	s10 =	sld [smem:$0x3FAF]  }
0x39: {  	_ = 	snop;
	(pc) =	sbr.ind lr, $3  }
0x3a: {  	_ = 	snop  }
0x3b: {  	_ = 	snop  }
0x3c: {  	p2 =	seq.s32 s10, $0x1;
	s10 =	sld [smem:$0x3FAE]  }
0x3d: {  	_ =	shalt  }
0x3e: {  	_ =	shalt  }
0x3f: {  	_ =	shalt  }
0x40: {  	_ =	shalt  }
0x41: {  	_ =	shalt  }
0x42: {  	_ =	shalt  }
0x43: {  	_ =	shalt  }
0x44: {  	_ =	shalt  }
0x45: {  	_ =	shalt  }
0x46: {  	_ =	shalt  }
0x47: {  	_ =	shalt  }
0x48: {  	_ =	shalt  }
0x49: {  	_ =	shalt  }
0x4a: {  	_ =	shalt  }
0x4b: {  	_ =	shalt  }
0x4c: {  	_ =	shalt  }
0x4d: {  	_ =	shalt  }
0x4e: {  	_ =	shalt  }
0x4f: {  	_ =	shalt  }
0x50: {  	_ =	shalt  }
0x51: {  	_ =	shalt  }
0x52: {  	_ =	shalt  }
0x53: {  	_ =	shalt  }
0x54: {  	_ =	shalt  }
0x55: {  	_ =	shalt  }
0x56: {  	_ =	shalt  }
0x57: {  	_ =	shalt  }
0x58: {  	_ =	shalt  }
0x59: {  	_ =	shalt  }
0x5a: {  	_ =	shalt  }
0x5b: {  	_ =	shalt  }
0x5c: {  	_ =	shalt  }
0x5d: {  	_ =	shalt  }
0x5e: {  	_ =	shalt  }
0x5f: {  	_ =	shalt  }
0x60: {  	_ =	shalt  }
0x61: {  	_ =	shalt  }
0x62: {  	_ =	shalt  }
0x63: {  	_ =	shalt  }
0x64: {  	_ =	shalt  }
0x65: {  	_ =	shalt  }
0x66: {  	_ =	shalt  }
0x67: {  	_ =	shalt  }
0x68: {  	_ =	shalt  }
0x69: {  	_ =	shalt  }
0x6a: {  	_ =	shalt  }
0x6b: {  	_ =	shalt  }
0x6c: {  	_ =	shalt  }
0x6d: {  	_ =	shalt  }
0x6e: {  	_ =	shalt  }
0x6f: {  	_ =	shalt  }
0x70: {  	_ =	shalt  }
0x71: {  	_ =	shalt  }
0x72: {  	_ =	shalt  }
0x73: {  	_ =	shalt  }
0x74: {  	_ =	shalt  }
0x75: {  	_ =	shalt  }
0x76: {  	_ =	shalt  }
0x77: {  	_ =	shalt  }
0x78: {  	_ =	shalt  }
0x79: {  	_ =	shalt  }
0x7a: {  	_ =	shalt  }
0x7b: {  	_ =	shalt  }
0x7c: {  	_ =	shalt  }
0x7d: {  	_ =	shalt  }
0x7e: {  	_ =	shalt  }
0x7f: {  	_ =	shalt  }
0x80: {  	_ =	shalt  }
0x81: {  	_ =	shalt  }
0x82: {  	_ =	shalt  }
0x83: {  	_ =	shalt  }
0x84: {  	_ =	shalt  }
0x85: {  	_ =	shalt  }
0x86: {  	_ =	shalt  }
0x87: {  	_ =	shalt  }
.Lfunc_end0:
.L_simem_size_0:
called_computation_lowered:
.L_overlay_start_0:
0x88: {  	s2 =	sld [smem:$0x3FD9]  }
0x89: {  	s3 =	sld [smem:$0x3FFE];
	_ =	sdelay $0x1  }
0x8a: {  	s1 =	srdreg.scid  }
0x8b: {  	s0 =	sand.u32 $0x1, s1  }
0x8c: {  	s17 =	sshll.u32 s0, $0xA;
	s2 =	sadd.s32 s3, s2  }
0x8d: {  	s2 =	sadd.s32 s2, s17  }
0x8e: {  	[smem:$0x3FBA] =	sst s2  }
0x8f: {  	_ = 	snop  }
0x90: {  	s2 =	sld [smem:$0x3FC8]  }
0x91: {  	s18 =	sld [smem:$0x3FD0];
	(tm) =	ssettm $0x1  }
0x92: {  	s4 =	sld [smem:$0x3FFB];
	_ =	sdelay $0x3  }
0x93: {  	_ =	strace s4  }
0x94: {  	s4 =	sld [smem:$0x3FFC];
	_ =	sdelay $0x3  }
0x95: {  	_ =	strace s4  }
0x96: {  	s4 =	sld [smem:$0x3FFD];
	_ =	sdelay $0x3  }
0x97: {  	_ =	strace s4  }
0x98: {  	_ =	strace $0x8FFFFFFF  }
0x99: {  	s19 =	sld [smem:$0x3FDB];
	_ =	sdelay $0x1  }
0x9a: {  	s5 =	simm.s32 $_scs_section_size  }
0x9b: {  	s6 =	simm.s32 $_size__tile_overlayer_lowered;
	s7 =	simm.s32 $_tile_overlayer_lowered  }
0x9c: {  	s22 =	simm.s32 $0x1BFF;
	s21 =	sshll.u32 s7, $0x1;
	s4 =	sadd.s32 s5, s19  }
0x9d: {  	s8 =	simm.s32 $0x0;
	s20 =	sshll.u32 s6, $0x1;
	s6 =	sadd.s32 s21, s4  }
0x9e: {  	[timem:s8], [sflag:s22] =	dma.local [hbm:s6], s20  }
0x9f: {  	_ =	swait.ge [sflag:s22], s20  }
0xa0: {  	s5 =	ssub.s32 $0x0, s20;
	[sflag:s22] =	ssyncset.done $0x0  }
0xa1: {  	[sflag:s22] =	ssyncadd.s32 s5;
	_ =	sdelay $0x1  }
0xa2: {  	s23 =	simm.s32 $0x1B8B  }
0xa3: {  	_ =	swait.ge [sflag:s23], $0x1  }
0xa4: {  	[sflag:s23] =	ssyncset.done $0x0  }
0xa5: {  	s25 =	simm.s32 $0x1B8E;
	s24 =	sld [smem:$0x3FFE];
	[sflag:s23] =	ssyncadd.s32 $0xFFFFFFFF  }
0xa6: {  	s26 =	simm.s32 $execute0_lowered;
	[smem:$0x3FD2] =	sst s25  }
0xa7: {  	s6 =	sshll.u32 s26, $0x1;
	_ =	strace $0x80000046;
	[dreg:$0x1] =	wrdreg $0xFFFFFFFF  }
0xa8: {  	s28 =	simm.s32 $_size_execute0_lowered;
	s4 =	sadd.s32 s4, s6;
	[dreg:$0x0] =	wrdreg $0x0  }
0xa9: {  	s6 =	sshll.u32 s28, $0x1;
	[dreg:$0x2] =	wrdreg s4  }
0xaa: {  	[dreg:$0x3] =	wrdreg s6  }
0xab: {  	[dreg:$0x4] =	wrdreg $0xC0  }
0xac: {  	_ =	task [dreg:s8], $0x5FFFF  }
0xad: {  	[dreg:$0x1] =	wrdreg $0xFFFFFFFF  }
0xae: {  	[dreg:$0x0] =	wrdreg $0x60  }
0xaf: {  	[dreg:$0x2] =	wrdreg s24  }
0xb0: {  	[dreg:$0x3] =	wrdreg s2  }
0xb1: {  	[dreg:$0x4] =	wrdreg s18  }
0xb2: {  	[dreg:$0x5] =	wrdreg $0x9  }
0xb3: {  	_ =	task.clear_ibuf [dreg:s8], $0x6FFFF;
	_ =	strace $0x90000046  }
0xb4: {  	s29 =	simm.s32 $0x9;
	_ =	strace $0x80000048  }
0xb5: {  	_ =	swait.ge [sflag:s29], $0x1  }
0xb6: {  	[sflag:s29] =	ssyncadd.s32 $0xFFFFFFFF  }
0xb7: {  	_ =	strace $0x90000048  }
0xb8: {  	_ =	sfence  }
0xb9: {  	s30 =	sld [smem:$0x0];
	_ =	sdelay $0x2  }
0xba: {  	s31 =	sshll.u32 s1, $0xD;
	s1 =	sshrl.u32 s1, $0x2  }
0xbb: {  	s3 =	sand.u32 $0x4000, s31;
	s1 =	sadd.s32 s1, s30  }
0xbc: {  	s0 =	sor.u32 s3, s0;
	s1 =	sshll.u32 s1, $0x11  }
0xbd: {  	s0 =	sor.u32 s1, s0  }
0xbe: {  	s0 =	sadd.s32 $0x8F2B, s0  }
0xbf: {  	[sflag:s0] =	ssyncadd.remote.s32 $0x1  }
0xc0: {  	_ =	sfence.sel $0xFFFF  }
0xc1: {  	[dreg:$0x0] =	wrdreg $0xFFFFFFFF;
	(pc) =	sbr.abs _section_cstart, $3  }
0xc2: {  	[dreg:$0x1] =	wrdreg $0xFFFFFFFF  }
0xc3: {  	_ =	task.clear_ibuf [dreg:s8], $0x2FFFF;
	_ =	strace $0x9FFFFFFF  }
0xc4: {  	(tm) =	ssettm $0x7FFFFFFF  }
0xc5: {  	_ =	shalt  }
tec
execute0_lowered:
.L_overlay_start_1:
0x0: {  	(tag) =	ssettag $0x1  }
0x1: {  	s1 =	srdreg.scid  }
0x2: {  	s2 =	rddreg [dreg:$0x0];
	s0 =	stileid.u32;
	s3 =	sand.u32 $0x1, s1  }
0x3: {  	s5 =	rddreg [dreg:$0x1];
	s4 =	sshll.u32 s0, $0x6;
	s8 =	sshll.u32 s3, $0x5  }
0x4: {  	s7 =	rddreg [dreg:$0x2];
	s6 =	simm.s32 $0x0;
	s8 =	sor.u32 s8, s4  }
0x5: {  	s1 =	rddreg [dreg:$0x3];
	s9 =	sshrl.u32 s8, $0x3;
	s8 =	sshll.u32 s8, $0xA  }
0x6: {  	[smem:$0x7FF] =	sst s6;
	s9 =	sadd.s32 s5, s9;
	s5 =	sadd.s32 s7, s8  }
0x7: {  	_ =	strace $0x80000047;
	[dreg:$0x4] =	wrdreg s9;
	s7 =	sadd.s32 $0x400, s5  }
0x8: {  	s23 =	sadd.s32 $0x800, s5;
	[dreg:$0x5] =	wrdreg s7  }
0x9: {  	s24 =	sadd.s32 $0xC00, s5;
	[dreg:$0x6] =	wrdreg s23  }
0xa: {  	s25 =	sadd.s32 $0x1000, s5;
	[dreg:$0x7] =	wrdreg s24  }
0xb: {  	s26 =	sadd.s32 $0x1400, s5;
	[dreg:$0x8] =	wrdreg s25  }
0xc: {  	s28 =	sadd.s32 $0x1800, s5;
	[dreg:$0x9] =	wrdreg s26  }
0xd: {  	s29 =	sadd.s32 $0x1C00, s5;
	[dreg:$0xa] =	wrdreg s28  }
0xe: {  	s30 =	sadd.s32 $0x2000, s5;
	[dreg:$0xb] =	wrdreg s29  }
0xf: {  	s31 =	sadd.s32 $0x2400, s5;
	[dreg:$0xc] =	wrdreg s30  }
0x10: {  	s8 =	sadd.s32 $0x2800, s5;
	[dreg:$0xd] =	wrdreg s31  }
0x11: {  	s9 =	sadd.s32 $0x2C00, s5;
	[dreg:$0xe] =	wrdreg s8  }
0x12: {  	s10 =	sadd.s32 $0x3000, s5;
	[dreg:$0xf] =	wrdreg s9  }
0x13: {  	s11 =	sadd.s32 $0x3400, s5;
	[dreg:$0x10] =	wrdreg s10  }
0x14: {  	s12 =	sadd.s32 $0x3800, s5;
	[dreg:$0x11] =	wrdreg s11  }
0x15: {  	s13 =	sadd.s32 $0x3C00, s5;
	[dreg:$0x12] =	wrdreg s12  }
0x16: {  	s14 =	sadd.s32 $0x4000, s5;
	[dreg:$0x13] =	wrdreg s13  }
0x17: {  	s15 =	sadd.s32 $0x4400, s5;
	[dreg:$0x14] =	wrdreg s14  }
0x18: {  	s16 =	sadd.s32 $0x4800, s5;
	[dreg:$0x15] =	wrdreg s15  }
0x19: {  	s17 =	sadd.s32 $0x4C00, s5;
	[dreg:$0x16] =	wrdreg s16  }
0x1a: {  	s18 =	sadd.s32 $0x5000, s5;
	[dreg:$0x17] =	wrdreg s17  }
0x1b: {  	s19 =	sadd.s32 $0x5400, s5;
	[dreg:$0x18] =	wrdreg s18  }
0x1c: {  	s20 =	sadd.s32 $0x5800, s5;
	[dreg:$0x19] =	wrdreg s19  }
0x1d: {  	s21 =	sadd.s32 $0x5C00, s5;
	[dreg:$0x1a] =	wrdreg s20  }
0x1e: {  	s3 =	ssub.s32 $0x2, s3;
	s22 =	sadd.s32 $0x6000, s5;
	[dreg:$0x1b] =	wrdreg s21  }
0x1f: {  	[dreg:$0x1c] =	wrdreg s22;
	s29 =	sshrl.u32 s3, $0x1  }
0x20: {  	s23 =	sadd.s32 $0x6400, s5;
	s10 =	rddreg [dreg:$0x4];
	s8 =	ssub.s32 s3, s29  }
0x21: {  	s24 =	sadd.s32 $0x6800, s5;
	[dreg:$0x1d] =	wrdreg s23;
	s8 =	smax.u32 s8, $0x1  }
0x22: {  	vm11 =	vmmov $0x1;
	s25 =	sadd.s32 $0x6C00, s5;
	[dreg:$0x1e] =	wrdreg s24;
	p1 =	sne.s32 s8, $0x1  }
.Ltmp0:
0x23: {  	vm13 =	vcmask $0x308;
	vm14 =	vcmask $0x70C;
	vm12 =	vcmask $0xB10;
	s26 =	sadd.s32 $0x7000, s5;
	[dreg:$0x1f] =	wrdreg s25;
	(pc) =	sbr.rel @!p1 .LBB2_3-.Ltmp0, $4  }
0x24: {  	vm15 =	vcmask $0xF14;
	vm10 =	vcmask $0x1318;
	vm8 =	vcmask $0x171C;
	p0 =	por $0x0, $0x0;
	s28 =	sadd.s32 $0x7400, s5;
	[smem:$0x7FA] =	sst s26  }
0x25: {  	vm9 =	vcmask $0x1B20;
	vm7 =	vcmask $0x1F24;
	vm6 =	vcmask $0x2328;
	s30 =	sadd.s32 $0x7800, s5;
	s31 =	sadd.s32 $0x7C00, s5;
	[smem:$0x7FB] =	sst s28  }
0x26: {  	vm5 =	vcmask $0x272C;
	vm4 =	vcmask $0x2B30;
	vm2 =	vcmask $0x2F34;
	s7 =	simm.s32 $0x2;
	[smem:$0x7FC] =	sst s30;
	s3 =	sadd.s32 $0x2400, s2  }
0x27: {  	vm3 =	vcmask $0x3338;
	vm1 =	vcmask $0x373C;
	vm0 =	vmmov $0x7fff;
	[smem:$0x7FD] =	sst s31;
	s2 =	simm.s32 $0x1;
	s9 =	sadd.s32 $0xFFFFFFFF, s8  }
0x28: {  	[tilespmem:s6], [sflag:$0x2] =	stream.linear.gather [hbm4b:s10+s6], $0x20, $0x38;
	[tilespmem:$0x80] =	vst v63  }
0x29: {  	_ =	swait.ge [sflag:s7], $0x20  }
0x2a: {  	[sflag:s7] =	ssyncset.done $0x0  }
0x2b: {  	[sflag:s7] =	ssyncadd.s32 $0xFFFFFFE0  }
0x2c: {  	v0 =	vld [tilespmem:$0x0];
	_ =	sdelay $0x4  }
0x2d: {  	v1 =	vnsel vm11, $0x0, v0  }
0x2e: {  	(xrf0) =	vadd.scan.msk.s32 $0xffff, v1  }
0x2f: {  	v6 =	vsel vm13, $0x0, v0  }
0x30: {  	v2 =	vsel vm14, $0x0, v0;
	(xrf0) =	vadd.scan.msk.s32 $0xffff, v6  }
0x31: {  	(xrf0) =	vadd.scan.msk.s32 $0xffff, v2  }
0x32: {  	v7 =	vsel vm12, $0x0, v0  }
0x33: {  	v8 =	vsel vm15, $0x0, v0;
	(xrf0) =	vadd.scan.msk.s32 $0xffff, v7  }
0x34: {  	v9, _, _ =	vpop (xrf0);
	(xrf0) =	vadd.scan.msk.s32 $0xffff, v8  }
0x35: {  	v10 =	vsel vm10, $0x0, v0;
	(v2sf) =	vpush v9, $0xF  }
0x36: {  	v3 =	vsel vm8, $0x0, v0;
	v11, _, _ =	vpop (xrf0);
	(xrf0) =	vadd.scan.msk.s32 $0xffff, v10  }
0x37: {  	(v2sf) =	vpush v11, $0xF;
	v12, _, _ =	vpop (xrf0);
	(xrf0) =	vadd.scan.msk.s32 $0xffff, v3  }
0x38: {  	v13 =	vsel vm9, $0x0, v0;
	(v2sf) =	vpush v12, $0xF  }
0x39: {  	v14 =	vsel vm7, $0x0, v0;
	(xrf0) =	vadd.scan.msk.s32 $0xffff, v13;
	v16, _, _ =	vpop (xrf0)  }
0x3a: {  	v15 =	vsel vm6, $0x0, v0;
	(xrf0) =	vadd.scan.msk.s32 $0xffff, v14;
	(v2sf) =	vpush v16, $0xF;
	v18, _, _ =	vpop (xrf0)  }
0x3b: {  	v17 =	vsel vm5, $0x0, v0;
	(xrf0) =	vadd.scan.msk.s32 $0xffff, v15;
	(v2sf) =	vpush v18, $0xF  }
0x3c: {  	v19 =	vsel vm4, $0x0, v0;
	(xrf0) =	vadd.scan.msk.s32 $0xffff, v17;
	v21, _, _ =	vpop (xrf0)  }
0x3d: {  	v20 =	vsel vm2, $0x0, v0;
	(xrf0) =	vadd.scan.msk.s32 $0xffff, v19;
	v4, _, _ =	vpop (xrf0);
	(v2sf) =	vpush v21, $0xF  }
0x3e: {  	v22 =	vsel vm3, $0x0, v0;
	(xrf0) =	vadd.scan.msk.s32 $0xffff, v20;
	(v2sf) =	vpush v4, $0xF  }
0x3f: {  	v23 =	vsel vm1, $0x0, v0;
	v5, _, _ =	vpop (xrf0);
	(xrf0) =	vadd.scan.msk.s32 $0xffff, v22  }
0x40: {  	v0 =	vsel vm0, $0x0, v0;
	v24, _, _ =	vpop (xrf0);
	(xrf0) =	vadd.scan.msk.s32 $0xffff, v23;
	(v2sf) =	vpush v5, $0xF  }
0x41: {  	v25, _, _ =	vpop (xrf0);
	(xrf0) =	vadd.scan.msk.s32 $0xffff, v0;
	(v2sf) =	vpush v24, $0xF  }
0x42: {  	v26, _, _ =	vpop (xrf0)  }
0x43: {  	v27, _, _ =	vpop (xrf0)  }
0x44: {  	v28, _, _ =	vpop (xrf0);
	s8 =	spop (v2sf)  }
0x45: {  	v29, _, _ =	vpop (xrf0);
	s8 =	sshll.u32 s8, $0xA  }
0x46: {  	v30, _, _ =	vpop (xrf0);
	s22 =	spop (v2sf);
	(v2sf) =	vpush v25, $0xF;
	s11 =	sand.u32 $0x1FFFFC00, s8;
	s8 =	sor.u32 $0x1C01, s4  }
0x47: {  	v31, _, _ =	vpop (xrf0);
	s12 =	spop (v2sf);
	(v2sf) =	vpush v26, $0xF;
	s10 =	sshll.u32 s22, $0xA;
	s11 =	sadd.s32 s3, s11  }
0x48: {  	[hbm:s5], [sflag:s8] =	dma.local [hbm:s11], $0x400  }
0x49: {  	s10 =	sand.u32 $0x1FFFFC00, s10;
	s23 =	sshll.u32 s12, $0xA;
	s13 =	spop (v2sf);
	(v2sf) =	vpush v27, $0xF  }
0x4a: {  	s10 =	sadd.s32 s3, s10;
	s11 =	rddreg [dreg:$0x5];
	s14 =	spop (v2sf);
	(v2sf) =	vpush v28, $0xF  }
0x4b: {  	[hbm:s11], [sflag:s8] =	dma.local [hbm:s10], $0x400  }
0x4c: {  	s10 =	sand.u32 $0x1FFFFC00, s23;
	s24 =	spop (v2sf);
	(v2sf) =	vpush v29, $0xF  }
0x4d: {  	s11 =	rddreg [dreg:$0x6];
	s10 =	sadd.s32 s3, s10;
	s15 =	spop (v2sf);
	(v2sf) =	vpush v30, $0xF  }
0x4e: {  	[hbm:s11], [sflag:s8] =	dma.local [hbm:s10], $0x400  }
0x4f: {  	s26 =	spop (v2sf)  }
0x50: {  	s16 =	spop (v2sf);
	(v2sf) =	vpush v31, $0xF  }
0x51: {  	s25 =	sshll.u32 s13, $0xA  }
0x52: {  	s10 =	sand.u32 $0x1FFFFC00, s25  }
0x53: {  	s28 =	sshll.u32 s14, $0xA;
	s11 =	rddreg [dreg:$0x7];
	s10 =	sadd.s32 s3, s10  }
0x54: {  	[hbm:s11], [sflag:s8] =	dma.local [hbm:s10], $0x400  }
0x55: {  	s30 =	sshll.u32 s24, $0xA;
	s10 =	sand.u32 $0x1FFFFC00, s28;
	s29 =	spop (v2sf)  }
0x56: {  	s11 =	rddreg [dreg:$0x8];
	s10 =	sadd.s32 s3, s10;
	s17 =	spop (v2sf)  }
0x57: {  	[hbm:s11], [sflag:s8] =	dma.local [hbm:s10], $0x400  }
0x58: {  	s19 =	sshll.u32 s15, $0xA;
	s10 =	sand.u32 $0x1FFFFC00, s30;
	s31 =	spop (v2sf)  }
0x59: {  	s11 =	rddreg [dreg:$0x9];
	s10 =	sadd.s32 s3, s10;
	s18 =	spop (v2sf)  }
0x5a: {  	[hbm:s11], [sflag:s8] =	dma.local [hbm:s10], $0x400  }
0x5b: {  	s21 =	sshll.u32 s26, $0xA;
	s10 =	sand.u32 $0x1FFFFC00, s19;
	s20 =	spop (v2sf)  }
0x5c: {  	s11 =	rddreg [dreg:$0xa];
	s10 =	sadd.s32 s3, s10;
	s19 =	spop (v2sf)  }
0x5d: {  	[hbm:s11], [sflag:s8] =	dma.local [hbm:s10], $0x400  }
0x5e: {  	s23 =	sshll.u32 s16, $0xA;
	s10 =	sand.u32 $0x1FFFFC00, s21  }
0x5f: {  	s11 =	rddreg [dreg:$0xb];
	s10 =	sadd.s32 s3, s10;
	s22 =	spop (v2sf)  }
0x60: {  	[hbm:s11], [sflag:s8] =	dma.local [hbm:s10], $0x400  }
0x61: {  	s10 =	sand.u32 $0x1FFFFC00, s23  }
0x62: {  	s24 =	sshll.u32 s29, $0xA;
	s11 =	rddreg [dreg:$0xc];
	s10 =	sadd.s32 s3, s10  }
0x63: {  	[hbm:s11], [sflag:s8] =	dma.local [hbm:s10], $0x400  }
0x64: {  	s10 =	sand.u32 $0x1FFFFC00, s24  }
0x65: {  	s25 =	sshll.u32 s17, $0xA;
	s11 =	rddreg [dreg:$0xd];
	s10 =	sadd.s32 s3, s10  }
0x66: {  	[hbm:s11], [sflag:s8] =	dma.local [hbm:s10], $0x400  }
0x67: {  	s10 =	sand.u32 $0x1FFFFC00, s25  }
0x68: {  	s26 =	sshll.u32 s31, $0xA;
	s11 =	rddreg [dreg:$0xe];
	s10 =	sadd.s32 s3, s10  }
0x69: {  	[hbm:s11], [sflag:s8] =	dma.local [hbm:s10], $0x400  }
0x6a: {  	s10 =	sand.u32 $0x1FFFFC00, s26  }
0x6b: {  	s28 =	sshll.u32 s18, $0xA;
	s11 =	rddreg [dreg:$0xf];
	s10 =	sadd.s32 s3, s10  }
0x6c: {  	[hbm:s11], [sflag:s8] =	dma.local [hbm:s10], $0x400  }
0x6d: {  	s10 =	sand.u32 $0x1FFFFC00, s28  }
0x6e: {  	s29 =	sshll.u32 s20, $0xA;
	s11 =	rddreg [dreg:$0x10];
	s10 =	sadd.s32 s3, s10  }
0x6f: {  	[hbm:s11], [sflag:s8] =	dma.local [hbm:s10], $0x400  }
0x70: {  	s10 =	sand.u32 $0x1FFFFC00, s29  }
0x71: {  	s30 =	sshll.u32 s19, $0xA;
	s11 =	rddreg [dreg:$0x11];
	s10 =	sadd.s32 s3, s10  }
0x72: {  	[hbm:s11], [sflag:s8] =	dma.local [hbm:s10], $0x400  }
0x73: {  	s10 =	sand.u32 $0x1FFFFC00, s30  }
0x74: {  	s31 =	sshll.u32 s22, $0xA;
	s11 =	rddreg [dreg:$0x12];
	s10 =	sadd.s32 s3, s10  }
0x75: {  	[hbm:s11], [sflag:s8] =	dma.local [hbm:s10], $0x400  }
0x76: {  	s10 =	sand.u32 $0x1FFFFC00, s31  }
0x77: {  	s11 =	rddreg [dreg:$0x13];
	s10 =	sadd.s32 s3, s10  }
0x78: {  	[hbm:s11], [sflag:s8] =	dma.local [hbm:s10], $0x400  }
0x79: {  	_ =	swait.ge [sflag:s2], $0x400  }
0x7a: {  	[sflag:s2] =	ssyncset.done $0x0  }
0x7b: {  	[sflag:s2] =	ssyncadd.s32 $0xFFFFFC00  }
0x7c: {  	_ =	swait.ge [sflag:s2], $0x400  }
0x7d: {  	[sflag:s2] =	ssyncset.done $0x0  }
0x7e: {  	[sflag:s2] =	ssyncadd.s32 $0xFFFFFC00  }
0x7f: {  	_ =	swait.ge [sflag:s2], $0x400  }
0x80: {  	[sflag:s2] =	ssyncset.done $0x0  }
0x81: {  	[sflag:s2] =	ssyncadd.s32 $0xFFFFFC00  }
0x82: {  	_ =	swait.ge [sflag:s2], $0x400  }
0x83: {  	[sflag:s2] =	ssyncset.done $0x0  }
0x84: {  	[sflag:s2] =	ssyncadd.s32 $0xFFFFFC00  }
0x85: {  	_ =	swait.ge [sflag:s2], $0x400  }
0x86: {  	[sflag:s2] =	ssyncset.done $0x0  }
0x87: {  	[sflag:s2] =	ssyncadd.s32 $0xFFFFFC00  }
0x88: {  	_ =	swait.ge [sflag:s2], $0x400  }
0x89: {  	[sflag:s2] =	ssyncset.done $0x0  }
0x8a: {  	[sflag:s2] =	ssyncadd.s32 $0xFFFFFC00  }
0x8b: {  	_ =	swait.ge [sflag:s2], $0x400  }
0x8c: {  	[sflag:s2] =	ssyncset.done $0x0  }
0x8d: {  	[sflag:s2] =	ssyncadd.s32 $0xFFFFFC00  }
0x8e: {  	_ =	swait.ge [sflag:s2], $0x400  }
0x8f: {  	[sflag:s2] =	ssyncset.done $0x0  }
0x90: {  	[sflag:s2] =	ssyncadd.s32 $0xFFFFFC00  }
0x91: {  	_ =	swait.ge [sflag:s2], $0x400  }
0x92: {  	[sflag:s2] =	ssyncset.done $0x0  }
0x93: {  	[sflag:s2] =	ssyncadd.s32 $0xFFFFFC00  }
0x94: {  	_ =	swait.ge [sflag:s2], $0x400  }
0x95: {  	[sflag:s2] =	ssyncset.done $0x0  }
0x96: {  	[sflag:s2] =	ssyncadd.s32 $0xFFFFFC00  }
0x97: {  	_ =	swait.ge [sflag:s2], $0x400  }
0x98: {  	[sflag:s2] =	ssyncset.done $0x0  }
0x99: {  	[sflag:s2] =	ssyncadd.s32 $0xFFFFFC00  }
0x9a: {  	_ =	swait.ge [sflag:s2], $0x400  }
0x9b: {  	[sflag:s2] =	ssyncset.done $0x0  }
0x9c: {  	[sflag:s2] =	ssyncadd.s32 $0xFFFFFC00  }
0x9d: {  	_ =	swait.ge [sflag:s2], $0x400  }
0x9e: {  	[sflag:s2] =	ssyncset.done $0x0  }
0x9f: {  	[sflag:s2] =	ssyncadd.s32 $0xFFFFFC00  }
0xa0: {  	_ =	swait.ge [sflag:s2], $0x400  }
0xa1: {  	[sflag:s2] =	ssyncset.done $0x0  }
0xa2: {  	[sflag:s2] =	ssyncadd.s32 $0xFFFFFC00  }
0xa3: {  	_ =	swait.ge [sflag:s2], $0x400  }
0xa4: {  	[sflag:s2] =	ssyncset.done $0x0  }
0xa5: {  	[sflag:s2] =	ssyncadd.s32 $0xFFFFFC00  }
0xa6: {  	_ =	swait.ge [sflag:s2], $0x400  }
0xa7: {  	[sflag:s2] =	ssyncset.done $0x0  }
0xa8: {  	[sflag:s2] =	ssyncadd.s32 $0xFFFFFC00  }
0xa9: {  	v32 =	vld [tilespmem:$0x10];
	_ =	sdelay $0x4  }
0xaa: {  	v33 =	vnsel vm11, $0x0, v32  }
0xab: {  	(xrf0) =	vadd.scan.msk.s32 $0xffff, v33  }
0xac: {  	v34 =	vsel vm13, $0x0, v32  }
0xad: {  	v35 =	vsel vm14, $0x0, v32;
	(xrf0) =	vadd.scan.msk.s32 $0xffff, v34  }
0xae: {  	(xrf0) =	vadd.scan.msk.s32 $0xffff, v35  }
0xaf: {  	v36 =	vsel vm12, $0x0, v32  }
0xb0: {  	v37 =	vsel vm15, $0x0, v32;
	(xrf0) =	vadd.scan.msk.s32 $0xffff, v36  }
0xb1: {  	(xrf0) =	vadd.scan.msk.s32 $0xffff, v37;
	v38, _, _ =	vpop (xrf0)  }
0xb2: {  	(v2sf) =	vpush v38, $0xF  }
0xb3: {  	v39 =	vsel vm10, $0x0, v32;
	v40, _, _ =	vpop (xrf0)  }
0xb4: {  	v41 =	vsel vm8, $0x0, v32;
	(xrf0) =	vadd.scan.msk.s32 $0xffff, v39;
	(v2sf) =	vpush v40, $0xF;
	v42, _, _ =	vpop (xrf0)  }
0xb5: {  	v43 =	vsel vm9, $0x0, v32;
	(xrf0) =	vadd.scan.msk.s32 $0xffff, v41;
	(v2sf) =	vpush v42, $0xF  }
0xb6: {  	v44 =	vsel vm7, $0x0, v32;
	(xrf0) =	vadd.scan.msk.s32 $0xffff, v43;
	v46, _, _ =	vpop (xrf0)  }
0xb7: {  	v45 =	vsel vm6, $0x0, v32;
	(xrf0) =	vadd.scan.msk.s32 $0xffff, v44;
	v48, _, _ =	vpop (xrf0);
	(v2sf) =	vpush v46, $0xF  }
0xb8: {  	v47 =	vsel vm5, $0x0, v32;
	(xrf0) =	vadd.scan.msk.s32 $0xffff, v45;
	(v2sf) =	vpush v48, $0xF  }
0xb9: {  	v49 =	vsel vm4, $0x0, v32;
	(xrf0) =	vadd.scan.msk.s32 $0xffff, v47  }
0xba: {  	v50 =	vsel vm2, $0x0, v32;
	v51, _, _ =	vpop (xrf0);
	(xrf0) =	vadd.scan.msk.s32 $0xffff, v49  }
0xbb: {  	v52 =	vsel vm3, $0x0, v32;
	v53, _, _ =	vpop (xrf0);
	(xrf0) =	vadd.scan.msk.s32 $0xffff, v50;
	(v2sf) =	vpush v51, $0xF  }
0xbc: {  	v54 =	vsel vm1, $0x0, v32;
	v55, _, _ =	vpop (xrf0);
	(xrf0) =	vadd.scan.msk.s32 $0xffff, v52;
	(v2sf) =	vpush v53, $0xF  }
0xbd: {  	v0 =	vsel vm0, $0x0, v32;
	v56, _, _ =	vpop (xrf0);
	(xrf0) =	vadd.scan.msk.s32 $0xffff, v54  }
0xbe: {  	v57, _, _ =	vpop (xrf0);
	(xrf0) =	vadd.scan.msk.s32 $0xffff, v0  }
0xbf: {  	v58, _, _ =	vpop (xrf0)  }
0xc0: {  	(v2sf) =	vpush v55, $0xF;
	v59, _, _ =	vpop (xrf0)  }
0xc1: {  	(v2sf) =	vpush v56, $0xF;
	v60, _, _ =	vpop (xrf0);
	s12 =	spop (v2sf)  }
0xc2: {  	v61, _, _ =	vpop (xrf0);
	s10 =	sshll.u32 s12, $0xA  }
0xc3: {  	s13 =	rddreg [dreg:$0x14];
	v62, _, _ =	vpop (xrf0);
	(v2sf) =	vpush v57, $0xF;
	s14 =	spop (v2sf);
	s10 =	sand.u32 $0x1FFFFC00, s10  }
0xc4: {  	v63, _, _ =	vpop (xrf0);
	(v2sf) =	vpush v58, $0xF;
	s15 =	spop (v2sf);
	s16 =	sshll.u32 s14, $0xA;
	s10 =	sadd.s32 s3, s10  }
0xc5: {  	[hbm:s13], [sflag:s8] =	dma.local [hbm:s10], $0x400  }
0xc6: {  	s10 =	sand.u32 $0x1FFFFC00, s16;
	s17 =	spop (v2sf);
	(v2sf) =	vpush v59, $0xF  }
0xc7: {  	s11 =	rddreg [dreg:$0x15];
	s10 =	sadd.s32 s3, s10;
	s18 =	spop (v2sf);
	(v2sf) =	vpush v60, $0xF  }
0xc8: {  	[hbm:s11], [sflag:s8] =	dma.local [hbm:s10], $0x400  }
0xc9: {  	s19 =	sshll.u32 s15, $0xA;
	(v2sf) =	vpush v61, $0xF  }
0xca: {  	s10 =	sand.u32 $0x1FFFFC00, s19;
	s20 =	spop (v2sf);
	(v2sf) =	vpush v62, $0xF  }
0xcb: {  	s11 =	rddreg [dreg:$0x16];
	s10 =	sadd.s32 s3, s10;
	s21 =	spop (v2sf)  }
0xcc: {  	[hbm:s11], [sflag:s8] =	dma.local [hbm:s10], $0x400  }
0xcd: {  	(v2sf) =	vpush v63, $0xF  }
0xce: {  	s22 =	sshll.u32 s17, $0xA  }
0xcf: {  	s25 =	sshll.u32 s18, $0xA;
	s10 =	sand.u32 $0x1FFFFC00, s22;
	s23 =	spop (v2sf)  }
0xd0: {  	s11 =	rddreg [dreg:$0x17];
	s10 =	sadd.s32 s3, s10;
	s24 =	spop (v2sf)  }
0xd1: {  	[hbm:s11], [sflag:s8] =	dma.local [hbm:s10], $0x400  }
0xd2: {  	s29 =	sshll.u32 s20, $0xA;
	s10 =	sand.u32 $0x1FFFFC00, s25;
	s26 =	spop (v2sf)  }
0xd3: {  	s11 =	rddreg [dreg:$0x18];
	s10 =	sadd.s32 s3, s10;
	s28 =	spop (v2sf)  }
0xd4: {  	[hbm:s11], [sflag:s8] =	dma.local [hbm:s10], $0x400  }
0xd5: {  	s15 =	sshll.u32 s21, $0xA;
	s10 =	sand.u32 $0x1FFFFC00, s29;
	s30 =	spop (v2sf)  }
0xd6: {  	s11 =	rddreg [dreg:$0x19];
	s10 =	sadd.s32 s3, s10;
	s31 =	spop (v2sf)  }
0xd7: {  	[hbm:s11], [sflag:s8] =	dma.local [hbm:s10], $0x400  }
0xd8: {  	s21 =	sshll.u32 s23, $0xA;
	s10 =	sand.u32 $0x1FFFFC00, s15;
	s19 =	spop (v2sf)  }
0xd9: {  	s11 =	rddreg [dreg:$0x1a];
	s10 =	sadd.s32 s3, s10;
	s20 =	spop (v2sf)  }
0xda: {  	[hbm:s11], [sflag:s8] =	dma.local [hbm:s10], $0x400  }
0xdb: {  	s23 =	sshll.u32 s24, $0xA;
	s10 =	sand.u32 $0x1FFFFC00, s21  }
0xdc: {  	s11 =	rddreg [dreg:$0x1b];
	s22 =	spop (v2sf);
	s10 =	sadd.s32 s3, s10  }
0xdd: {  	[hbm:s11], [sflag:s8] =	dma.local [hbm:s10], $0x400  }
0xde: {  	s10 =	sand.u32 $0x1FFFFC00, s23  }
0xdf: {  	s24 =	sshll.u32 s26, $0xA;
	s11 =	rddreg [dreg:$0x1c];
	s10 =	sadd.s32 s3, s10  }
0xe0: {  	[hbm:s11], [sflag:s8] =	dma.local [hbm:s10], $0x400  }
0xe1: {  	s10 =	sand.u32 $0x1FFFFC00, s24  }
0xe2: {  	s25 =	sshll.u32 s28, $0xA;
	s11 =	rddreg [dreg:$0x1d];
	s10 =	sadd.s32 s3, s10  }
0xe3: {  	[hbm:s11], [sflag:s8] =	dma.local [hbm:s10], $0x400  }
0xe4: {  	s10 =	sand.u32 $0x1FFFFC00, s25  }
0xe5: {  	s26 =	sshll.u32 s30, $0xA;
	s11 =	rddreg [dreg:$0x1e];
	s10 =	sadd.s32 s3, s10  }
0xe6: {  	[hbm:s11], [sflag:s8] =	dma.local [hbm:s10], $0x400  }
0xe7: {  	s10 =	sand.u32 $0x1FFFFC00, s26  }
0xe8: {  	s11 =	rddreg [dreg:$0x1f];
	s10 =	sadd.s32 s3, s10  }
0xe9: {  	[hbm:s11], [sflag:s8] =	dma.local [hbm:s10], $0x400  }
0xea: {  	s28 =	sshll.u32 s31, $0xA;
	s11 =	sld [smem:$0x7FA]  }
0xeb: {  	s10 =	sand.u32 $0x1FFFFC00, s28  }
0xec: {  	s10 =	sadd.s32 s3, s10  }
0xed: {  	[hbm:s11], [sflag:s8] =	dma.local [hbm:s10], $0x400  }
0xee: {  	s29 =	sshll.u32 s19, $0xA;
	s11 =	sld [smem:$0x7FB]  }
0xef: {  	s10 =	sand.u32 $0x1FFFFC00, s29  }
0xf0: {  	s10 =	sadd.s32 s3, s10  }
0xf1: {  	[hbm:s11], [sflag:s8] =	dma.local [hbm:s10], $0x400  }
0xf2: {  	s30 =	sshll.u32 s20, $0xA;
	s11 =	sld [smem:$0x7FC]  }
0xf3: {  	s10 =	sand.u32 $0x1FFFFC00, s30  }
0xf4: {  	s10 =	sadd.s32 s3, s10  }
0xf5: {  	[hbm:s11], [sflag:s8] =	dma.local [hbm:s10], $0x400  }
0xf6: {  	s31 =	sshll.u32 s22, $0xA;
	s11 =	sld [smem:$0x7FD]  }
0xf7: {  	s10 =	sand.u32 $0x1FFFFC00, s31  }
0xf8: {  	s10 =	sadd.s32 s3, s10  }
0xf9: {  	[hbm:s11], [sflag:s8] =	dma.local [hbm:s10], $0x400  }
0xfa: {  	_ =	swait.ge [sflag:s2], $0x400  }
0xfb: {  	[sflag:s2] =	ssyncset.done $0x0  }
0xfc: {  	[sflag:s2] =	ssyncadd.s32 $0xFFFFFC00  }
0xfd: {  	_ =	swait.ge [sflag:s2], $0x400  }
0xfe: {  	[sflag:s2] =	ssyncset.done $0x0  }
0xff: {  	[sflag:s2] =	ssyncadd.s32 $0xFFFFFC00  }
0x100: {  	_ =	swait.ge [sflag:s2], $0x400  }
0x101: {  	[sflag:s2] =	ssyncset.done $0x0  }
0x102: {  	[sflag:s2] =	ssyncadd.s32 $0xFFFFFC00  }
0x103: {  	_ =	swait.ge [sflag:s2], $0x400  }
0x104: {  	[sflag:s2] =	ssyncset.done $0x0  }
0x105: {  	[sflag:s2] =	ssyncadd.s32 $0xFFFFFC00  }
0x106: {  	_ =	swait.ge [sflag:s2], $0x400  }
0x107: {  	[sflag:s2] =	ssyncset.done $0x0  }
0x108: {  	[sflag:s2] =	ssyncadd.s32 $0xFFFFFC00  }
0x109: {  	_ =	swait.ge [sflag:s2], $0x400  }
0x10a: {  	[sflag:s2] =	ssyncset.done $0x0  }
0x10b: {  	[sflag:s2] =	ssyncadd.s32 $0xFFFFFC00  }
0x10c: {  	_ =	swait.ge [sflag:s2], $0x400  }
0x10d: {  	[sflag:s2] =	ssyncset.done $0x0  }
0x10e: {  	[sflag:s2] =	ssyncadd.s32 $0xFFFFFC00  }
0x10f: {  	_ =	swait.ge [sflag:s2], $0x400  }
0x110: {  	[sflag:s2] =	ssyncset.done $0x0  }
0x111: {  	[sflag:s2] =	ssyncadd.s32 $0xFFFFFC00  }
0x112: {  	_ =	swait.ge [sflag:s2], $0x400  }
0x113: {  	[sflag:s2] =	ssyncset.done $0x0  }
0x114: {  	[sflag:s2] =	ssyncadd.s32 $0xFFFFFC00  }
0x115: {  	_ =	swait.ge [sflag:s2], $0x400  }
0x116: {  	[sflag:s2] =	ssyncset.done $0x0  }
0x117: {  	[sflag:s2] =	ssyncadd.s32 $0xFFFFFC00  }
0x118: {  	_ =	swait.ge [sflag:s2], $0x400  }
0x119: {  	[sflag:s2] =	ssyncset.done $0x0  }
0x11a: {  	[sflag:s2] =	ssyncadd.s32 $0xFFFFFC00  }
0x11b: {  	_ =	swait.ge [sflag:s2], $0x400  }
0x11c: {  	[sflag:s2] =	ssyncset.done $0x0  }
0x11d: {  	[sflag:s2] =	ssyncadd.s32 $0xFFFFFC00  }
0x11e: {  	_ =	swait.ge [sflag:s2], $0x400  }
0x11f: {  	[sflag:s2] =	ssyncset.done $0x0  }
0x120: {  	[sflag:s2] =	ssyncadd.s32 $0xFFFFFC00  }
0x121: {  	_ =	swait.ge [sflag:s2], $0x400  }
0x122: {  	[sflag:s2] =	ssyncset.done $0x0  }
0x123: {  	p1 =	sne.s32 s9, $0x1;
	[sflag:s2] =	ssyncadd.s32 $0xFFFFFC00  }
.Ltmp1:
0x124: {  	_ =	swait.ge [sflag:s2], $0x400;
	(pc) =	sbr.rel @!p1 .LBB2_3-.Ltmp1, $4  }
0x125: {  	[sflag:s2] =	ssyncset.done $0x0  }
0x126: {  	[sflag:s2] =	ssyncadd.s32 $0xFFFFFC00  }
0x127: {  	s9 =	sadd.s32 $0xFFFFFFFF, s9;
	_ =	swait.ge [sflag:s2], $0x400  }
0x128: {  	p0 =	por $0x1, $0x1;
	s10 =	rddreg [dreg:$0x4];
	[sflag:s2] =	ssyncset.done $0x0  }
.LBB2_2:
0x129: {  	[sflag:s2] =	ssyncadd.s32 $0xFFFFFC00  }
0x12a: {  	[tilespmem:s6], [sflag:$0x2] =	stream.linear.gather [hbm4b:s10+s6], $0x20, $0x38;
	[tilespmem:$0x80] =	vst v63  }
0x12b: {  	_ =	swait.ge [sflag:s7], $0x20  }
0x12c: {  	[sflag:s7] =	ssyncset.done $0x0  }
0x12d: {  	[sflag:s7] =	ssyncadd.s32 $0xFFFFFFE0  }
0x12e: {  	v0 =	vld [tilespmem:$0x0];
	_ =	sdelay $0x4  }
0x12f: {  	v1 =	vnsel vm11, $0x0, v0  }
0x130: {  	v2 =	vsel vm13, $0x0, v0;
	(xrf0) =	vadd.scan.msk.s32 $0xffff, v1  }
0x131: {  	v3 =	vsel vm14, $0x0, v0;
	(xrf0) =	vadd.scan.msk.s32 $0xffff, v2  }
0x132: {  	(xrf0) =	vadd.scan.msk.s32 $0xffff, v3;
	_ =	sdelay $0x1  }
0x133: {  	v4 =	vsel vm12, $0x0, v0  }
0x134: {  	v5 =	vsel vm15, $0x0, v0;
	(xrf0) =	vadd.scan.msk.s32 $0xffff, v4  }
0x135: {  	(xrf0) =	vadd.scan.msk.s32 $0xffff, v5;
	v16, _, _ =	vpop (xrf0)  }
0x136: {  	(v2sf) =	vpush v16, $0xF;
	v17, _, _ =	vpop (xrf0)  }
0x137: {  	v6 =	vsel vm10, $0x0, v0;
	(v2sf) =	vpush v17, $0xF;
	v18, _, _ =	vpop (xrf0)  }
0x138: {  	v61 =	vsel vm8, $0x0, v0;
	(xrf0) =	vadd.scan.msk.s32 $0xffff, v6;
	(v2sf) =	vpush v18, $0xF  }
0x139: {  	v7 =	vsel vm9, $0x0, v0;
	(xrf0) =	vadd.scan.msk.s32 $0xffff, v61  }
0x13a: {  	v8 =	vsel vm7, $0x0, v0;
	(xrf0) =	vadd.scan.msk.s32 $0xffff, v7;
	v19, _, _ =	vpop (xrf0)  }
0x13b: {  	v62 =	vsel vm6, $0x0, v0;
	(xrf0) =	vadd.scan.msk.s32 $0xffff, v8;
	v20, _, _ =	vpop (xrf0);
	(v2sf) =	vpush v19, $0xF  }
0x13c: {  	v9 =	vsel vm5, $0x0, v0;
	(xrf0) =	vadd.scan.msk.s32 $0xffff, v62;
	(v2sf) =	vpush v20, $0xF  }
0x13d: {  	v10 =	vsel vm4, $0x0, v0;
	(xrf0) =	vadd.scan.msk.s32 $0xffff, v9  }
0x13e: {  	v63 =	vsel vm2, $0x0, v0;
	v21, _, _ =	vpop (xrf0);
	(xrf0) =	vadd.scan.msk.s32 $0xffff, v10  }
0x13f: {  	v11 =	vsel vm3, $0x0, v0;
	v22, _, _ =	vpop (xrf0);
	(xrf0) =	vadd.scan.msk.s32 $0xffff, v63;
	(v2sf) =	vpush v21, $0xF  }
0x140: {  	v12 =	vsel vm1, $0x0, v0;
	v23, _, _ =	vpop (xrf0);
	(xrf0) =	vadd.scan.msk.s32 $0xffff, v11;
	(v2sf) =	vpush v22, $0xF  }
0x141: {  	v0 =	vsel vm0, $0x0, v0;
	v24, _, _ =	vpop (xrf0);
	(xrf0) =	vadd.scan.msk.s32 $0xffff, v12  }
0x142: {  	v25, _, _ =	vpop (xrf0);
	(xrf0) =	vadd.scan.msk.s32 $0xffff, v0  }
0x143: {  	(v2sf) =	vpush v23, $0xF;
	v26, _, _ =	vpop (xrf0)  }
0x144: {  	(v2sf) =	vpush v24, $0xF;
	v27, _, _ =	vpop (xrf0)  }
0x145: {  	v28, _, _ =	vpop (xrf0);
	s25 =	spop (v2sf)  }
0x146: {  	v29, _, _ =	vpop (xrf0);
	s10 =	sshll.u32 s25, $0xA;
	s11 =	spop (v2sf)  }
0x147: {  	v30, _, _ =	vpop (xrf0);
	s10 =	sand.u32 $0x1FFFFC00, s10;
	s12 =	spop (v2sf);
	(v2sf) =	vpush v25, $0xF  }
0x148: {  	v31, _, _ =	vpop (xrf0);
	s10 =	sadd.s32 s3, s10;
	(v2sf) =	vpush v26, $0xF  }
0x149: {  	[hbm:s5], [sflag:s8] =	dma.local [hbm:s10], $0x400  }
0x14a: {  	s11 =	sshll.u32 s11, $0xA;
	s13 =	spop (v2sf)  }
0x14b: {  	s11 =	sand.u32 $0x1FFFFC00, s11;
	s14 =	spop (v2sf);
	(v2sf) =	vpush v27, $0xF  }
0x14c: {  	s11 =	sadd.s32 s3, s11;
	s10 =	rddreg [dreg:$0x5];
	(v2sf) =	vpush v28, $0xF  }
0x14d: {  	[hbm:s10], [sflag:s8] =	dma.local [hbm:s11], $0x400  }
0x14e: {  	s12 =	sshll.u32 s12, $0xA;
	s28 =	spop (v2sf)  }
0x14f: {  	s12 =	sand.u32 $0x1FFFFC00, s12;
	s15 =	spop (v2sf);
	(v2sf) =	vpush v29, $0xF  }
0x150: {  	s12 =	sadd.s32 s3, s12;
	s10 =	rddreg [dreg:$0x6];
	(v2sf) =	vpush v30, $0xF  }
0x151: {  	[hbm:s10], [sflag:s8] =	dma.local [hbm:s12], $0x400  }
0x152: {  	s13 =	sshll.u32 s13, $0xA;
	s30 =	spop (v2sf)  }
0x153: {  	s13 =	sand.u32 $0x1FFFFC00, s13;
	s14 =	sshll.u32 s14, $0xA;
	s16 =	spop (v2sf);
	(v2sf) =	vpush v31, $0xF  }
0x154: {  	s26 =	sand.u32 $0x1FFFFC00, s14;
	s13 =	sadd.s32 s3, s13;
	s14 =	sshll.u32 s28, $0xA  }
0x155: {  	s11 =	sadd.s32 s3, s26;
	s14 =	sand.u32 $0x1FFFFC00, s14;
	s15 =	sshll.u32 s15, $0xA  }
0x156: {  	s29 =	sand.u32 $0x1FFFFC00, s15;
	s14 =	sadd.s32 s3, s14;
	s15 =	sshll.u32 s30, $0xA  }
0x157: {  	s10 =	rddreg [dreg:$0x7];
	s12 =	sadd.s32 s3, s29;
	s15 =	sand.u32 $0x1FFFFC00, s15  }
0x158: {  	[hbm:s10], [sflag:s8] =	dma.local [hbm:s13], $0x400  }
0x159: {  	s16 =	sshll.u32 s16, $0xA;
	s10 =	rddreg [dreg:$0x8];
	s20 =	spop (v2sf)  }
0x15a: {  	s31 =	sand.u32 $0x1FFFFC00, s16;
	s15 =	sadd.s32 s3, s15;
	s17 =	spop (v2sf)  }
0x15b: {  	[hbm:s10], [sflag:s8] =	dma.local [hbm:s11], $0x400  }
0x15c: {  	s13 =	sadd.s32 s3, s31;
	s16 =	sshll.u32 s20, $0xA;
	s22 =	spop (v2sf)  }
0x15d: {  	s17 =	sshll.u32 s17, $0xA;
	s10 =	rddreg [dreg:$0x9];
	s18 =	spop (v2sf)  }
0x15e: {  	[hbm:s10], [sflag:s8] =	dma.local [hbm:s14], $0x400  }
0x15f: {  	s16 =	sand.u32 $0x1FFFFC00, s16;
	s21 =	sand.u32 $0x1FFFFC00, s17;
	s24 =	spop (v2sf)  }
0x160: {  	s28 =	sadd.s32 s3, s16;
	s10 =	rddreg [dreg:$0xa];
	s19 =	spop (v2sf)  }
0x161: {  	[hbm:s10], [sflag:s8] =	dma.local [hbm:s12], $0x400  }
0x162: {  	s11 =	sadd.s32 s3, s21;
	s10 =	rddreg [dreg:$0xb];
	s26 =	spop (v2sf)  }
0x163: {  	[hbm:s10], [sflag:s8] =	dma.local [hbm:s15], $0x400  }
0x164: {  	s17 =	sshll.u32 s22, $0xA;
	s18 =	sshll.u32 s18, $0xA;
	s10 =	rddreg [dreg:$0xc]  }
0x165: {  	[hbm:s10], [sflag:s8] =	dma.local [hbm:s13], $0x400  }
0x166: {  	s17 =	sand.u32 $0x1FFFFC00, s17;
	s23 =	sand.u32 $0x1FFFFC00, s18;
	s10 =	rddreg [dreg:$0xd]  }
0x167: {  	[hbm:s10], [sflag:s8] =	dma.local [hbm:s28], $0x400  }
0x168: {  	s29 =	sadd.s32 s3, s17;
	s30 =	sadd.s32 s3, s23;
	s10 =	rddreg [dreg:$0xe]  }
0x169: {  	[hbm:s10], [sflag:s8] =	dma.local [hbm:s11], $0x400  }
0x16a: {  	s18 =	sshll.u32 s24, $0xA;
	s19 =	sshll.u32 s19, $0xA;
	s10 =	rddreg [dreg:$0xf]  }
0x16b: {  	[hbm:s10], [sflag:s8] =	dma.local [hbm:s29], $0x400  }
0x16c: {  	s18 =	sand.u32 $0x1FFFFC00, s18;
	s25 =	sand.u32 $0x1FFFFC00, s19;
	s10 =	rddreg [dreg:$0x10]  }
0x16d: {  	[hbm:s10], [sflag:s8] =	dma.local [hbm:s30], $0x400  }
0x16e: {  	s31 =	sadd.s32 s3, s18;
	s19 =	sshll.u32 s26, $0xA;
	s10 =	rddreg [dreg:$0x11]  }
0x16f: {  	[hbm:s10], [sflag:s8] =	dma.local [hbm:s31], $0x400  }
0x170: {  	s12 =	sadd.s32 s3, s25;
	s19 =	sand.u32 $0x1FFFFC00, s19;
	s10 =	rddreg [dreg:$0x12]  }
0x171: {  	[hbm:s10], [sflag:s8] =	dma.local [hbm:s12], $0x400  }
0x172: {  	s13 =	sadd.s32 s3, s19;
	s10 =	rddreg [dreg:$0x13]  }
0x173: {  	[hbm:s10], [sflag:s8] =	dma.local [hbm:s13], $0x400  }
0x174: {  	_ =	swait.ge [sflag:s2], $0x400  }
0x175: {  	[sflag:s2] =	ssyncset.done $0x0  }
0x176: {  	[sflag:s2] =	ssyncadd.s32 $0xFFFFFC00  }
0x177: {  	_ =	swait.ge [sflag:s2], $0x400  }
0x178: {  	[sflag:s2] =	ssyncset.done $0x0  }
0x179: {  	[sflag:s2] =	ssyncadd.s32 $0xFFFFFC00  }
0x17a: {  	_ =	swait.ge [sflag:s2], $0x400  }
0x17b: {  	[sflag:s2] =	ssyncset.done $0x0  }
0x17c: {  	[sflag:s2] =	ssyncadd.s32 $0xFFFFFC00  }
0x17d: {  	_ =	swait.ge [sflag:s2], $0x400  }
0x17e: {  	[sflag:s2] =	ssyncset.done $0x0  }
0x17f: {  	[sflag:s2] =	ssyncadd.s32 $0xFFFFFC00  }
0x180: {  	_ =	swait.ge [sflag:s2], $0x400  }
0x181: {  	[sflag:s2] =	ssyncset.done $0x0  }
0x182: {  	[sflag:s2] =	ssyncadd.s32 $0xFFFFFC00  }
0x183: {  	_ =	swait.ge [sflag:s2], $0x400  }
0x184: {  	[sflag:s2] =	ssyncset.done $0x0  }
0x185: {  	[sflag:s2] =	ssyncadd.s32 $0xFFFFFC00  }
0x186: {  	_ =	swait.ge [sflag:s2], $0x400  }
0x187: {  	[sflag:s2] =	ssyncset.done $0x0  }
0x188: {  	[sflag:s2] =	ssyncadd.s32 $0xFFFFFC00  }
0x189: {  	_ =	swait.ge [sflag:s2], $0x400  }
0x18a: {  	[sflag:s2] =	ssyncset.done $0x0  }
0x18b: {  	[sflag:s2] =	ssyncadd.s32 $0xFFFFFC00  }
0x18c: {  	_ =	swait.ge [sflag:s2], $0x400  }
0x18d: {  	[sflag:s2] =	ssyncset.done $0x0  }
0x18e: {  	[sflag:s2] =	ssyncadd.s32 $0xFFFFFC00  }
0x18f: {  	_ =	swait.ge [sflag:s2], $0x400  }
0x190: {  	[sflag:s2] =	ssyncset.done $0x0  }
0x191: {  	[sflag:s2] =	ssyncadd.s32 $0xFFFFFC00  }
0x192: {  	_ =	swait.ge [sflag:s2], $0x400  }
0x193: {  	[sflag:s2] =	ssyncset.done $0x0  }
0x194: {  	[sflag:s2] =	ssyncadd.s32 $0xFFFFFC00  }
0x195: {  	_ =	swait.ge [sflag:s2], $0x400  }
0x196: {  	[sflag:s2] =	ssyncset.done $0x0  }
0x197: {  	[sflag:s2] =	ssyncadd.s32 $0xFFFFFC00  }
0x198: {  	_ =	swait.ge [sflag:s2], $0x400  }
0x199: {  	[sflag:s2] =	ssyncset.done $0x0  }
0x19a: {  	[sflag:s2] =	ssyncadd.s32 $0xFFFFFC00  }
0x19b: {  	_ =	swait.ge [sflag:s2], $0x400  }
0x19c: {  	[sflag:s2] =	ssyncset.done $0x0  }
0x19d: {  	[sflag:s2] =	ssyncadd.s32 $0xFFFFFC00  }
0x19e: {  	_ =	swait.ge [sflag:s2], $0x400  }
0x19f: {  	[sflag:s2] =	ssyncset.done $0x0  }
0x1a0: {  	[sflag:s2] =	ssyncadd.s32 $0xFFFFFC00  }
0x1a1: {  	_ =	swait.ge [sflag:s2], $0x400  }
0x1a2: {  	[sflag:s2] =	ssyncset.done $0x0  }
0x1a3: {  	[sflag:s2] =	ssyncadd.s32 $0xFFFFFC00  }
0x1a4: {  	v32 =	vld [tilespmem:$0x10];
	_ =	sdelay $0x4  }
0x1a5: {  	v33 =	vnsel vm11, $0x0, v32  }
0x1a6: {  	v34 =	vsel vm13, $0x0, v32;
	(xrf0) =	vadd.scan.msk.s32 $0xffff, v33  }
0x1a7: {  	v35 =	vsel vm14, $0x0, v32;
	(xrf0) =	vadd.scan.msk.s32 $0xffff, v34  }
0x1a8: {  	(xrf0) =	vadd.scan.msk.s32 $0xffff, v35;
	_ =	sdelay $0x1  }
0x1a9: {  	v36 =	vsel vm12, $0x0, v32  }
0x1aa: {  	v37 =	vsel vm15, $0x0, v32;
	(xrf0) =	vadd.scan.msk.s32 $0xffff, v36  }
0x1ab: {  	(xrf0) =	vadd.scan.msk.s32 $0xffff, v37;
	v48, _, _ =	vpop (xrf0)  }
0x1ac: {  	(v2sf) =	vpush v48, $0xF;
	v49, _, _ =	vpop (xrf0)  }
0x1ad: {  	v38 =	vsel vm10, $0x0, v32;
	(v2sf) =	vpush v49, $0xF;
	v50, _, _ =	vpop (xrf0)  }
0x1ae: {  	v39 =	vsel vm8, $0x0, v32;
	(xrf0) =	vadd.scan.msk.s32 $0xffff, v38;
	(v2sf) =	vpush v50, $0xF  }
0x1af: {  	v40 =	vsel vm9, $0x0, v32;
	(xrf0) =	vadd.scan.msk.s32 $0xffff, v39  }
0x1b0: {  	v41 =	vsel vm7, $0x0, v32;
	(xrf0) =	vadd.scan.msk.s32 $0xffff, v40;
	v51, _, _ =	vpop (xrf0)  }
0x1b1: {  	v42 =	vsel vm6, $0x0, v32;
	(xrf0) =	vadd.scan.msk.s32 $0xffff, v41;
	v52, _, _ =	vpop (xrf0);
	(v2sf) =	vpush v51, $0xF  }
0x1b2: {  	v43 =	vsel vm5, $0x0, v32;
	(xrf0) =	vadd.scan.msk.s32 $0xffff, v42;
	(v2sf) =	vpush v52, $0xF  }
0x1b3: {  	v44 =	vsel vm4, $0x0, v32;
	(xrf0) =	vadd.scan.msk.s32 $0xffff, v43  }
0x1b4: {  	v45 =	vsel vm2, $0x0, v32;
	v53, _, _ =	vpop (xrf0);
	(xrf0) =	vadd.scan.msk.s32 $0xffff, v44  }
0x1b5: {  	v46 =	vsel vm3, $0x0, v32;
	v54, _, _ =	vpop (xrf0);
	(xrf0) =	vadd.scan.msk.s32 $0xffff, v45;
	(v2sf) =	vpush v53, $0xF  }
0x1b6: {  	v47 =	vsel vm1, $0x0, v32;
	v55, _, _ =	vpop (xrf0);
	(xrf0) =	vadd.scan.msk.s32 $0xffff, v46;
	(v2sf) =	vpush v54, $0xF  }
0x1b7: {  	v0 =	vsel vm0, $0x0, v32;
	v56, _, _ =	vpop (xrf0);
	(xrf0) =	vadd.scan.msk.s32 $0xffff, v47  }
0x1b8: {  	v57, _, _ =	vpop (xrf0);
	(xrf0) =	vadd.scan.msk.s32 $0xffff, v0  }
0x1b9: {  	(v2sf) =	vpush v55, $0xF;
	v58, _, _ =	vpop (xrf0)  }
0x1ba: {  	(v2sf) =	vpush v56, $0xF;
	v59, _, _ =	vpop (xrf0)  }
0x1bb: {  	v60, _, _ =	vpop (xrf0);
	s14 =	spop (v2sf)  }
0x1bc: {  	v61, _, _ =	vpop (xrf0);
	s10 =	sshll.u32 s14, $0xA;
	s16 =	spop (v2sf)  }
0x1bd: {  	v62, _, _ =	vpop (xrf0);
	s10 =	sand.u32 $0x1FFFFC00, s10;
	s17 =	spop (v2sf);
	(v2sf) =	vpush v57, $0xF  }
0x1be: {  	s15 =	rddreg [dreg:$0x14];
	v63, _, _ =	vpop (xrf0);
	s10 =	sadd.s32 s3, s10;
	(v2sf) =	vpush v58, $0xF  }
0x1bf: {  	[hbm:s15], [sflag:s8] =	dma.local [hbm:s10], $0x400  }
0x1c0: {  	s12 =	sshll.u32 s16, $0xA;
	s19 =	spop (v2sf)  }
0x1c1: {  	s12 =	sand.u32 $0x1FFFFC00, s12;
	s20 =	spop (v2sf);
	(v2sf) =	vpush v59, $0xF  }
0x1c2: {  	s12 =	sadd.s32 s3, s12;
	s10 =	rddreg [dreg:$0x15];
	(v2sf) =	vpush v60, $0xF  }
0x1c3: {  	[hbm:s10], [sflag:s8] =	dma.local [hbm:s12], $0x400  }
0x1c4: {  	s13 =	sshll.u32 s17, $0xA;
	s22 =	spop (v2sf)  }
0x1c5: {  	s18 =	sand.u32 $0x1FFFFC00, s13;
	s23 =	spop (v2sf);
	(v2sf) =	vpush v61, $0xF  }
0x1c6: {  	s11 =	sadd.s32 s3, s18;
	s10 =	rddreg [dreg:$0x16];
	(v2sf) =	vpush v62, $0xF  }
0x1c7: {  	[hbm:s10], [sflag:s8] =	dma.local [hbm:s11], $0x400  }
0x1c8: {  	s25 =	spop (v2sf)  }
0x1c9: {  	s13 =	sshll.u32 s19, $0xA;
	s26 =	spop (v2sf);
	(v2sf) =	vpush v63, $0xF  }
0x1ca: {  	s13 =	sand.u32 $0x1FFFFC00, s13;
	s14 =	sshll.u32 s20, $0xA  }
0x1cb: {  	s21 =	sand.u32 $0x1FFFFC00, s14;
	s13 =	sadd.s32 s3, s13  }
0x1cc: {  	s12 =	sadd.s32 s3, s21;
	s14 =	sshll.u32 s22, $0xA;
	s15 =	sshll.u32 s23, $0xA  }
0x1cd: {  	s14 =	sand.u32 $0x1FFFFC00, s14;
	s24 =	sand.u32 $0x1FFFFC00, s15;
	s10 =	rddreg [dreg:$0x17]  }
0x1ce: {  	[hbm:s10], [sflag:s8] =	dma.local [hbm:s13], $0x400  }
0x1cf: {  	s14 =	sadd.s32 s3, s14;
	s11 =	sadd.s32 s3, s24;
	s29 =	spop (v2sf)  }
0x1d0: {  	s15 =	sshll.u32 s25, $0xA;
	s10 =	rddreg [dreg:$0x18];
	s30 =	spop (v2sf)  }
0x1d1: {  	[hbm:s10], [sflag:s8] =	dma.local [hbm:s12], $0x400  }
0x1d2: {  	s15 =	sand.u32 $0x1FFFFC00, s15;
	s16 =	sshll.u32 s26, $0xA;
	s19 =	spop (v2sf)  }
0x1d3: {  	s28 =	sand.u32 $0x1FFFFC00, s16;
	s10 =	rddreg [dreg:$0x19];
	s20 =	spop (v2sf)  }
0x1d4: {  	[hbm:s10], [sflag:s8] =	dma.local [hbm:s14], $0x400  }
0x1d5: {  	s15 =	sadd.s32 s3, s15;
	s13 =	sadd.s32 s3, s28;
	s22 =	spop (v2sf)  }
0x1d6: {  	s16 =	sshll.u32 s29, $0xA;
	s10 =	rddreg [dreg:$0x1a];
	s23 =	spop (v2sf)  }
0x1d7: {  	[hbm:s10], [sflag:s8] =	dma.local [hbm:s11], $0x400  }
0x1d8: {  	s17 =	sshll.u32 s30, $0xA;
	s10 =	rddreg [dreg:$0x1b];
	s25 =	spop (v2sf)  }
0x1d9: {  	[hbm:s10], [sflag:s8] =	dma.local [hbm:s15], $0x400  }
0x1da: {  	s16 =	sand.u32 $0x1FFFFC00, s16;
	s31 =	sand.u32 $0x1FFFFC00, s17;
	s10 =	rddreg [dreg:$0x1c]  }
0x1db: {  	[hbm:s10], [sflag:s8] =	dma.local [hbm:s13], $0x400  }
0x1dc: {  	s26 =	sadd.s32 s3, s16;
	s17 =	sshll.u32 s19, $0xA;
	s10 =	rddreg [dreg:$0x1d]  }
0x1dd: {  	[hbm:s10], [sflag:s8] =	dma.local [hbm:s26], $0x400  }
0x1de: {  	s12 =	sadd.s32 s3, s31;
	s17 =	sand.u32 $0x1FFFFC00, s17;
	s10 =	rddreg [dreg:$0x1e]  }
0x1df: {  	[hbm:s10], [sflag:s8] =	dma.local [hbm:s12], $0x400  }
0x1e0: {  	s28 =	sadd.s32 s3, s17;
	s10 =	rddreg [dreg:$0x1f]  }
0x1e1: {  	[hbm:s10], [sflag:s8] =	dma.local [hbm:s28], $0x400  }
0x1e2: {  	s18 =	sshll.u32 s20, $0xA;
	s10 =	sld [smem:$0x7FA]  }
0x1e3: {  	s21 =	sand.u32 $0x1FFFFC00, s18  }
0x1e4: {  	s29 =	sadd.s32 s3, s21  }
0x1e5: {  	[hbm:s10], [sflag:s8] =	dma.local [hbm:s29], $0x400  }
0x1e6: {  	s18 =	sshll.u32 s22, $0xA;
	s10 =	sld [smem:$0x7FB]  }
0x1e7: {  	s18 =	sand.u32 $0x1FFFFC00, s18  }
0x1e8: {  	s30 =	sadd.s32 s3, s18  }
0x1e9: {  	[hbm:s10], [sflag:s8] =	dma.local [hbm:s30], $0x400  }
0x1ea: {  	s19 =	sshll.u32 s23, $0xA;
	s10 =	sld [smem:$0x7FC]  }
0x1eb: {  	s24 =	sand.u32 $0x1FFFFC00, s19  }
0x1ec: {  	s11 =	sadd.s32 s3, s24  }
0x1ed: {  	[hbm:s10], [sflag:s8] =	dma.local [hbm:s11], $0x400  }
0x1ee: {  	s19 =	sshll.u32 s25, $0xA;
	s10 =	sld [smem:$0x7FD]  }
0x1ef: {  	s19 =	sand.u32 $0x1FFFFC00, s19  }
0x1f0: {  	s31 =	sadd.s32 s3, s19  }
0x1f1: {  	[hbm:s10], [sflag:s8] =	dma.local [hbm:s31], $0x400  }
0x1f2: {  	_ =	swait.ge [sflag:s2], $0x400  }
0x1f3: {  	[sflag:s2] =	ssyncset.done $0x0  }
0x1f4: {  	[sflag:s2] =	ssyncadd.s32 $0xFFFFFC00  }
0x1f5: {  	_ =	swait.ge [sflag:s2], $0x400  }
0x1f6: {  	[sflag:s2] =	ssyncset.done $0x0  }
0x1f7: {  	[sflag:s2] =	ssyncadd.s32 $0xFFFFFC00  }
0x1f8: {  	_ =	swait.ge [sflag:s2], $0x400  }
0x1f9: {  	[sflag:s2] =	ssyncset.done $0x0  }
0x1fa: {  	[sflag:s2] =	ssyncadd.s32 $0xFFFFFC00  }
0x1fb: {  	_ =	swait.ge [sflag:s2], $0x400  }
0x1fc: {  	[sflag:s2] =	ssyncset.done $0x0  }
0x1fd: {  	[sflag:s2] =	ssyncadd.s32 $0xFFFFFC00  }
0x1fe: {  	_ =	swait.ge [sflag:s2], $0x400  }
0x1ff: {  	[sflag:s2] =	ssyncset.done $0x0  }
0x200: {  	[sflag:s2] =	ssyncadd.s32 $0xFFFFFC00  }
0x201: {  	_ =	swait.ge [sflag:s2], $0x400  }
0x202: {  	[sflag:s2] =	ssyncset.done $0x0  }
0x203: {  	[sflag:s2] =	ssyncadd.s32 $0xFFFFFC00  }
0x204: {  	_ =	swait.ge [sflag:s2], $0x400  }
0x205: {  	[sflag:s2] =	ssyncset.done $0x0  }
0x206: {  	[sflag:s2] =	ssyncadd.s32 $0xFFFFFC00  }
0x207: {  	_ =	swait.ge [sflag:s2], $0x400  }
0x208: {  	[sflag:s2] =	ssyncset.done $0x0  }
0x209: {  	[sflag:s2] =	ssyncadd.s32 $0xFFFFFC00  }
0x20a: {  	_ =	swait.ge [sflag:s2], $0x400  }
0x20b: {  	[sflag:s2] =	ssyncset.done $0x0  }
0x20c: {  	[sflag:s2] =	ssyncadd.s32 $0xFFFFFC00  }
0x20d: {  	_ =	swait.ge [sflag:s2], $0x400  }
0x20e: {  	[sflag:s2] =	ssyncset.done $0x0  }
0x20f: {  	[sflag:s2] =	ssyncadd.s32 $0xFFFFFC00  }
0x210: {  	_ =	swait.ge [sflag:s2], $0x400  }
0x211: {  	[sflag:s2] =	ssyncset.done $0x0  }
0x212: {  	[sflag:s2] =	ssyncadd.s32 $0xFFFFFC00  }
0x213: {  	_ =	swait.ge [sflag:s2], $0x400  }
0x214: {  	[sflag:s2] =	ssyncset.done $0x0  }
0x215: {  	[sflag:s2] =	ssyncadd.s32 $0xFFFFFC00  }
0x216: {  	_ =	swait.ge [sflag:s2], $0x400  }
0x217: {  	[sflag:s2] =	ssyncset.done $0x0  }
0x218: {  	[sflag:s2] =	ssyncadd.s32 $0xFFFFFC00  }
0x219: {  	_ =	swait.ge [sflag:s2], $0x400  }
0x21a: {  	[sflag:s2] =	ssyncset.done $0x0  }
0x21b: {  	p1 =	sne.s32 s9, $0x1;
	[sflag:s2] =	ssyncadd.s32 $0xFFFFFC00  }
.Ltmp2:
0x21c: {  	_ =	swait.ge [sflag:s2], $0x400;
	(pc) =	sbr.rel @p1 .LBB2_2-.Ltmp2, $4  }
0x21d: {  	[sflag:s2] =	ssyncset.done $0x0  }
0x21e: {  	[sflag:s2] =	ssyncadd.s32 $0xFFFFFC00  }
0x21f: {  	_ =	swait.ge [sflag:s2], $0x400  }
0x220: {  	s9 =	sadd.s32 $0xFFFFFFFF, s9;
	s10 =	rddreg [dreg:$0x4];
	[sflag:s2] =	ssyncset.done $0x0  }
.LBB2_3:
0x221: {  	[sflag:s2] =	ssyncadd.s32 @p0 $0xFFFFFC00  }
0x222: {  	[tilespmem:s6], [sflag:$0x2] =	stream.linear.gather [hbm4b:s10+s6], $0x20, $0x38;
	[tilespmem:$0x80] =	vst v63  }
0x223: {  	_ =	swait.ge [sflag:s7], $0x20  }
0x224: {  	[sflag:s7] =	ssyncset.done $0x0  }
0x225: {  	[sflag:s7] =	ssyncadd.s32 $0xFFFFFFE0  }
0x226: {  	v0 =	vld [tilespmem:$0x0];
	_ =	sdelay $0x4  }
0x227: {  	v1 =	vnsel vm11, $0x0, v0  }
0x228: {  	(xrf0) =	vadd.scan.msk.s32 $0xffff, v1  }
0x229: {  	v6 =	vsel vm13, $0x0, v0  }
0x22a: {  	v2 =	vsel vm14, $0x0, v0;
	(xrf0) =	vadd.scan.msk.s32 $0xffff, v6  }
0x22b: {  	(xrf0) =	vadd.scan.msk.s32 $0xffff, v2  }
0x22c: {  	v7 =	vsel vm12, $0x0, v0  }
0x22d: {  	v8 =	vsel vm15, $0x0, v0;
	(xrf0) =	vadd.scan.msk.s32 $0xffff, v7  }
0x22e: {  	v9, _, _ =	vpop (xrf0);
	(xrf0) =	vadd.scan.msk.s32 $0xffff, v8  }
0x22f: {  	v10 =	vsel vm10, $0x0, v0;
	(v2sf) =	vpush v9, $0xF  }
0x230: {  	v3 =	vsel vm8, $0x0, v0;
	v11, _, _ =	vpop (xrf0);
	(xrf0) =	vadd.scan.msk.s32 $0xffff, v10  }
0x231: {  	(v2sf) =	vpush v11, $0xF;
	v12, _, _ =	vpop (xrf0);
	(xrf0) =	vadd.scan.msk.s32 $0xffff, v3  }
0x232: {  	v13 =	vsel vm9, $0x0, v0;
	(v2sf) =	vpush v12, $0xF  }
0x233: {  	v14 =	vsel vm7, $0x0, v0;
	(xrf0) =	vadd.scan.msk.s32 $0xffff, v13;
	v16, _, _ =	vpop (xrf0)  }
0x234: {  	v15 =	vsel vm6, $0x0, v0;
	(xrf0) =	vadd.scan.msk.s32 $0xffff, v14;
	(v2sf) =	vpush v16, $0xF;
	v18, _, _ =	vpop (xrf0)  }
0x235: {  	v17 =	vsel vm5, $0x0, v0;
	(xrf0) =	vadd.scan.msk.s32 $0xffff, v15;
	(v2sf) =	vpush v18, $0xF  }
0x236: {  	v19 =	vsel vm4, $0x0, v0;
	(xrf0) =	vadd.scan.msk.s32 $0xffff, v17;
	v21, _, _ =	vpop (xrf0)  }
0x237: {  	v20 =	vsel vm2, $0x0, v0;
	(xrf0) =	vadd.scan.msk.s32 $0xffff, v19;
	v4, _, _ =	vpop (xrf0);
	(v2sf) =	vpush v21, $0xF  }
0x238: {  	v22 =	vsel vm3, $0x0, v0;
	(xrf0) =	vadd.scan.msk.s32 $0xffff, v20;
	(v2sf) =	vpush v4, $0xF  }
0x239: {  	v23 =	vsel vm1, $0x0, v0;
	v5, _, _ =	vpop (xrf0);
	(xrf0) =	vadd.scan.msk.s32 $0xffff, v22  }
0x23a: {  	v0 =	vsel vm0, $0x0, v0;
	v24, _, _ =	vpop (xrf0);
	(xrf0) =	vadd.scan.msk.s32 $0xffff, v23;
	(v2sf) =	vpush v5, $0xF  }
0x23b: {  	v25, _, _ =	vpop (xrf0);
	(xrf0) =	vadd.scan.msk.s32 $0xffff, v0;
	(v2sf) =	vpush v24, $0xF  }
0x23c: {  	v26, _, _ =	vpop (xrf0)  }
0x23d: {  	v27, _, _ =	vpop (xrf0)  }
0x23e: {  	v28, _, _ =	vpop (xrf0);
	s13 =	spop (v2sf)  }
0x23f: {  	v29, _, _ =	vpop (xrf0);
	s6 =	sshll.u32 s13, $0xA  }
0x240: {  	s4 =	sor.u32 $0x1C01, s4;
	v30, _, _ =	vpop (xrf0);
	s14 =	spop (v2sf);
	(v2sf) =	vpush v25, $0xF;
	s6 =	sand.u32 $0x1FFFFC00, s6  }
0x241: {  	v31, _, _ =	vpop (xrf0);
	s8 =	spop (v2sf);
	(v2sf) =	vpush v26, $0xF;
	s15 =	sshll.u32 s14, $0xA;
	s6 =	sadd.s32 s3, s6  }
0x242: {  	[hbm:s5], [sflag:s4] =	dma.local [hbm:s6], $0x400  }
0x243: {  	s17 =	sshll.u32 s8, $0xA;
	s5 =	sand.u32 $0x1FFFFC00, s15;
	s16 =	spop (v2sf);
	(v2sf) =	vpush v27, $0xF  }
0x244: {  	s6 =	rddreg [dreg:$0x5];
	s5 =	sadd.s32 s3, s5;
	s9 =	spop (v2sf);
	(v2sf) =	vpush v28, $0xF  }
0x245: {  	[hbm:s6], [sflag:s4] =	dma.local [hbm:s5], $0x400  }
0x246: {  	s5 =	sand.u32 $0x1FFFFC00, s17;
	s18 =	spop (v2sf);
	(v2sf) =	vpush v29, $0xF  }
0x247: {  	s6 =	rddreg [dreg:$0x6];
	s5 =	sadd.s32 s3, s5;
	s19 =	spop (v2sf);
	(v2sf) =	vpush v30, $0xF  }
0x248: {  	[hbm:s6], [sflag:s4] =	dma.local [hbm:s5], $0x400  }
0x249: {  	s21 =	spop (v2sf)  }
0x24a: {  	s11 =	spop (v2sf);
	(v2sf) =	vpush v31, $0xF  }
0x24b: {  	s20 =	sshll.u32 s16, $0xA  }
0x24c: {  	s5 =	sand.u32 $0x1FFFFC00, s20  }
0x24d: {  	s22 =	sshll.u32 s9, $0xA;
	s6 =	rddreg [dreg:$0x7];
	s5 =	sadd.s32 s3, s5  }
0x24e: {  	[hbm:s6], [sflag:s4] =	dma.local [hbm:s5], $0x400  }
0x24f: {  	s24 =	sshll.u32 s18, $0xA;
	s5 =	sand.u32 $0x1FFFFC00, s22;
	s23 =	spop (v2sf)  }
0x250: {  	s6 =	rddreg [dreg:$0x8];
	s5 =	sadd.s32 s3, s5;
	s12 =	spop (v2sf)  }
0x251: {  	[hbm:s6], [sflag:s4] =	dma.local [hbm:s5], $0x400  }
0x252: {  	s26 =	sshll.u32 s19, $0xA;
	s5 =	sand.u32 $0x1FFFFC00, s24;
	s25 =	spop (v2sf)  }
0x253: {  	s6 =	rddreg [dreg:$0x9];
	s5 =	sadd.s32 s3, s5;
	s13 =	spop (v2sf)  }
0x254: {  	[hbm:s6], [sflag:s4] =	dma.local [hbm:s5], $0x400  }
0x255: {  	s29 =	sshll.u32 s21, $0xA;
	s5 =	sand.u32 $0x1FFFFC00, s26;
	s28 =	spop (v2sf)  }
0x256: {  	s6 =	rddreg [dreg:$0xa];
	s5 =	sadd.s32 s3, s5;
	s14 =	spop (v2sf)  }
0x257: {  	[hbm:s6], [sflag:s4] =	dma.local [hbm:s5], $0x400  }
0x258: {  	s31 =	sshll.u32 s11, $0xA;
	s5 =	sand.u32 $0x1FFFFC00, s29  }
0x259: {  	s6 =	rddreg [dreg:$0xb];
	s5 =	sadd.s32 s3, s5;
	s30 =	spop (v2sf)  }
0x25a: {  	[hbm:s6], [sflag:s4] =	dma.local [hbm:s5], $0x400  }
0x25b: {  	s5 =	sand.u32 $0x1FFFFC00, s31  }
0x25c: {  	s9 =	sshll.u32 s23, $0xA;
	s6 =	rddreg [dreg:$0xc];
	s5 =	sadd.s32 s3, s5  }
0x25d: {  	[hbm:s6], [sflag:s4] =	dma.local [hbm:s5], $0x400  }
0x25e: {  	s5 =	sand.u32 $0x1FFFFC00, s9  }
0x25f: {  	s11 =	sshll.u32 s12, $0xA;
	s6 =	rddreg [dreg:$0xd];
	s5 =	sadd.s32 s3, s5  }
0x260: {  	[hbm:s6], [sflag:s4] =	dma.local [hbm:s5], $0x400  }
0x261: {  	s5 =	sand.u32 $0x1FFFFC00, s11  }
0x262: {  	s12 =	sshll.u32 s25, $0xA;
	s6 =	rddreg [dreg:$0xe];
	s5 =	sadd.s32 s3, s5  }
0x263: {  	[hbm:s6], [sflag:s4] =	dma.local [hbm:s5], $0x400  }
0x264: {  	s5 =	sand.u32 $0x1FFFFC00, s12  }
0x265: {  	s13 =	sshll.u32 s13, $0xA;
	s6 =	rddreg [dreg:$0xf];
	s5 =	sadd.s32 s3, s5  }
0x266: {  	[hbm:s6], [sflag:s4] =	dma.local [hbm:s5], $0x400  }
0x267: {  	s5 =	sand.u32 $0x1FFFFC00, s13  }
0x268: {  	s15 =	sshll.u32 s28, $0xA;
	s6 =	rddreg [dreg:$0x10];
	s5 =	sadd.s32 s3, s5  }
0x269: {  	[hbm:s6], [sflag:s4] =	dma.local [hbm:s5], $0x400  }
0x26a: {  	s5 =	sand.u32 $0x1FFFFC00, s15  }
0x26b: {  	s16 =	sshll.u32 s14, $0xA;
	s6 =	rddreg [dreg:$0x11];
	s5 =	sadd.s32 s3, s5  }
0x26c: {  	[hbm:s6], [sflag:s4] =	dma.local [hbm:s5], $0x400  }
0x26d: {  	s5 =	sand.u32 $0x1FFFFC00, s16  }
0x26e: {  	s17 =	sshll.u32 s30, $0xA;
	s6 =	rddreg [dreg:$0x12];
	s5 =	sadd.s32 s3, s5  }
0x26f: {  	[hbm:s6], [sflag:s4] =	dma.local [hbm:s5], $0x400  }
0x270: {  	s5 =	sand.u32 $0x1FFFFC00, s17  }
0x271: {  	s6 =	rddreg [dreg:$0x13];
	s5 =	sadd.s32 s3, s5  }
0x272: {  	[hbm:s6], [sflag:s4] =	dma.local [hbm:s5], $0x400  }
0x273: {  	_ =	swait.ge [sflag:s2], $0x400  }
0x274: {  	[sflag:s2] =	ssyncset.done $0x0  }
0x275: {  	[sflag:s2] =	ssyncadd.s32 $0xFFFFFC00  }
0x276: {  	_ =	swait.ge [sflag:s2], $0x400  }
0x277: {  	[sflag:s2] =	ssyncset.done $0x0  }
0x278: {  	[sflag:s2] =	ssyncadd.s32 $0xFFFFFC00  }
0x279: {  	_ =	swait.ge [sflag:s2], $0x400  }
0x27a: {  	[sflag:s2] =	ssyncset.done $0x0  }
0x27b: {  	[sflag:s2] =	ssyncadd.s32 $0xFFFFFC00  }
0x27c: {  	_ =	swait.ge [sflag:s2], $0x400  }
0x27d: {  	[sflag:s2] =	ssyncset.done $0x0  }
0x27e: {  	[sflag:s2] =	ssyncadd.s32 $0xFFFFFC00  }
0x27f: {  	_ =	swait.ge [sflag:s2], $0x400  }
0x280: {  	[sflag:s2] =	ssyncset.done $0x0  }
0x281: {  	[sflag:s2] =	ssyncadd.s32 $0xFFFFFC00  }
0x282: {  	_ =	swait.ge [sflag:s2], $0x400  }
0x283: {  	[sflag:s2] =	ssyncset.done $0x0  }
0x284: {  	[sflag:s2] =	ssyncadd.s32 $0xFFFFFC00  }
0x285: {  	_ =	swait.ge [sflag:s2], $0x400  }
0x286: {  	[sflag:s2] =	ssyncset.done $0x0  }
0x287: {  	[sflag:s2] =	ssyncadd.s32 $0xFFFFFC00  }
0x288: {  	_ =	swait.ge [sflag:s2], $0x400  }
0x289: {  	[sflag:s2] =	ssyncset.done $0x0  }
0x28a: {  	[sflag:s2] =	ssyncadd.s32 $0xFFFFFC00  }
0x28b: {  	_ =	swait.ge [sflag:s2], $0x400  }
0x28c: {  	[sflag:s2] =	ssyncset.done $0x0  }
0x28d: {  	[sflag:s2] =	ssyncadd.s32 $0xFFFFFC00  }
0x28e: {  	_ =	swait.ge [sflag:s2], $0x400  }
0x28f: {  	[sflag:s2] =	ssyncset.done $0x0  }
0x290: {  	[sflag:s2] =	ssyncadd.s32 $0xFFFFFC00  }
0x291: {  	_ =	swait.ge [sflag:s2], $0x400  }
0x292: {  	[sflag:s2] =	ssyncset.done $0x0  }
0x293: {  	[sflag:s2] =	ssyncadd.s32 $0xFFFFFC00  }
0x294: {  	_ =	swait.ge [sflag:s2], $0x400  }
0x295: {  	[sflag:s2] =	ssyncset.done $0x0  }
0x296: {  	[sflag:s2] =	ssyncadd.s32 $0xFFFFFC00  }
0x297: {  	_ =	swait.ge [sflag:s2], $0x400  }
0x298: {  	[sflag:s2] =	ssyncset.done $0x0  }
0x299: {  	[sflag:s2] =	ssyncadd.s32 $0xFFFFFC00  }
0x29a: {  	_ =	swait.ge [sflag:s2], $0x400  }
0x29b: {  	[sflag:s2] =	ssyncset.done $0x0  }
0x29c: {  	[sflag:s2] =	ssyncadd.s32 $0xFFFFFC00  }
0x29d: {  	_ =	swait.ge [sflag:s2], $0x400  }
0x29e: {  	[sflag:s2] =	ssyncset.done $0x0  }
0x29f: {  	[sflag:s2] =	ssyncadd.s32 $0xFFFFFC00  }
0x2a0: {  	_ =	swait.ge [sflag:s2], $0x400  }
0x2a1: {  	[sflag:s2] =	ssyncset.done $0x0  }
0x2a2: {  	[sflag:s2] =	ssyncadd.s32 $0xFFFFFC00  }
0x2a3: {  	v32 =	vld [tilespmem:$0x10];
	_ =	sdelay $0x4  }
0x2a4: {  	v33 =	vnsel vm11, $0x0, v32  }
0x2a5: {  	(xrf0) =	vadd.scan.msk.s32 $0xffff, v33  }
0x2a6: {  	v34 =	vsel vm13, $0x0, v32  }
0x2a7: {  	v35 =	vsel vm14, $0x0, v32;
	(xrf0) =	vadd.scan.msk.s32 $0xffff, v34  }
0x2a8: {  	(xrf0) =	vadd.scan.msk.s32 $0xffff, v35  }
0x2a9: {  	v36 =	vsel vm12, $0x0, v32  }
0x2aa: {  	v37 =	vsel vm15, $0x0, v32;
	(xrf0) =	vadd.scan.msk.s32 $0xffff, v36  }
0x2ab: {  	(xrf0) =	vadd.scan.msk.s32 $0xffff, v37;
	v38, _, _ =	vpop (xrf0)  }
0x2ac: {  	(v2sf) =	vpush v38, $0xF  }
0x2ad: {  	v39 =	vsel vm10, $0x0, v32;
	v40, _, _ =	vpop (xrf0)  }
0x2ae: {  	v41 =	vsel vm8, $0x0, v32;
	(xrf0) =	vadd.scan.msk.s32 $0xffff, v39;
	(v2sf) =	vpush v40, $0xF;
	v42, _, _ =	vpop (xrf0)  }
0x2af: {  	v43 =	vsel vm9, $0x0, v32;
	(xrf0) =	vadd.scan.msk.s32 $0xffff, v41;
	(v2sf) =	vpush v42, $0xF  }
0x2b0: {  	v44 =	vsel vm7, $0x0, v32;
	(xrf0) =	vadd.scan.msk.s32 $0xffff, v43;
	v46, _, _ =	vpop (xrf0)  }
0x2b1: {  	v45 =	vsel vm6, $0x0, v32;
	(xrf0) =	vadd.scan.msk.s32 $0xffff, v44;
	v48, _, _ =	vpop (xrf0);
	(v2sf) =	vpush v46, $0xF  }
0x2b2: {  	v47 =	vsel vm5, $0x0, v32;
	(xrf0) =	vadd.scan.msk.s32 $0xffff, v45;
	(v2sf) =	vpush v48, $0xF  }
0x2b3: {  	v49 =	vsel vm4, $0x0, v32;
	(xrf0) =	vadd.scan.msk.s32 $0xffff, v47  }
0x2b4: {  	v50 =	vsel vm2, $0x0, v32;
	v51, _, _ =	vpop (xrf0);
	(xrf0) =	vadd.scan.msk.s32 $0xffff, v49  }
0x2b5: {  	v52 =	vsel vm3, $0x0, v32;
	v53, _, _ =	vpop (xrf0);
	(xrf0) =	vadd.scan.msk.s32 $0xffff, v50;
	(v2sf) =	vpush v51, $0xF  }
0x2b6: {  	v54 =	vsel vm1, $0x0, v32;
	v55, _, _ =	vpop (xrf0);
	(xrf0) =	vadd.scan.msk.s32 $0xffff, v52;
	(v2sf) =	vpush v53, $0xF  }
0x2b7: {  	v0 =	vsel vm0, $0x0, v32;
	v56, _, _ =	vpop (xrf0);
	(xrf0) =	vadd.scan.msk.s32 $0xffff, v54  }
0x2b8: {  	v57, _, _ =	vpop (xrf0);
	(xrf0) =	vadd.scan.msk.s32 $0xffff, v0  }
0x2b9: {  	v58, _, _ =	vpop (xrf0)  }
0x2ba: {  	(v2sf) =	vpush v55, $0xF;
	v59, _, _ =	vpop (xrf0)  }
0x2bb: {  	(v2sf) =	vpush v56, $0xF;
	v60, _, _ =	vpop (xrf0);
	s18 =	spop (v2sf)  }
0x2bc: {  	v61, _, _ =	vpop (xrf0);
	s5 =	sshll.u32 s18, $0xA  }
0x2bd: {  	s19 =	rddreg [dreg:$0x14];
	v62, _, _ =	vpop (xrf0);
	(v2sf) =	vpush v57, $0xF;
	s20 =	spop (v2sf);
	s5 =	sand.u32 $0x1FFFFC00, s5  }
0x2be: {  	v63, _, _ =	vpop (xrf0);
	(v2sf) =	vpush v58, $0xF;
	s21 =	spop (v2sf);
	s22 =	sshll.u32 s20, $0xA;
	s5 =	sadd.s32 s3, s5  }
0x2bf: {  	[hbm:s19], [sflag:s4] =	dma.local [hbm:s5], $0x400  }
0x2c0: {  	s5 =	sand.u32 $0x1FFFFC00, s22;
	s23 =	spop (v2sf);
	(v2sf) =	vpush v59, $0xF  }
0x2c1: {  	s6 =	rddreg [dreg:$0x15];
	s5 =	sadd.s32 s3, s5;
	s24 =	spop (v2sf);
	(v2sf) =	vpush v60, $0xF  }
0x2c2: {  	[hbm:s6], [sflag:s4] =	dma.local [hbm:s5], $0x400  }
0x2c3: {  	s25 =	sshll.u32 s21, $0xA;
	(v2sf) =	vpush v61, $0xF  }
0x2c4: {  	s5 =	sand.u32 $0x1FFFFC00, s25;
	s26 =	spop (v2sf);
	(v2sf) =	vpush v62, $0xF  }
0x2c5: {  	s6 =	rddreg [dreg:$0x16];
	s5 =	sadd.s32 s3, s5;
	s28 =	spop (v2sf)  }
0x2c6: {  	[hbm:s6], [sflag:s4] =	dma.local [hbm:s5], $0x400  }
0x2c7: {  	(v2sf) =	vpush v63, $0xF  }
0x2c8: {  	s29 =	sshll.u32 s23, $0xA  }
0x2c9: {  	s9 =	sshll.u32 s24, $0xA;
	s5 =	sand.u32 $0x1FFFFC00, s29;
	s30 =	spop (v2sf)  }
0x2ca: {  	s6 =	rddreg [dreg:$0x17];
	s5 =	sadd.s32 s3, s5;
	s31 =	spop (v2sf)  }
0x2cb: {  	[hbm:s6], [sflag:s4] =	dma.local [hbm:s5], $0x400  }
0x2cc: {  	s14 =	sshll.u32 s26, $0xA;
	s5 =	sand.u32 $0x1FFFFC00, s9;
	s12 =	spop (v2sf)  }
0x2cd: {  	s6 =	rddreg [dreg:$0x18];
	s5 =	sadd.s32 s3, s5;
	s13 =	spop (v2sf)  }
0x2ce: {  	[hbm:s6], [sflag:s4] =	dma.local [hbm:s5], $0x400  }
0x2cf: {  	s17 =	sshll.u32 s28, $0xA;
	s5 =	sand.u32 $0x1FFFFC00, s14;
	s15 =	spop (v2sf)  }
0x2d0: {  	s6 =	rddreg [dreg:$0x19];
	s5 =	sadd.s32 s3, s5;
	s16 =	spop (v2sf)  }
0x2d1: {  	[hbm:s6], [sflag:s4] =	dma.local [hbm:s5], $0x400  }
0x2d2: {  	s20 =	sshll.u32 s30, $0xA;
	s5 =	sand.u32 $0x1FFFFC00, s17;
	s18 =	spop (v2sf)  }
0x2d3: {  	s6 =	rddreg [dreg:$0x1a];
	s5 =	sadd.s32 s3, s5;
	s19 =	spop (v2sf)  }
0x2d4: {  	[hbm:s6], [sflag:s4] =	dma.local [hbm:s5], $0x400  }
0x2d5: {  	s22 =	sshll.u32 s31, $0xA;
	s5 =	sand.u32 $0x1FFFFC00, s20  }
0x2d6: {  	s6 =	rddreg [dreg:$0x1b];
	s21 =	spop (v2sf);
	s5 =	sadd.s32 s3, s5  }
0x2d7: {  	[hbm:s6], [sflag:s4] =	dma.local [hbm:s5], $0x400  }
0x2d8: {  	s5 =	sand.u32 $0x1FFFFC00, s22  }
0x2d9: {  	s23 =	sshll.u32 s12, $0xA;
	s6 =	rddreg [dreg:$0x1c];
	s5 =	sadd.s32 s3, s5  }
0x2da: {  	[hbm:s6], [sflag:s4] =	dma.local [hbm:s5], $0x400  }
0x2db: {  	s5 =	sand.u32 $0x1FFFFC00, s23  }
0x2dc: {  	s24 =	sshll.u32 s13, $0xA;
	s6 =	rddreg [dreg:$0x1d];
	s5 =	sadd.s32 s3, s5  }
0x2dd: {  	[hbm:s6], [sflag:s4] =	dma.local [hbm:s5], $0x400  }
0x2de: {  	s5 =	sand.u32 $0x1FFFFC00, s24  }
0x2df: {  	s25 =	sshll.u32 s15, $0xA;
	s6 =	rddreg [dreg:$0x1e];
	s5 =	sadd.s32 s3, s5  }
0x2e0: {  	[hbm:s6], [sflag:s4] =	dma.local [hbm:s5], $0x400  }
0x2e1: {  	s5 =	sand.u32 $0x1FFFFC00, s25  }
0x2e2: {  	s6 =	rddreg [dreg:$0x1f];
	s5 =	sadd.s32 s3, s5  }
0x2e3: {  	[hbm:s6], [sflag:s4] =	dma.local [hbm:s5], $0x400  }
0x2e4: {  	s26 =	sshll.u32 s16, $0xA;
	s6 =	sld [smem:$0x7FA]  }
0x2e5: {  	s5 =	sand.u32 $0x1FFFFC00, s26  }
0x2e6: {  	s5 =	sadd.s32 s3, s5  }
0x2e7: {  	[hbm:s6], [sflag:s4] =	dma.local [hbm:s5], $0x400  }
0x2e8: {  	s28 =	sshll.u32 s18, $0xA;
	s6 =	sld [smem:$0x7FB]  }
0x2e9: {  	s5 =	sand.u32 $0x1FFFFC00, s28  }
0x2ea: {  	s5 =	sadd.s32 s3, s5  }
0x2eb: {  	[hbm:s6], [sflag:s4] =	dma.local [hbm:s5], $0x400  }
0x2ec: {  	s29 =	sshll.u32 s19, $0xA;
	s6 =	sld [smem:$0x7FC]  }
0x2ed: {  	s5 =	sand.u32 $0x1FFFFC00, s29  }
0x2ee: {  	s5 =	sadd.s32 s3, s5  }
0x2ef: {  	[hbm:s6], [sflag:s4] =	dma.local [hbm:s5], $0x400  }
0x2f0: {  	s30 =	sshll.u32 s21, $0xA;
	s6 =	sld [smem:$0x7FD]  }
0x2f1: {  	s5 =	sand.u32 $0x1FFFFC00, s30  }
0x2f2: {  	s31 =	sadd.s32 s3, s5  }
0x2f3: {  	[hbm:s6], [sflag:s4] =	dma.local [hbm:s31], $0x400  }
0x2f4: {  	_ =	swait.ge [sflag:s2], $0x400  }
0x2f5: {  	[sflag:s2] =	ssyncset.done $0x0  }
0x2f6: {  	[sflag:s2] =	ssyncadd.s32 $0xFFFFFC00  }
0x2f7: {  	_ =	swait.ge [sflag:s2], $0x400  }
0x2f8: {  	[sflag:s2] =	ssyncset.done $0x0  }
0x2f9: {  	[sflag:s2] =	ssyncadd.s32 $0xFFFFFC00  }
0x2fa: {  	_ =	swait.ge [sflag:s2], $0x400  }
0x2fb: {  	[sflag:s2] =	ssyncset.done $0x0  }
0x2fc: {  	[sflag:s2] =	ssyncadd.s32 $0xFFFFFC00  }
0x2fd: {  	_ =	swait.ge [sflag:s2], $0x400  }
0x2fe: {  	[sflag:s2] =	ssyncset.done $0x0  }
0x2ff: {  	[sflag:s2] =	ssyncadd.s32 $0xFFFFFC00  }
0x300: {  	_ =	swait.ge [sflag:s2], $0x400  }
0x301: {  	[sflag:s2] =	ssyncset.done $0x0  }
0x302: {  	[sflag:s2] =	ssyncadd.s32 $0xFFFFFC00  }
0x303: {  	_ =	swait.ge [sflag:s2], $0x400  }
0x304: {  	[sflag:s2] =	ssyncset.done $0x0  }
0x305: {  	[sflag:s2] =	ssyncadd.s32 $0xFFFFFC00  }
0x306: {  	_ =	swait.ge [sflag:s2], $0x400  }
0x307: {  	[sflag:s2] =	ssyncset.done $0x0  }
0x308: {  	[sflag:s2] =	ssyncadd.s32 $0xFFFFFC00  }
0x309: {  	_ =	swait.ge [sflag:s2], $0x400  }
0x30a: {  	[sflag:s2] =	ssyncset.done $0x0  }
0x30b: {  	[sflag:s2] =	ssyncadd.s32 $0xFFFFFC00  }
0x30c: {  	_ =	swait.ge [sflag:s2], $0x400  }
0x30d: {  	[sflag:s2] =	ssyncset.done $0x0  }
0x30e: {  	[sflag:s2] =	ssyncadd.s32 $0xFFFFFC00  }
0x30f: {  	_ =	swait.ge [sflag:s2], $0x400  }
0x310: {  	[sflag:s2] =	ssyncset.done $0x0  }
0x311: {  	[sflag:s2] =	ssyncadd.s32 $0xFFFFFC00  }
0x312: {  	_ =	swait.ge [sflag:s2], $0x400  }
0x313: {  	[sflag:s2] =	ssyncset.done $0x0  }
0x314: {  	[sflag:s2] =	ssyncadd.s32 $0xFFFFFC00  }
0x315: {  	_ =	swait.ge [sflag:s2], $0x400  }
0x316: {  	[sflag:s2] =	ssyncset.done $0x0  }
0x317: {  	[sflag:s2] =	ssyncadd.s32 $0xFFFFFC00  }
0x318: {  	_ =	swait.ge [sflag:s2], $0x400  }
0x319: {  	[sflag:s2] =	ssyncset.done $0x0  }
0x31a: {  	[sflag:s2] =	ssyncadd.s32 $0xFFFFFC00  }
0x31b: {  	_ =	swait.ge [sflag:s2], $0x400  }
0x31c: {  	[sflag:s2] =	ssyncset.done $0x0  }
0x31d: {  	[sflag:s2] =	ssyncadd.s32 $0xFFFFFC00  }
0x31e: {  	_ =	swait.ge [sflag:s2], $0x400  }
0x31f: {  	[sflag:s2] =	ssyncset.done $0x0  }
0x320: {  	[sflag:s2] =	ssyncadd.s32 $0xFFFFFC00  }
0x321: {  	_ =	swait.ge [sflag:s2], $0x400  }
0x322: {  	[sflag:s2] =	ssyncset.done $0x0  }
0x323: {  	[sflag:s2] =	ssyncadd.s32 $0xFFFFFC00  }
0x324: {  	_ =	sfence.sel $0x180000  }
0x325: {  	[bflag:$0x0] =	sbarrier.arrive $0xFFFF  }
0x326: {  	p0 =	sne.s32 s0, $0x0;
	_ =	strace $0x90000047  }
0x327: {  	s0 =	sadd.s32 @!p0 $0x100000, s1;
	[bflag:$0x2] =	sbarrier.arrive $0xFFFF  }
0x328: {  	[sflag:s0] =	ssyncadd.tile.s32 @!p0 $0x1;
	_ =	shalt  }
.Lfunc_end2:
_tile_overlayer_lowered:
.L_overlay_start_2:
0x329: {  	(tag) =	ssettag $0x2  }
0x32a: {  	s0 =	rddreg [dreg:$0x0];
	s2 =	stileid.u32  }
0x32b: {  	s1 =	rddreg [dreg:$0x1];
	p0 =	sne.s32 s2, $0x0  }
0x32c: {  	s3 =	rddreg [dreg:$0x2];
	[bflag:$0x3] =	sbarrier.arrive $0xFFFF;
	s2 =	simm.s32 @!p0 $0x1C02  }
0x32d: {  	[timem:s3], [sflag:s2] =	dma.local @!p0 [hbm:s0], s1  }
0x32e: {  	s0 =	simm.s32 @!p0 $0x2  }
0x32f: {  	_ =	swait.ge @!p0 [sflag:s0], s1  }
0x330: {  	s1 =	ssub.s32 @!p0 $0x0, s1;
	[sflag:s0] =	ssyncset.done @!p0 $0x0  }
0x331: {  	[sflag:s0] =	ssyncadd.s32 @!p0 s1  }
0x332: {  	[bflag:$0x3] =	sbarrier.arrive $0xFFFF  }
0x333: {  	_ =	shalt  }

</sc_bundles>
